<compile_context>
chip_gen: v7x
topology: tpu7x:2x2x1
jax: 0.10.2.dev20260603
libtpu: 0.0.44.dev20260713+nightly
codegen_flags: <defaults>
</compile_context>

<pallas_src>
import functools

import jax
import jax.numpy as jnp
from jax import lax
from jax.experimental import pallas as pl
from jax.experimental.pallas import tpu as pltpu
from jax.experimental.pallas import tpu_sc as plsc

N_NODES = 10000
N_EDGES = 320000
D = 128

NC = 2
NS = 16
NW = NC * NS

CH = 128
CPW = 80
NCH = NW * CPW
EPAD = NCH * CH

NP = 10240
RPT = NP // NS
DW = 16

_mesh = plsc.VectorSubcoreMesh(core_axis_name="c", subcore_axis_name="s")


def _zero_rows(ref, nrows, width):
    groups = width // 16

    def body(i, carry):
        for j in range(groups):
            ref[i, pl.ds(j * 16, 16)] = jnp.zeros((16,), jnp.float32)
        return carry

    lax.fori_loop(0, nrows, body, 0)


def _fill_1d(ref, n, value):

    def body(i, carry):
        ref[pl.ds(i * 16, 16)] = jnp.full((16,), value, jnp.float32)
        return carry

    lax.fori_loop(0, n // 16, body, 0)


@functools.partial(
    pl.kernel,
    out_type=jax.ShapeDtypeStruct((NC, 2, NP), jnp.float32),
    mesh=_mesh,
    scratch_types=[
        pltpu.VMEM((CPW, CH), jnp.int32),
        pltpu.VMEM((CPW, CH), jnp.int32),
        pltpu.VMEM((CH,), jnp.float32),
        pltpu.VMEM((RPT,), jnp.float32),
        pltpu.SemaphoreType.DMA,
        pltpu.SemaphoreType.DMA,
        pltpu.VMEM_SHARED((NP,), jnp.float32),
        pltpu.VMEM_SHARED((NP,), jnp.float32),
    ],
)
def _sc_degrees(src_hbm, dst_hbm, out_hbm, sidx, didx, ones_v, zb, sa, sb,
                acc_s, acc_d):
    c = lax.axis_index("c")
    s = lax.axis_index("s")
    wid = c * NS + s

    _fill_1d(zb, RPT, 0.0)
    _fill_1d(ones_v, CH, 1.0)

    pltpu.sync_copy(zb, acc_s.at[pl.ds(s * RPT, RPT)])
    pltpu.sync_copy(zb, acc_d.at[pl.ds(s * RPT, RPT)])
    plsc.subcore_barrier()

    base = wid * CPW
    pltpu.sync_copy(src_hbm.at[pl.ds(base, CPW)], sidx)
    pltpu.sync_copy(dst_hbm.at[pl.ds(base, CPW)], didx)

    pltpu.async_copy(ones_v, acc_s.at[sidx.at[0]], sa, add=True)
    pltpu.async_copy(ones_v, acc_d.at[didx.at[0]], sb, add=True)

    def body(k, carry):
        pltpu.async_copy(ones_v, acc_s.at[sidx.at[k]], sa, add=True)
        pltpu.async_copy(ones_v, acc_d.at[didx.at[k]], sb, add=True)
        pltpu.make_async_copy(ones_v, acc_s.at[sidx.at[0]], sa).wait()
        pltpu.make_async_copy(ones_v, acc_d.at[didx.at[0]], sb).wait()
        return carry

    lax.fori_loop(1, CPW, body, 0)
    pltpu.make_async_copy(ones_v, acc_s.at[sidx.at[0]], sa).wait()
    pltpu.make_async_copy(ones_v, acc_d.at[didx.at[0]], sb).wait()
    plsc.subcore_barrier()

    pltpu.sync_copy(acc_s.at[pl.ds(s * RPT, RPT)], out_hbm.at[c, 0, pl.ds(s * RPT, RPT)])
    pltpu.sync_copy(acc_d.at[pl.ds(s * RPT, RPT)], out_hbm.at[c, 1, pl.ds(s * RPT, RPT)])


GC = 16
NG = CPW // GC


@functools.partial(
    pl.kernel,
    out_type=jax.ShapeDtypeStruct((NC, NP, D), jnp.float32),
    mesh=_mesh,
    scratch_types=[
        pltpu.VMEM((GC, CH), jnp.int32),
        pltpu.VMEM((GC, CH), jnp.int32),
        pltpu.VMEM((CH, D), jnp.float32),
        pltpu.VMEM((CH, D), jnp.float32),
        pltpu.SemaphoreType.DMA,
        pltpu.SemaphoreType.DMA,
        pltpu.VMEM_SHARED((NP, D), jnp.float32),
    ],
)
def _sc_msgpass(h_hbm, src_hbm, dst_hbm, out_hbm, sidx, didx, rows0, rows1,
                sem0, sem1, acc):
    c = lax.axis_index("c")
    s = lax.axis_index("s")
    wid = c * NS + s

    _zero_rows(rows0, CH, D)

    for t in range(RPT // CH):
        pltpu.sync_copy(rows0, acc.at[pl.ds(s * RPT + t * CH, CH)])
    plsc.subcore_barrier()

    base = wid * CPW

    def group(g, carry):
        pltpu.sync_copy(src_hbm.at[pl.ds(base + g * GC, GC)], sidx)
        pltpu.sync_copy(dst_hbm.at[pl.ds(base + g * GC, GC)], didx)
        pltpu.async_copy(h_hbm.at[sidx.at[0]], rows0, sem0)

        def body(j, carry2):
            k = 2 * j
            pltpu.make_async_copy(h_hbm.at[sidx.at[k]], rows0, sem0).wait()
            pltpu.async_copy(h_hbm.at[sidx.at[k + 1]], rows1, sem1)
            pltpu.sync_copy(rows0, acc.at[didx.at[k]], add=True)
            pltpu.make_async_copy(h_hbm.at[sidx.at[k + 1]], rows1, sem1).wait()
            pltpu.async_copy(h_hbm.at[sidx.at[k + 2]], rows0, sem0)
            pltpu.sync_copy(rows1, acc.at[didx.at[k + 1]], add=True)
            return carry2

        lax.fori_loop(0, GC // 2 - 1, body, 0)
        kl = GC - 2
        pltpu.make_async_copy(h_hbm.at[sidx.at[kl]], rows0, sem0).wait()
        pltpu.async_copy(h_hbm.at[sidx.at[kl + 1]], rows1, sem1)
        pltpu.sync_copy(rows0, acc.at[didx.at[kl]], add=True)
        pltpu.make_async_copy(h_hbm.at[sidx.at[kl + 1]], rows1, sem1).wait()
        pltpu.sync_copy(rows1, acc.at[didx.at[kl + 1]], add=True)
        return carry

    lax.fori_loop(0, NG, group, 0)
    plsc.subcore_barrier()

    for t in range(RPT // CH):
        r = s * RPT + t * CH
        pltpu.sync_copy(acc.at[pl.ds(r, CH)], out_hbm.at[c, pl.ds(r, CH)])


def _tc_mm_body(x_ref, w_ref, u_ref):
    u_ref[...] = jnp.dot(x_ref[...], w_ref[...], preferred_element_type=jnp.float32)


def _tc_scale_body(u_ref, dsp_ref, ddp_ref, h1_ref, ns_ref, nd_ref):
    ds = (dsp_ref[0] + dsp_ref[1])[:N_NODES]
    dd = (ddp_ref[0] + ddp_ref[1])[:N_NODES]
    ns = lax.rsqrt(jnp.maximum(ds, 1.0))
    nd = lax.rsqrt(jnp.maximum(dd, 1.0))
    h1_ref[...] = u_ref[...] * ns
    ns_ref[...] = ns
    nd_ref[...] = nd


def _tc_mid_body(p_ref, ns_ref, nd_ref, b1_ref, w2_ref, h2_ref):
    agg = p_ref[0, :N_NODES, :] + p_ref[1, :N_NODES, :]
    h = jnp.maximum(agg * nd_ref[...] + b1_ref[...][None, :], 0.0)
    h2_ref[...] = jnp.dot(h, w2_ref[...], preferred_element_type=jnp.float32) * ns_ref[...]


def _tc_post_body(p_ref, nd_ref, b2_ref, out_ref):
    agg = p_ref[0, :N_NODES, :] + p_ref[1, :N_NODES, :]
    out_ref[...] = agg * nd_ref[...] + b2_ref[...][None, :]


def kernel(in_feat, edge_index, W1, b1, W2, b2):
    src = edge_index[0]
    dst = edge_index[1]
    npad = EPAD - N_EDGES
    ar = jnp.arange(npad, dtype=jnp.int32)
    pad_g = (ar * 97) % N_NODES
    pad_d = N_NODES + (ar % (NP - N_NODES))
    src_g = jnp.concatenate([src, pad_g]).reshape(NCH, CH)
    src_d = jnp.concatenate([src, pad_d]).reshape(NCH, CH)
    dst_d = jnp.concatenate([dst, pad_d]).reshape(NCH, CH)

    u1 = pl.pallas_call(
        _tc_mm_body,
        out_shape=jax.ShapeDtypeStruct((N_NODES, D), jnp.float32),
    )(in_feat, W1)

    degs = _sc_degrees(src_d, dst_d)
    dsp = degs[:, 0, :, None]
    ddp = degs[:, 1, :, None]

    h1, ns, nd = pl.pallas_call(
        _tc_scale_body,
        out_shape=[
            jax.ShapeDtypeStruct((N_NODES, D), jnp.float32),
            jax.ShapeDtypeStruct((N_NODES, 1), jnp.float32),
            jax.ShapeDtypeStruct((N_NODES, 1), jnp.float32),
        ],
    )(u1, dsp, ddp)

    p1 = _sc_msgpass(h1, src_g, dst_d)

    h2 = pl.pallas_call(
        _tc_mid_body,
        out_shape=jax.ShapeDtypeStruct((N_NODES, D), jnp.float32),
    )(p1, ns, nd, b1, W2)

    p2 = _sc_msgpass(h2, src_g, dst_d)

    out = pl.pallas_call(
        _tc_post_body,
        out_shape=jax.ShapeDtypeStruct((N_NODES, D), jnp.float32),
    )(p2, nd, b2)
    return out

# --- scband reference (transcript-rebuilt; emitter-appended) ---
"""Pipeline reference for scband-gcn-77584289235636 (READ-ONLY COPY).

The authoritative reference and input builder live on the scoring server;
editing this copy changes nothing except your own understanding.
"""

import jax, jax.numpy as jnp
import numpy as np

N = 10000
E = 320000
D_IN = 128
D_HID = 128
D_OUT = 128


def setup_inputs(seed: int = 0) -> dict:
    key = jax.random.key(seed)
    k1, k2, k3, k4, k5, k6 = jax.random.split(key, 6)
    in_feat = jax.random.normal(k1, (N, D_IN), dtype=jnp.float32)
    edge_index = jax.random.randint(k2, (2, E), 0, N, dtype=jnp.int32)
    # GraphConv params (glorot-style init)
    W1 = jax.random.normal(k3, (D_IN, D_HID), dtype=jnp.float32) * (1.0 / np.sqrt(D_IN))
    b1 = jnp.zeros((D_HID,), dtype=jnp.float32)
    W2 = jax.random.normal(k4, (D_HID, D_OUT), dtype=jnp.float32) * (1.0 / np.sqrt(D_HID))
    b2 = jnp.zeros((D_OUT,), dtype=jnp.float32)
    return {"in_feat": in_feat, "edge_index": edge_index, "W1": W1, "b1": b1, "W2": W2, "b2": b2}


def _graph_conv(x, W, b, src, dst, n_nodes):
    # DGL GraphConv with norm='both': h' = D_dst^{-1/2} A D_src^{-1/2} x W + b
    ones = jnp.ones((src.shape[0],), dtype=jnp.float32)
    deg_out = jax.ops.segment_sum(ones, src, num_segments=n_nodes)
    deg_in = jax.ops.segment_sum(ones, dst, num_segments=n_nodes)
    norm_src = jax.lax.rsqrt(jnp.maximum(deg_out, 1.0))
    norm_dst = jax.lax.rsqrt(jnp.maximum(deg_in, 1.0))
    h = x * norm_src[:, None]
    h = h @ W
    msg = jnp.take(h, src, axis=0)
    agg = jax.ops.segment_sum(msg, dst, num_segments=n_nodes)
    return agg * norm_dst[:, None] + b


def reference(in_feat, edge_index, W1, b1, W2, b2):
    src = edge_index[0]
    dst = edge_index[1]
    h = _graph_conv(in_feat, W1, b1, src, dst, N)
    h = jax.nn.relu(h)
    h = _graph_conv(h, W2, b2, src, dst, N)
    return h

if __name__ == "__main__":
    import jax
    _d = setup_inputs()
    print(jax.jit(kernel)(*tuple(_d.values())))

</pallas_src>

<mosaic_0001>
#map = affine_map<(d0, d1) -> (0, 0)>
#map1 = affine_map<(d0, d1) -> (0, 0, 0)>
module attributes {stable_mosaic.version = 14 : i64} {
  func.func @_sc_degrees(%arg0: i32, %arg1: i32, %arg2: memref<2560x128xi32, #tpu.memory_space<hbm>>, %arg3: memref<2560x128xi32, #tpu.memory_space<hbm>>, %arg4: memref<2x2x10240xf32, #tpu.memory_space<hbm>>, %arg5: memref<80x128xi32, #tpu.memory_space<vmem>>, %arg6: memref<80x128xi32, #tpu.memory_space<vmem>>, %arg7: memref<128xf32, #tpu.memory_space<vmem>>, %arg8: memref<640xf32, #tpu.memory_space<vmem>>, %arg9: memref<!tpu.dma_semaphore, #tpu.memory_space<semaphore_mem>>, %arg10: memref<!tpu.dma_semaphore, #tpu.memory_space<semaphore_mem>>, %arg11: memref<10240xf32, #tpu.memory_space<vmem_shared>>, %arg12: memref<10240xf32, #tpu.memory_space<vmem_shared>>) attributes {dimension_semantics = [#tpu.dimension_semantics<core_parallel>, #tpu.dimension_semantics<subcore_parallel>], iteration_bounds = array<i64: 2, 16>, scalar_prefetch = 0 : i64, scratch_operands = 8 : i64, tpu.core_type = #tpu.core_type<sc_vector_subcore>, window_params = [{transform_indices = #map}, {transform_indices = #map}, {transform_indices = #map1}]} {
    %mul3A = arith.constant 16 : i32
    %mul3A_0 = arith.muli %arg0, %mul3A : i32
    %add3A = arith.addi %mul3A_0, %arg1 : i32
    %scan3A = arith.constant 0 : i32
    %scan3A_1 = arith.constant 0 : i32
    %scan3A_2 = arith.constant 40 : i32
    %scan3A_3 = arith.addi %scan3A_1, %scan3A_2 : i32
    %scan3A_4 = arith.constant 1 : i32
    scf.for %scan3A_56 = %scan3A_1 to %scan3A_3 step %scan3A_4  : i32 {
      %broadcast_in_dim3A = arith.constant 0.000000e+00 : f32
      %broadcast_in_dim3A_57 = vector.broadcast %broadcast_in_dim3A : f32 to vector<16xf32>
      %mul3A_58 = arith.constant 16 : i32
      %mul3A_59 = arith.muli %scan3A_56, %mul3A_58 : i32
      %swap3A = arith.index_cast %mul3A_59 : i32 to index
      %swap3A_60 = tpu.vector_load %arg8[%swap3A] {strides = array<i32>} : memref<640xf32, #tpu.memory_space<vmem>>, vector<16xf32>,
      %swap3A_61 = vector.shape_cast %swap3A_60 : vector<16xf32> to vector<16xf32>
      %swap3A_62 = vector.shape_cast %broadcast_in_dim3A_57 : vector<16xf32> to vector<16xf32>
      tpu.vector_store %arg8[%swap3A], %swap3A_62 {strides = array<i32>} : memref<640xf32, #tpu.memory_space<vmem>>, vector<16xf32>,
    }
    %scan3A_5 = arith.constant 40 : i32
    %scan3A_6 = arith.constant 0 : i32
    %scan3A_7 = arith.constant 0 : i32
    %scan3A_8 = arith.constant 8 : i32
    %scan3A_9 = arith.addi %scan3A_7, %scan3A_8 : i32
    %scan3A_10 = arith.constant 1 : i32
    scf.for %scan3A_56 = %scan3A_7 to %scan3A_9 step %scan3A_10  : i32 {
      %broadcast_in_dim3A = arith.constant 1.000000e+00 : f32
      %broadcast_in_dim3A_57 = vector.broadcast %broadcast_in_dim3A : f32 to vector<16xf32>
      %mul3A_58 = arith.constant 16 : i32
      %mul3A_59 = arith.muli %scan3A_56, %mul3A_58 : i32
      %swap3A = arith.index_cast %mul3A_59 : i32 to index
      %swap3A_60 = tpu.vector_load %arg7[%swap3A] {strides = array<i32>} : memref<128xf32, #tpu.memory_space<vmem>>, vector<16xf32>,
      %swap3A_61 = vector.shape_cast %swap3A_60 : vector<16xf32> to vector<16xf32>
      %swap3A_62 = vector.shape_cast %broadcast_in_dim3A_57 : vector<16xf32> to vector<16xf32>
      tpu.vector_store %arg7[%swap3A], %swap3A_62 {strides = array<i32>} : memref<128xf32, #tpu.memory_space<vmem>>, vector<16xf32>,
    }
    %scan3A_11 = arith.constant 8 : i32
    %mul3A_12 = arith.constant 640 : i32
    %mul3A_13 = arith.muli %arg1, %mul3A_12 : i32
    "tpu.region"() ({
      %run_scoped3A_56 = tpu.sem_alloc : memref<!tpu.dma_semaphore, #tpu.memory_space<semaphore_mem>>
      %dma_start3A_57 = tpu.memref_slice %arg11[%mul3A_13] : memref<10240xf32, #tpu.memory_space<vmem_shared>> -> memref<640xf32, #tpu.memory_space<vmem_shared>>
      %dma_start3A_58 = tpu.memref_slice %arg11[%mul3A_13] : memref<10240xf32, #tpu.memory_space<vmem_shared>> -> memref<640xf32, #tpu.memory_space<vmem_shared>>
      tpu.enqueue_dma source(%arg8 : memref<640xf32, #tpu.memory_space<vmem>>) target(%dma_start3A_58 : memref<640xf32, #tpu.memory_space<vmem_shared>>) target_semaphore(%run_scoped3A_56 : memref<!tpu.dma_semaphore, #tpu.memory_space<semaphore_mem>>)
      %dma_wait3A_59 = tpu.memref_slice %arg11[%mul3A_13] : memref<10240xf32, #tpu.memory_space<vmem_shared>> -> memref<640xf32, #tpu.memory_space<vmem_shared>>
      %dma_wait3A_60 = tpu.memref_slice %arg11[%mul3A_13] : memref<10240xf32, #tpu.memory_space<vmem_shared>> -> memref<640xf32, #tpu.memory_space<vmem_shared>>
      tpu.wait_dma2 semaphore(%run_scoped3A_56 : memref<!tpu.dma_semaphore, #tpu.memory_space<semaphore_mem>>) src(%arg8 : memref<640xf32, #tpu.memory_space<vmem>>) dst(%dma_wait3A_60 : memref<640xf32, #tpu.memory_space<vmem_shared>>)
      tpu.yield
    }) : () -> ()
    %mul3A_14 = arith.constant 640 : i32
    %mul3A_15 = arith.muli %arg1, %mul3A_14 : i32
    "tpu.region"() ({
      %run_scoped3A_56 = tpu.sem_alloc : memref<!tpu.dma_semaphore, #tpu.memory_space<semaphore_mem>>
      %dma_start3A_57 = tpu.memref_slice %arg12[%mul3A_15] : memref<10240xf32, #tpu.memory_space<vmem_shared>> -> memref<640xf32, #tpu.memory_space<vmem_shared>>
      %dma_start3A_58 = tpu.memref_slice %arg12[%mul3A_15] : memref<10240xf32, #tpu.memory_space<vmem_shared>> -> memref<640xf32, #tpu.memory_space<vmem_shared>>
      tpu.enqueue_dma source(%arg8 : memref<640xf32, #tpu.memory_space<vmem>>) target(%dma_start3A_58 : memref<640xf32, #tpu.memory_space<vmem_shared>>) target_semaphore(%run_scoped3A_56 : memref<!tpu.dma_semaphore, #tpu.memory_space<semaphore_mem>>)
      %dma_wait3A_59 = tpu.memref_slice %arg12[%mul3A_15] : memref<10240xf32, #tpu.memory_space<vmem_shared>> -> memref<640xf32, #tpu.memory_space<vmem_shared>>
      %dma_wait3A_60 = tpu.memref_slice %arg12[%mul3A_15] : memref<10240xf32, #tpu.memory_space<vmem_shared>> -> memref<640xf32, #tpu.memory_space<vmem_shared>>
      tpu.wait_dma2 semaphore(%run_scoped3A_56 : memref<!tpu.dma_semaphore, #tpu.memory_space<semaphore_mem>>) src(%arg8 : memref<640xf32, #tpu.memory_space<vmem>>) dst(%dma_wait3A_60 : memref<640xf32, #tpu.memory_space<vmem_shared>>)
      tpu.yield
    }) : () -> ()
    %barrier3A = arith.constant 0 : index
    tpu.barrier barrier_id(%barrier3A)
    %mul3A_16 = arith.constant 80 : i32
    %mul3A_17 = arith.muli %add3A, %mul3A_16 : i32
    "tpu.region"() ({
      %run_scoped3A_56 = tpu.sem_alloc : memref<!tpu.dma_semaphore, #tpu.memory_space<semaphore_mem>>
      %dma_start3A_57 = arith.constant 0 : i32
      %dma_start3A_58 = tpu.memref_slice %arg2[%mul3A_17, %dma_start3A_57] : memref<2560x128xi32, #tpu.memory_space<hbm>> -> memref<80x128xi32, #tpu.memory_space<hbm>>
      %dma_start3A_59 = arith.constant 0 : i32
      %dma_start3A_60 = tpu.memref_slice %arg2[%mul3A_17, %dma_start3A_59] : memref<2560x128xi32, #tpu.memory_space<hbm>> -> memref<80x128xi32, #tpu.memory_space<hbm>>
      tpu.enqueue_dma source(%dma_start3A_60 : memref<80x128xi32, #tpu.memory_space<hbm>>) target(%arg5 : memref<80x128xi32, #tpu.memory_space<vmem>>) target_semaphore(%run_scoped3A_56 : memref<!tpu.dma_semaphore, #tpu.memory_space<semaphore_mem>>)
      %dma_wait3A_61 = arith.constant 0 : i32
      %dma_wait3A_62 = tpu.memref_slice %arg2[%mul3A_17, %dma_wait3A_61] : memref<2560x128xi32, #tpu.memory_space<hbm>> -> memref<80x128xi32, #tpu.memory_space<hbm>>
      %dma_wait3A_63 = arith.constant 0 : i32
      %dma_wait3A_64 = tpu.memref_slice %arg2[%mul3A_17, %dma_wait3A_63] : memref<2560x128xi32, #tpu.memory_space<hbm>> -> memref<80x128xi32, #tpu.memory_space<hbm>>
      tpu.wait_dma2 semaphore(%run_scoped3A_56 : memref<!tpu.dma_semaphore, #tpu.memory_space<semaphore_mem>>) src(%dma_wait3A_64 : memref<80x128xi32, #tpu.memory_space<hbm>>) dst(%arg5 : memref<80x128xi32, #tpu.memory_space<vmem>>)
      tpu.yield
    }) : () -> ()
    "tpu.region"() ({
      %run_scoped3A_56 = tpu.sem_alloc : memref<!tpu.dma_semaphore, #tpu.memory_space<semaphore_mem>>
      %dma_start3A_57 = arith.constant 0 : i32
      %dma_start3A_58 = tpu.memref_slice %arg3[%mul3A_17, %dma_start3A_57] : memref<2560x128xi32, #tpu.memory_space<hbm>> -> memref<80x128xi32, #tpu.memory_space<hbm>>
      %dma_start3A_59 = arith.constant 0 : i32
      %dma_start3A_60 = tpu.memref_slice %arg3[%mul3A_17, %dma_start3A_59] : memref<2560x128xi32, #tpu.memory_space<hbm>> -> memref<80x128xi32, #tpu.memory_space<hbm>>
      tpu.enqueue_dma source(%dma_start3A_60 : memref<80x128xi32, #tpu.memory_space<hbm>>) target(%arg6 : memref<80x128xi32, #tpu.memory_space<vmem>>) target_semaphore(%run_scoped3A_56 : memref<!tpu.dma_semaphore, #tpu.memory_space<semaphore_mem>>)
      %dma_wait3A_61 = arith.constant 0 : i32
      %dma_wait3A_62 = tpu.memref_slice %arg3[%mul3A_17, %dma_wait3A_61] : memref<2560x128xi32, #tpu.memory_space<hbm>> -> memref<80x128xi32, #tpu.memory_space<hbm>>
      %dma_wait3A_63 = arith.constant 0 : i32
      %dma_wait3A_64 = tpu.memref_slice %arg3[%mul3A_17, %dma_wait3A_63] : memref<2560x128xi32, #tpu.memory_space<hbm>> -> memref<80x128xi32, #tpu.memory_space<hbm>>
      tpu.wait_dma2 semaphore(%run_scoped3A_56 : memref<!tpu.dma_semaphore, #tpu.memory_space<semaphore_mem>>) src(%dma_wait3A_64 : memref<80x128xi32, #tpu.memory_space<hbm>>) dst(%arg6 : memref<80x128xi32, #tpu.memory_space<vmem>>)
      tpu.yield
    }) : () -> ()
    %dma_start3A = arith.constant 0 : i32
    %dma_start3A_18 = arith.constant 0 : i32
    %dma_start3A_19 = tpu.memref_slice %arg5[%dma_start3A, %dma_start3A_18] : memref<80x128xi32, #tpu.memory_space<vmem>> -> memref<1x128xi32, #tpu.memory_space<vmem>>
    %dma_start3A_20 = tpu.memref_squeeze %dma_start3A_19 : memref<1x128xi32, #tpu.memory_space<vmem>> -> memref<128xi32, #tpu.memory_space<vmem>>
    %dma_start3A_21 = arith.constant 0 : i32
    %dma_start3A_22 = tpu.memref_slice %arg11[%dma_start3A_21] : memref<10240xf32, #tpu.memory_space<vmem_shared>> -> memref<10240xf32, #tpu.memory_space<vmem_shared>>
    tpu.enqueue_indirect_dma source(%arg7 : memref<128xf32, #tpu.memory_space<vmem>>) target(%dma_start3A_22 : memref<10240xf32, #tpu.memory_space<vmem_shared>>) offsets(%dma_start3A_20 : memref<128xi32, #tpu.memory_space<vmem>>) semaphore(%arg9 : memref<!tpu.dma_semaphore, #tpu.memory_space<semaphore_mem>>) {add = true}
    %dma_start3A_23 = arith.constant 0 : i32
    %dma_start3A_24 = arith.constant 0 : i32
    %dma_start3A_25 = tpu.memref_slice %arg6[%dma_start3A_23, %dma_start3A_24] : memref<80x128xi32, #tpu.memory_space<vmem>> -> memref<1x128xi32, #tpu.memory_space<vmem>>
    %dma_start3A_26 = tpu.memref_squeeze %dma_start3A_25 : memref<1x128xi32, #tpu.memory_space<vmem>> -> memref<128xi32, #tpu.memory_space<vmem>>
    %dma_start3A_27 = arith.constant 0 : i32
    %dma_start3A_28 = tpu.memref_slice %arg12[%dma_start3A_27] : memref<10240xf32, #tpu.memory_space<vmem_shared>> -> memref<10240xf32, #tpu.memory_space<vmem_shared>>
    tpu.enqueue_indirect_dma source(%arg7 : memref<128xf32, #tpu.memory_space<vmem>>) target(%dma_start3A_28 : memref<10240xf32, #tpu.memory_space<vmem_shared>>) offsets(%dma_start3A_26 : memref<128xi32, #tpu.memory_space<vmem>>) semaphore(%arg10 : memref<!tpu.dma_semaphore, #tpu.memory_space<semaphore_mem>>) {add = true}
    %scan3A_29 = arith.constant 0 : i32
    %scan3A_30 = arith.constant 1 : i32
    %scan3A_31 = arith.constant 79 : i32
    %scan3A_32 = arith.addi %scan3A_30, %scan3A_31 : i32
    %scan3A_33 = arith.constant 1 : i32
    scf.for %scan3A_56 = %scan3A_30 to %scan3A_32 step %scan3A_33  : i32 {
      %dma_start3A_57 = arith.constant 0 : i32
      %dma_start3A_58 = tpu.memref_slice %arg5[%scan3A_56, %dma_start3A_57] : memref<80x128xi32, #tpu.memory_space<vmem>> -> memref<1x128xi32, #tpu.memory_space<vmem>>
      %dma_start3A_59 = tpu.memref_squeeze %dma_start3A_58 : memref<1x128xi32, #tpu.memory_space<vmem>> -> memref<128xi32, #tpu.memory_space<vmem>>
      %dma_start3A_60 = arith.constant 0 : i32
      %dma_start3A_61 = tpu.memref_slice %arg11[%dma_start3A_60] : memref<10240xf32, #tpu.memory_space<vmem_shared>> -> memref<10240xf32, #tpu.memory_space<vmem_shared>>
      tpu.enqueue_indirect_dma source(%arg7 : memref<128xf32, #tpu.memory_space<vmem>>) target(%dma_start3A_61 : memref<10240xf32, #tpu.memory_space<vmem_shared>>) offsets(%dma_start3A_59 : memref<128xi32, #tpu.memory_space<vmem>>) semaphore(%arg9 : memref<!tpu.dma_semaphore, #tpu.memory_space<semaphore_mem>>) {add = true}
      %dma_start3A_62 = arith.constant 0 : i32
      %dma_start3A_63 = tpu.memref_slice %arg6[%scan3A_56, %dma_start3A_62] : memref<80x128xi32, #tpu.memory_space<vmem>> -> memref<1x128xi32, #tpu.memory_space<vmem>>
      %dma_start3A_64 = tpu.memref_squeeze %dma_start3A_63 : memref<1x128xi32, #tpu.memory_space<vmem>> -> memref<128xi32, #tpu.memory_space<vmem>>
      %dma_start3A_65 = arith.constant 0 : i32
      %dma_start3A_66 = tpu.memref_slice %arg12[%dma_start3A_65] : memref<10240xf32, #tpu.memory_space<vmem_shared>> -> memref<10240xf32, #tpu.memory_space<vmem_shared>>
      tpu.enqueue_indirect_dma source(%arg7 : memref<128xf32, #tpu.memory_space<vmem>>) target(%dma_start3A_66 : memref<10240xf32, #tpu.memory_space<vmem_shared>>) offsets(%dma_start3A_64 : memref<128xi32, #tpu.memory_space<vmem>>) semaphore(%arg10 : memref<!tpu.dma_semaphore, #tpu.memory_space<semaphore_mem>>) {add = true}
      %dma_wait3A_67 = arith.constant 0 : i32
      %dma_wait3A_68 = arith.constant 0 : i32
      %dma_wait3A_69 = tpu.memref_slice %arg5[%dma_wait3A_67, %dma_wait3A_68] : memref<80x128xi32, #tpu.memory_space<vmem>> -> memref<1x128xi32, #tpu.memory_space<vmem>>
      %dma_wait3A_70 = tpu.memref_squeeze %dma_wait3A_69 : memref<1x128xi32, #tpu.memory_space<vmem>> -> memref<128xi32, #tpu.memory_space<vmem>>
      %dma_wait3A_71 = arith.constant 0 : i32
      %dma_wait3A_72 = tpu.memref_slice %arg11[%dma_wait3A_71] : memref<10240xf32, #tpu.memory_space<vmem_shared>> -> memref<10240xf32, #tpu.memory_space<vmem_shared>>
      tpu.wait_indirect_dma semaphore(%arg9 : memref<!tpu.dma_semaphore, #tpu.memory_space<semaphore_mem>>) src(%arg7 : memref<128xf32, #tpu.memory_space<vmem>>) dst(%dma_wait3A_72 : memref<10240xf32, #tpu.memory_space<vmem_shared>>)
      %dma_wait3A_73 = arith.constant 0 : i32
      %dma_wait3A_74 = arith.constant 0 : i32
      %dma_wait3A_75 = tpu.memref_slice %arg6[%dma_wait3A_73, %dma_wait3A_74] : memref<80x128xi32, #tpu.memory_space<vmem>> -> memref<1x128xi32, #tpu.memory_space<vmem>>
      %dma_wait3A_76 = tpu.memref_squeeze %dma_wait3A_75 : memref<1x128xi32, #tpu.memory_space<vmem>> -> memref<128xi32, #tpu.memory_space<vmem>>
      %dma_wait3A_77 = arith.constant 0 : i32
      %dma_wait3A_78 = tpu.memref_slice %arg12[%dma_wait3A_77] : memref<10240xf32, #tpu.memory_space<vmem_shared>> -> memref<10240xf32, #tpu.memory_space<vmem_shared>>
      tpu.wait_indirect_dma semaphore(%arg10 : memref<!tpu.dma_semaphore, #tpu.memory_space<semaphore_mem>>) src(%arg7 : memref<128xf32, #tpu.memory_space<vmem>>) dst(%dma_wait3A_78 : memref<10240xf32, #tpu.memory_space<vmem_shared>>)
    }
    %scan3A_34 = arith.constant 79 : i32
    %dma_wait3A = arith.constant 0 : i32
    %dma_wait3A_35 = arith.constant 0 : i32
    %dma_wait3A_36 = tpu.memref_slice %arg5[%dma_wait3A, %dma_wait3A_35] : memref<80x128xi32, #tpu.memory_space<vmem>> -> memref<1x128xi32, #tpu.memory_space<vmem>>
    %dma_wait3A_37 = tpu.memref_squeeze %dma_wait3A_36 : memref<1x128xi32, #tpu.memory_space<vmem>> -> memref<128xi32, #tpu.memory_space<vmem>>
    %dma_wait3A_38 = arith.constant 0 : i32
    %dma_wait3A_39 = tpu.memref_slice %arg11[%dma_wait3A_38] : memref<10240xf32, #tpu.memory_space<vmem_shared>> -> memref<10240xf32, #tpu.memory_space<vmem_shared>>
    tpu.wait_indirect_dma semaphore(%arg9 : memref<!tpu.dma_semaphore, #tpu.memory_space<semaphore_mem>>) src(%arg7 : memref<128xf32, #tpu.memory_space<vmem>>) dst(%dma_wait3A_39 : memref<10240xf32, #tpu.memory_space<vmem_shared>>)
    %dma_wait3A_40 = arith.constant 0 : i32
    %dma_wait3A_41 = arith.constant 0 : i32
    %dma_wait3A_42 = tpu.memref_slice %arg6[%dma_wait3A_40, %dma_wait3A_41] : memref<80x128xi32, #tpu.memory_space<vmem>> -> memref<1x128xi32, #tpu.memory_space<vmem>>
    %dma_wait3A_43 = tpu.memref_squeeze %dma_wait3A_42 : memref<1x128xi32, #tpu.memory_space<vmem>> -> memref<128xi32, #tpu.memory_space<vmem>>
    %dma_wait3A_44 = arith.constant 0 : i32
    %dma_wait3A_45 = tpu.memref_slice %arg12[%dma_wait3A_44] : memref<10240xf32, #tpu.memory_space<vmem_shared>> -> memref<10240xf32, #tpu.memory_space<vmem_shared>>
    tpu.wait_indirect_dma semaphore(%arg10 : memref<!tpu.dma_semaphore, #tpu.memory_space<semaphore_mem>>) src(%arg7 : memref<128xf32, #tpu.memory_space<vmem>>) dst(%dma_wait3A_45 : memref<10240xf32, #tpu.memory_space<vmem_shared>>)
    %barrier3A_46 = arith.constant 0 : index
    tpu.barrier barrier_id(%barrier3A_46)
    %mul3A_47 = arith.constant 640 : i32
    %mul3A_48 = arith.muli %arg1, %mul3A_47 : i32
    %mul3A_49 = arith.constant 640 : i32
    %mul3A_50 = arith.muli %arg1, %mul3A_49 : i32
    %run_scoped3A = arith.constant 0 : i32
    "tpu.region"() ({
      %run_scoped3A_56 = tpu.sem_alloc : memref<!tpu.dma_semaphore, #tpu.memory_space<semaphore_mem>>
      %dma_start3A_57 = tpu.memref_slice %arg4[%arg0, %run_scoped3A, %mul3A_50] : memref<2x2x10240xf32, #tpu.memory_space<hbm>> -> memref<1x1x640xf32, #tpu.memory_space<hbm>>
      %dma_start3A_58 = tpu.memref_squeeze %dma_start3A_57 : memref<1x1x640xf32, #tpu.memory_space<hbm>> -> memref<640xf32, #tpu.memory_space<hbm>>
      %dma_start3A_59 = tpu.memref_slice %arg11[%mul3A_48] : memref<10240xf32, #tpu.memory_space<vmem_shared>> -> memref<640xf32, #tpu.memory_space<vmem_shared>>
      tpu.enqueue_dma source(%dma_start3A_59 : memref<640xf32, #tpu.memory_space<vmem_shared>>) target(%dma_start3A_58 : memref<640xf32, #tpu.memory_space<hbm>>) target_semaphore(%run_scoped3A_56 : memref<!tpu.dma_semaphore, #tpu.memory_space<semaphore_mem>>)
      %dma_wait3A_60 = tpu.memref_slice %arg4[%arg0, %run_scoped3A, %mul3A_50] : memref<2x2x10240xf32, #tpu.memory_space<hbm>> -> memref<1x1x640xf32, #tpu.memory_space<hbm>>
      %dma_wait3A_61 = tpu.memref_squeeze %dma_wait3A_60 : memref<1x1x640xf32, #tpu.memory_space<hbm>> -> memref<640xf32, #tpu.memory_space<hbm>>
      %dma_wait3A_62 = tpu.memref_slice %arg11[%mul3A_48] : memref<10240xf32, #tpu.memory_space<vmem_shared>> -> memref<640xf32, #tpu.memory_space<vmem_shared>>
      tpu.wait_dma2 semaphore(%run_scoped3A_56 : memref<!tpu.dma_semaphore, #tpu.memory_space<semaphore_mem>>) src(%dma_wait3A_62 : memref<640xf32, #tpu.memory_space<vmem_shared>>) dst(%dma_wait3A_61 : memref<640xf32, #tpu.memory_space<hbm>>)
      tpu.yield
    }) : () -> ()
    %mul3A_51 = arith.constant 640 : i32
    %mul3A_52 = arith.muli %arg1, %mul3A_51 : i32
    %mul3A_53 = arith.constant 640 : i32
    %mul3A_54 = arith.muli %arg1, %mul3A_53 : i32
    %run_scoped3A_55 = arith.constant 1 : i32
    "tpu.region"() ({
      %run_scoped3A_56 = tpu.sem_alloc : memref<!tpu.dma_semaphore, #tpu.memory_space<semaphore_mem>>
      %dma_start3A_57 = tpu.memref_slice %arg4[%arg0, %run_scoped3A_55, %mul3A_54] : memref<2x2x10240xf32, #tpu.memory_space<hbm>> -> memref<1x1x640xf32, #tpu.memory_space<hbm>>
      %dma_start3A_58 = tpu.memref_squeeze %dma_start3A_57 : memref<1x1x640xf32, #tpu.memory_space<hbm>> -> memref<640xf32, #tpu.memory_space<hbm>>
      %dma_start3A_59 = tpu.memref_slice %arg12[%mul3A_52] : memref<10240xf32, #tpu.memory_space<vmem_shared>> -> memref<640xf32, #tpu.memory_space<vmem_shared>>
      tpu.enqueue_dma source(%dma_start3A_59 : memref<640xf32, #tpu.memory_space<vmem_shared>>) target(%dma_start3A_58 : memref<640xf32, #tpu.memory_space<hbm>>) target_semaphore(%run_scoped3A_56 : memref<!tpu.dma_semaphore, #tpu.memory_space<semaphore_mem>>)
      %dma_wait3A_60 = tpu.memref_slice %arg4[%arg0, %run_scoped3A_55, %mul3A_54] : memref<2x2x10240xf32, #tpu.memory_space<hbm>> -> memref<1x1x640xf32, #tpu.memory_space<hbm>>
      %dma_wait3A_61 = tpu.memref_squeeze %dma_wait3A_60 : memref<1x1x640xf32, #tpu.memory_space<hbm>> -> memref<640xf32, #tpu.memory_space<hbm>>
      %dma_wait3A_62 = tpu.memref_slice %arg12[%mul3A_52] : memref<10240xf32, #tpu.memory_space<vmem_shared>> -> memref<640xf32, #tpu.memory_space<vmem_shared>>
      tpu.wait_dma2 semaphore(%run_scoped3A_56 : memref<!tpu.dma_semaphore, #tpu.memory_space<semaphore_mem>>) src(%dma_wait3A_62 : memref<640xf32, #tpu.memory_space<vmem_shared>>) dst(%dma_wait3A_61 : memref<640xf32, #tpu.memory_space<hbm>>)
      tpu.yield
    }) : () -> ()
    return
  }
}

#map = affine_map<(d0, d1) -> (0, 0)>
#map1 = affine_map<(d0, d1) -> (0, 0, 0)>
module attributes {stable_mosaic.version = 14 : i64} {
  func.func @_sc_msgpass(%arg0: i32, %arg1: i32, %arg2: memref<10000x128xf32, #tpu.memory_space<hbm>>, %arg3: memref<2560x128xi32, #tpu.memory_space<hbm>>, %arg4: memref<2560x128xi32, #tpu.memory_space<hbm>>, %arg5: memref<2x10240x128xf32, #tpu.memory_space<hbm>>, %arg6: memref<16x128xi32, #tpu.memory_space<vmem>>, %arg7: memref<16x128xi32, #tpu.memory_space<vmem>>, %arg8: memref<128x128xf32, #tpu.memory_space<vmem>>, %arg9: memref<128x128xf32, #tpu.memory_space<vmem>>, %arg10: memref<!tpu.dma_semaphore, #tpu.memory_space<semaphore_mem>>, %arg11: memref<!tpu.dma_semaphore, #tpu.memory_space<semaphore_mem>>, %arg12: memref<10240x128xf32, #tpu.memory_space<vmem_shared>>) attributes {dimension_semantics = [#tpu.dimension_semantics<core_parallel>, #tpu.dimension_semantics<subcore_parallel>], iteration_bounds = array<i64: 2, 16>, scalar_prefetch = 0 : i64, scratch_operands = 7 : i64, tpu.core_type = #tpu.core_type<sc_vector_subcore>, window_params = [{transform_indices = #map}, {transform_indices = #map}, {transform_indices = #map}, {transform_indices = #map1}]} {
    %mul3A = arith.constant 16 : i32
    %mul3A_0 = arith.muli %arg0, %mul3A : i32
    %add3A = arith.addi %mul3A_0, %arg1 : i32
    %scan3A = arith.constant 0 : i32
    %scan3A_1 = arith.constant 0 : i32
    %scan3A_2 = arith.constant 128 : i32
    %scan3A_3 = arith.addi %scan3A_1, %scan3A_2 : i32
    %scan3A_4 = arith.constant 1 : i32
    scf.for %scan3A_55 = %scan3A_1 to %scan3A_3 step %scan3A_4  : i32 {
      %broadcast_in_dim3A = arith.constant 0.000000e+00 : f32
      %broadcast_in_dim3A_56 = vector.broadcast %broadcast_in_dim3A : f32 to vector<16xf32>
      %swap3A = arith.index_cast %scan3A_55 : i32 to index
      %swap3A_57 = arith.constant 0 : index
      %swap3A_58 = tpu.vector_load %arg8[%swap3A, %swap3A_57] {strides = array<i32>} : memref<128x128xf32, #tpu.memory_space<vmem>>, vector<1x16xf32>,
      %swap3A_59 = vector.shape_cast %swap3A_58 : vector<1x16xf32> to vector<16xf32>
      %swap3A_60 = vector.shape_cast %broadcast_in_dim3A_56 : vector<16xf32> to vector<1x16xf32>
      tpu.vector_store %arg8[%swap3A, %swap3A_57], %swap3A_60 {strides = array<i32>} : memref<128x128xf32, #tpu.memory_space<vmem>>, vector<1x16xf32>,
      %broadcast_in_dim3A_61 = arith.constant 0.000000e+00 : f32
      %broadcast_in_dim3A_62 = vector.broadcast %broadcast_in_dim3A_61 : f32 to vector<16xf32>
      %swap3A_63 = arith.index_cast %scan3A_55 : i32 to index
      %swap3A_64 = arith.constant 16 : index
      %swap3A_65 = tpu.vector_load %arg8[%swap3A_63, %swap3A_64] {strides = array<i32>} : memref<128x128xf32, #tpu.memory_space<vmem>>, vector<1x16xf32>,
      %swap3A_66 = vector.shape_cast %swap3A_65 : vector<1x16xf32> to vector<16xf32>
      %swap3A_67 = vector.shape_cast %broadcast_in_dim3A_62 : vector<16xf32> to vector<1x16xf32>
      tpu.vector_store %arg8[%swap3A_63, %swap3A_64], %swap3A_67 {strides = array<i32>} : memref<128x128xf32, #tpu.memory_space<vmem>>, vector<1x16xf32>,
      %broadcast_in_dim3A_68 = arith.constant 0.000000e+00 : f32
      %broadcast_in_dim3A_69 = vector.broadcast %broadcast_in_dim3A_68 : f32 to vector<16xf32>
      %swap3A_70 = arith.index_cast %scan3A_55 : i32 to index
      %swap3A_71 = arith.constant 32 : index
      %swap3A_72 = tpu.vector_load %arg8[%swap3A_70, %swap3A_71] {strides = array<i32>} : memref<128x128xf32, #tpu.memory_space<vmem>>, vector<1x16xf32>,
      %swap3A_73 = vector.shape_cast %swap3A_72 : vector<1x16xf32> to vector<16xf32>
      %swap3A_74 = vector.shape_cast %broadcast_in_dim3A_69 : vector<16xf32> to vector<1x16xf32>
      tpu.vector_store %arg8[%swap3A_70, %swap3A_71], %swap3A_74 {strides = array<i32>} : memref<128x128xf32, #tpu.memory_space<vmem>>, vector<1x16xf32>,
      %broadcast_in_dim3A_75 = arith.constant 0.000000e+00 : f32
      %broadcast_in_dim3A_76 = vector.broadcast %broadcast_in_dim3A_75 : f32 to vector<16xf32>
      %swap3A_77 = arith.index_cast %scan3A_55 : i32 to index
      %swap3A_78 = arith.constant 48 : index
      %swap3A_79 = tpu.vector_load %arg8[%swap3A_77, %swap3A_78] {strides = array<i32>} : memref<128x128xf32, #tpu.memory_space<vmem>>, vector<1x16xf32>,
      %swap3A_80 = vector.shape_cast %swap3A_79 : vector<1x16xf32> to vector<16xf32>
      %swap3A_81 = vector.shape_cast %broadcast_in_dim3A_76 : vector<16xf32> to vector<1x16xf32>
      tpu.vector_store %arg8[%swap3A_77, %swap3A_78], %swap3A_81 {strides = array<i32>} : memref<128x128xf32, #tpu.memory_space<vmem>>, vector<1x16xf32>,
      %broadcast_in_dim3A_82 = arith.constant 0.000000e+00 : f32
      %broadcast_in_dim3A_83 = vector.broadcast %broadcast_in_dim3A_82 : f32 to vector<16xf32>
      %swap3A_84 = arith.index_cast %scan3A_55 : i32 to index
      %swap3A_85 = arith.constant 64 : index
      %swap3A_86 = tpu.vector_load %arg8[%swap3A_84, %swap3A_85] {strides = array<i32>} : memref<128x128xf32, #tpu.memory_space<vmem>>, vector<1x16xf32>,
      %swap3A_87 = vector.shape_cast %swap3A_86 : vector<1x16xf32> to vector<16xf32>
      %swap3A_88 = vector.shape_cast %broadcast_in_dim3A_83 : vector<16xf32> to vector<1x16xf32>
      tpu.vector_store %arg8[%swap3A_84, %swap3A_85], %swap3A_88 {strides = array<i32>} : memref<128x128xf32, #tpu.memory_space<vmem>>, vector<1x16xf32>,
      %broadcast_in_dim3A_89 = arith.constant 0.000000e+00 : f32
      %broadcast_in_dim3A_90 = vector.broadcast %broadcast_in_dim3A_89 : f32 to vector<16xf32>
      %swap3A_91 = arith.index_cast %scan3A_55 : i32 to index
      %swap3A_92 = arith.constant 80 : index
      %swap3A_93 = tpu.vector_load %arg8[%swap3A_91, %swap3A_92] {strides = array<i32>} : memref<128x128xf32, #tpu.memory_space<vmem>>, vector<1x16xf32>,
      %swap3A_94 = vector.shape_cast %swap3A_93 : vector<1x16xf32> to vector<16xf32>
      %swap3A_95 = vector.shape_cast %broadcast_in_dim3A_90 : vector<16xf32> to vector<1x16xf32>
      tpu.vector_store %arg8[%swap3A_91, %swap3A_92], %swap3A_95 {strides = array<i32>} : memref<128x128xf32, #tpu.memory_space<vmem>>, vector<1x16xf32>,
      %broadcast_in_dim3A_96 = arith.constant 0.000000e+00 : f32
      %broadcast_in_dim3A_97 = vector.broadcast %broadcast_in_dim3A_96 : f32 to vector<16xf32>
      %swap3A_98 = arith.index_cast %scan3A_55 : i32 to index
      %swap3A_99 = arith.constant 96 : index
      %swap3A_100 = tpu.vector_load %arg8[%swap3A_98, %swap3A_99] {strides = array<i32>} : memref<128x128xf32, #tpu.memory_space<vmem>>, vector<1x16xf32>,
      %swap3A_101 = vector.shape_cast %swap3A_100 : vector<1x16xf32> to vector<16xf32>
      %swap3A_102 = vector.shape_cast %broadcast_in_dim3A_97 : vector<16xf32> to vector<1x16xf32>
      tpu.vector_store %arg8[%swap3A_98, %swap3A_99], %swap3A_102 {strides = array<i32>} : memref<128x128xf32, #tpu.memory_space<vmem>>, vector<1x16xf32>,
      %broadcast_in_dim3A_103 = arith.constant 0.000000e+00 : f32
      %broadcast_in_dim3A_104 = vector.broadcast %broadcast_in_dim3A_103 : f32 to vector<16xf32>
      %swap3A_105 = arith.index_cast %scan3A_55 : i32 to index
      %swap3A_106 = arith.constant 112 : index
      %swap3A_107 = tpu.vector_load %arg8[%swap3A_105, %swap3A_106] {strides = array<i32>} : memref<128x128xf32, #tpu.memory_space<vmem>>, vector<1x16xf32>,
      %swap3A_108 = vector.shape_cast %swap3A_107 : vector<1x16xf32> to vector<16xf32>
      %swap3A_109 = vector.shape_cast %broadcast_in_dim3A_104 : vector<16xf32> to vector<1x16xf32>
      tpu.vector_store %arg8[%swap3A_105, %swap3A_106], %swap3A_109 {strides = array<i32>} : memref<128x128xf32, #tpu.memory_space<vmem>>, vector<1x16xf32>,
    }
    %scan3A_5 = arith.constant 128 : i32
    %mul3A_6 = arith.constant 640 : i32
    %mul3A_7 = arith.muli %arg1, %mul3A_6 : i32
    %add3A_8 = arith.constant 0 : i32
    %add3A_9 = arith.addi %mul3A_7, %add3A_8 : i32
    "tpu.region"() ({
      %run_scoped3A = tpu.sem_alloc : memref<!tpu.dma_semaphore, #tpu.memory_space<semaphore_mem>>
      %dma_start3A = arith.constant 0 : i32
      %dma_start3A_55 = tpu.memref_slice %arg12[%add3A_9, %dma_start3A] : memref<10240x128xf32, #tpu.memory_space<vmem_shared>> -> memref<128x128xf32, #tpu.memory_space<vmem_shared>>
      %dma_start3A_56 = arith.constant 0 : i32
      %dma_start3A_57 = tpu.memref_slice %arg12[%add3A_9, %dma_start3A_56] : memref<10240x128xf32, #tpu.memory_space<vmem_shared>> -> memref<128x128xf32, #tpu.memory_space<vmem_shared>>
      tpu.enqueue_dma source(%arg8 : memref<128x128xf32, #tpu.memory_space<vmem>>) target(%dma_start3A_57 : memref<128x128xf32, #tpu.memory_space<vmem_shared>>) target_semaphore(%run_scoped3A : memref<!tpu.dma_semaphore, #tpu.memory_space<semaphore_mem>>)
      %dma_wait3A = arith.constant 0 : i32
      %dma_wait3A_58 = tpu.memref_slice %arg12[%add3A_9, %dma_wait3A] : memref<10240x128xf32, #tpu.memory_space<vmem_shared>> -> memref<128x128xf32, #tpu.memory_space<vmem_shared>>
      %dma_wait3A_59 = arith.constant 0 : i32
      %dma_wait3A_60 = tpu.memref_slice %arg12[%add3A_9, %dma_wait3A_59] : memref<10240x128xf32, #tpu.memory_space<vmem_shared>> -> memref<128x128xf32, #tpu.memory_space<vmem_shared>>
      tpu.wait_dma2 semaphore(%run_scoped3A : memref<!tpu.dma_semaphore, #tpu.memory_space<semaphore_mem>>) src(%arg8 : memref<128x128xf32, #tpu.memory_space<vmem>>) dst(%dma_wait3A_60 : memref<128x128xf32, #tpu.memory_space<vmem_shared>>)
      tpu.yield
    }) : () -> ()
    %mul3A_10 = arith.constant 640 : i32
    %mul3A_11 = arith.muli %arg1, %mul3A_10 : i32
    %add3A_12 = arith.constant 128 : i32
    %add3A_13 = arith.addi %mul3A_11, %add3A_12 : i32
    "tpu.region"() ({
      %run_scoped3A = tpu.sem_alloc : memref<!tpu.dma_semaphore, #tpu.memory_space<semaphore_mem>>
      %dma_start3A = arith.constant 0 : i32
      %dma_start3A_55 = tpu.memref_slice %arg12[%add3A_13, %dma_start3A] : memref<10240x128xf32, #tpu.memory_space<vmem_shared>> -> memref<128x128xf32, #tpu.memory_space<vmem_shared>>
      %dma_start3A_56 = arith.constant 0 : i32
      %dma_start3A_57 = tpu.memref_slice %arg12[%add3A_13, %dma_start3A_56] : memref<10240x128xf32, #tpu.memory_space<vmem_shared>> -> memref<128x128xf32, #tpu.memory_space<vmem_shared>>
      tpu.enqueue_dma source(%arg8 : memref<128x128xf32, #tpu.memory_space<vmem>>) target(%dma_start3A_57 : memref<128x128xf32, #tpu.memory_space<vmem_shared>>) target_semaphore(%run_scoped3A : memref<!tpu.dma_semaphore, #tpu.memory_space<semaphore_mem>>)
      %dma_wait3A = arith.constant 0 : i32
      %dma_wait3A_58 = tpu.memref_slice %arg12[%add3A_13, %dma_wait3A] : memref<10240x128xf32, #tpu.memory_space<vmem_shared>> -> memref<128x128xf32, #tpu.memory_space<vmem_shared>>
      %dma_wait3A_59 = arith.constant 0 : i32
      %dma_wait3A_60 = tpu.memref_slice %arg12[%add3A_13, %dma_wait3A_59] : memref<10240x128xf32, #tpu.memory_space<vmem_shared>> -> memref<128x128xf32, #tpu.memory_space<vmem_shared>>
      tpu.wait_dma2 semaphore(%run_scoped3A : memref<!tpu.dma_semaphore, #tpu.memory_space<semaphore_mem>>) src(%arg8 : memref<128x128xf32, #tpu.memory_space<vmem>>) dst(%dma_wait3A_60 : memref<128x128xf32, #tpu.memory_space<vmem_shared>>)
      tpu.yield
    }) : () -> ()
    %mul3A_14 = arith.constant 640 : i32
    %mul3A_15 = arith.muli %arg1, %mul3A_14 : i32
    %add3A_16 = arith.constant 256 : i32
    %add3A_17 = arith.addi %mul3A_15, %add3A_16 : i32
    "tpu.region"() ({
      %run_scoped3A = tpu.sem_alloc : memref<!tpu.dma_semaphore, #tpu.memory_space<semaphore_mem>>
      %dma_start3A = arith.constant 0 : i32
      %dma_start3A_55 = tpu.memref_slice %arg12[%add3A_17, %dma_start3A] : memref<10240x128xf32, #tpu.memory_space<vmem_shared>> -> memref<128x128xf32, #tpu.memory_space<vmem_shared>>
      %dma_start3A_56 = arith.constant 0 : i32
      %dma_start3A_57 = tpu.memref_slice %arg12[%add3A_17, %dma_start3A_56] : memref<10240x128xf32, #tpu.memory_space<vmem_shared>> -> memref<128x128xf32, #tpu.memory_space<vmem_shared>>
      tpu.enqueue_dma source(%arg8 : memref<128x128xf32, #tpu.memory_space<vmem>>) target(%dma_start3A_57 : memref<128x128xf32, #tpu.memory_space<vmem_shared>>) target_semaphore(%run_scoped3A : memref<!tpu.dma_semaphore, #tpu.memory_space<semaphore_mem>>)
      %dma_wait3A = arith.constant 0 : i32
      %dma_wait3A_58 = tpu.memref_slice %arg12[%add3A_17, %dma_wait3A] : memref<10240x128xf32, #tpu.memory_space<vmem_shared>> -> memref<128x128xf32, #tpu.memory_space<vmem_shared>>
      %dma_wait3A_59 = arith.constant 0 : i32
      %dma_wait3A_60 = tpu.memref_slice %arg12[%add3A_17, %dma_wait3A_59] : memref<10240x128xf32, #tpu.memory_space<vmem_shared>> -> memref<128x128xf32, #tpu.memory_space<vmem_shared>>
      tpu.wait_dma2 semaphore(%run_scoped3A : memref<!tpu.dma_semaphore, #tpu.memory_space<semaphore_mem>>) src(%arg8 : memref<128x128xf32, #tpu.memory_space<vmem>>) dst(%dma_wait3A_60 : memref<128x128xf32, #tpu.memory_space<vmem_shared>>)
      tpu.yield
    }) : () -> ()
    %mul3A_18 = arith.constant 640 : i32
    %mul3A_19 = arith.muli %arg1, %mul3A_18 : i32
    %add3A_20 = arith.constant 384 : i32
    %add3A_21 = arith.addi %mul3A_19, %add3A_20 : i32
    "tpu.region"() ({
      %run_scoped3A = tpu.sem_alloc : memref<!tpu.dma_semaphore, #tpu.memory_space<semaphore_mem>>
      %dma_start3A = arith.constant 0 : i32
      %dma_start3A_55 = tpu.memref_slice %arg12[%add3A_21, %dma_start3A] : memref<10240x128xf32, #tpu.memory_space<vmem_shared>> -> memref<128x128xf32, #tpu.memory_space<vmem_shared>>
      %dma_start3A_56 = arith.constant 0 : i32
      %dma_start3A_57 = tpu.memref_slice %arg12[%add3A_21, %dma_start3A_56] : memref<10240x128xf32, #tpu.memory_space<vmem_shared>> -> memref<128x128xf32, #tpu.memory_space<vmem_shared>>
      tpu.enqueue_dma source(%arg8 : memref<128x128xf32, #tpu.memory_space<vmem>>) target(%dma_start3A_57 : memref<128x128xf32, #tpu.memory_space<vmem_shared>>) target_semaphore(%run_scoped3A : memref<!tpu.dma_semaphore, #tpu.memory_space<semaphore_mem>>)
      %dma_wait3A = arith.constant 0 : i32
      %dma_wait3A_58 = tpu.memref_slice %arg12[%add3A_21, %dma_wait3A] : memref<10240x128xf32, #tpu.memory_space<vmem_shared>> -> memref<128x128xf32, #tpu.memory_space<vmem_shared>>
      %dma_wait3A_59 = arith.constant 0 : i32
      %dma_wait3A_60 = tpu.memref_slice %arg12[%add3A_21, %dma_wait3A_59] : memref<10240x128xf32, #tpu.memory_space<vmem_shared>> -> memref<128x128xf32, #tpu.memory_space<vmem_shared>>
      tpu.wait_dma2 semaphore(%run_scoped3A : memref<!tpu.dma_semaphore, #tpu.memory_space<semaphore_mem>>) src(%arg8 : memref<128x128xf32, #tpu.memory_space<vmem>>) dst(%dma_wait3A_60 : memref<128x128xf32, #tpu.memory_space<vmem_shared>>)
      tpu.yield
    }) : () -> ()
    %mul3A_22 = arith.constant 640 : i32
    %mul3A_23 = arith.muli %arg1, %mul3A_22 : i32
    %add3A_24 = arith.constant 512 : i32
    %add3A_25 = arith.addi %mul3A_23, %add3A_24 : i32
    "tpu.region"() ({
      %run_scoped3A = tpu.sem_alloc : memref<!tpu.dma_semaphore, #tpu.memory_space<semaphore_mem>>
      %dma_start3A = arith.constant 0 : i32
      %dma_start3A_55 = tpu.memref_slice %arg12[%add3A_25, %dma_start3A] : memref<10240x128xf32, #tpu.memory_space<vmem_shared>> -> memref<128x128xf32, #tpu.memory_space<vmem_shared>>
      %dma_start3A_56 = arith.constant 0 : i32
      %dma_start3A_57 = tpu.memref_slice %arg12[%add3A_25, %dma_start3A_56] : memref<10240x128xf32, #tpu.memory_space<vmem_shared>> -> memref<128x128xf32, #tpu.memory_space<vmem_shared>>
      tpu.enqueue_dma source(%arg8 : memref<128x128xf32, #tpu.memory_space<vmem>>) target(%dma_start3A_57 : memref<128x128xf32, #tpu.memory_space<vmem_shared>>) target_semaphore(%run_scoped3A : memref<!tpu.dma_semaphore, #tpu.memory_space<semaphore_mem>>)
      %dma_wait3A = arith.constant 0 : i32
      %dma_wait3A_58 = tpu.memref_slice %arg12[%add3A_25, %dma_wait3A] : memref<10240x128xf32, #tpu.memory_space<vmem_shared>> -> memref<128x128xf32, #tpu.memory_space<vmem_shared>>
      %dma_wait3A_59 = arith.constant 0 : i32
      %dma_wait3A_60 = tpu.memref_slice %arg12[%add3A_25, %dma_wait3A_59] : memref<10240x128xf32, #tpu.memory_space<vmem_shared>> -> memref<128x128xf32, #tpu.memory_space<vmem_shared>>
      tpu.wait_dma2 semaphore(%run_scoped3A : memref<!tpu.dma_semaphore, #tpu.memory_space<semaphore_mem>>) src(%arg8 : memref<128x128xf32, #tpu.memory_space<vmem>>) dst(%dma_wait3A_60 : memref<128x128xf32, #tpu.memory_space<vmem_shared>>)
      tpu.yield
    }) : () -> ()
    %barrier3A = arith.constant 0 : index
    tpu.barrier barrier_id(%barrier3A)
    %mul3A_26 = arith.constant 80 : i32
    %mul3A_27 = arith.muli %add3A, %mul3A_26 : i32
    %scan3A_28 = arith.constant 0 : i32
    %scan3A_29 = arith.constant 0 : i32
    %scan3A_30 = arith.constant 5 : i32
    %scan3A_31 = arith.addi %scan3A_29, %scan3A_30 : i32
    %scan3A_32 = arith.constant 1 : i32
    scf.for %scan3A_55 = %scan3A_29 to %scan3A_31 step %scan3A_32  : i32 {
      %mul3A_56 = arith.constant 16 : i32
      %mul3A_57 = arith.muli %scan3A_55, %mul3A_56 : i32
      %add3A_58 = arith.addi %mul3A_27, %mul3A_57 : i32
      "tpu.region"() ({
        %run_scoped3A_95 = tpu.sem_alloc : memref<!tpu.dma_semaphore, #tpu.memory_space<semaphore_mem>>
        %dma_start3A_96 = arith.constant 0 : i32
        %dma_start3A_97 = tpu.memref_slice %arg3[%add3A_58, %dma_start3A_96] : memref<2560x128xi32, #tpu.memory_space<hbm>> -> memref<16x128xi32, #tpu.memory_space<hbm>>
        %dma_start3A_98 = arith.constant 0 : i32
        %dma_start3A_99 = tpu.memref_slice %arg3[%add3A_58, %dma_start3A_98] : memref<2560x128xi32, #tpu.memory_space<hbm>> -> memref<16x128xi32, #tpu.memory_space<hbm>>
        tpu.enqueue_dma source(%dma_start3A_99 : memref<16x128xi32, #tpu.memory_space<hbm>>) target(%arg6 : memref<16x128xi32, #tpu.memory_space<vmem>>) target_semaphore(%run_scoped3A_95 : memref<!tpu.dma_semaphore, #tpu.memory_space<semaphore_mem>>)
        %dma_wait3A_100 = arith.constant 0 : i32
        %dma_wait3A_101 = tpu.memref_slice %arg3[%add3A_58, %dma_wait3A_100] : memref<2560x128xi32, #tpu.memory_space<hbm>> -> memref<16x128xi32, #tpu.memory_space<hbm>>
        %dma_wait3A_102 = arith.constant 0 : i32
        %dma_wait3A_103 = tpu.memref_slice %arg3[%add3A_58, %dma_wait3A_102] : memref<2560x128xi32, #tpu.memory_space<hbm>> -> memref<16x128xi32, #tpu.memory_space<hbm>>
        tpu.wait_dma2 semaphore(%run_scoped3A_95 : memref<!tpu.dma_semaphore, #tpu.memory_space<semaphore_mem>>) src(%dma_wait3A_103 : memref<16x128xi32, #tpu.memory_space<hbm>>) dst(%arg6 : memref<16x128xi32, #tpu.memory_space<vmem>>)
        tpu.yield
      }) : () -> ()
      %mul3A_59 = arith.constant 16 : i32
      %mul3A_60 = arith.muli %scan3A_55, %mul3A_59 : i32
      %add3A_61 = arith.addi %mul3A_27, %mul3A_60 : i32
      "tpu.region"() ({
        %run_scoped3A_95 = tpu.sem_alloc : memref<!tpu.dma_semaphore, #tpu.memory_space<semaphore_mem>>
        %dma_start3A_96 = arith.constant 0 : i32
        %dma_start3A_97 = tpu.memref_slice %arg4[%add3A_61, %dma_start3A_96] : memref<2560x128xi32, #tpu.memory_space<hbm>> -> memref<16x128xi32, #tpu.memory_space<hbm>>
        %dma_start3A_98 = arith.constant 0 : i32
        %dma_start3A_99 = tpu.memref_slice %arg4[%add3A_61, %dma_start3A_98] : memref<2560x128xi32, #tpu.memory_space<hbm>> -> memref<16x128xi32, #tpu.memory_space<hbm>>
        tpu.enqueue_dma source(%dma_start3A_99 : memref<16x128xi32, #tpu.memory_space<hbm>>) target(%arg7 : memref<16x128xi32, #tpu.memory_space<vmem>>) target_semaphore(%run_scoped3A_95 : memref<!tpu.dma_semaphore, #tpu.memory_space<semaphore_mem>>)
        %dma_wait3A_100 = arith.constant 0 : i32
        %dma_wait3A_101 = tpu.memref_slice %arg4[%add3A_61, %dma_wait3A_100] : memref<2560x128xi32, #tpu.memory_space<hbm>> -> memref<16x128xi32, #tpu.memory_space<hbm>>
        %dma_wait3A_102 = arith.constant 0 : i32
        %dma_wait3A_103 = tpu.memref_slice %arg4[%add3A_61, %dma_wait3A_102] : memref<2560x128xi32, #tpu.memory_space<hbm>> -> memref<16x128xi32, #tpu.memory_space<hbm>>
        tpu.wait_dma2 semaphore(%run_scoped3A_95 : memref<!tpu.dma_semaphore, #tpu.memory_space<semaphore_mem>>) src(%dma_wait3A_103 : memref<16x128xi32, #tpu.memory_space<hbm>>) dst(%arg7 : memref<16x128xi32, #tpu.memory_space<vmem>>)
        tpu.yield
      }) : () -> ()
      %dma_start3A = arith.constant 0 : i32
      %dma_start3A_62 = arith.constant 0 : i32
      %dma_start3A_63 = tpu.memref_slice %arg6[%dma_start3A, %dma_start3A_62] : memref<16x128xi32, #tpu.memory_space<vmem>> -> memref<1x128xi32, #tpu.memory_space<vmem>>
      %dma_start3A_64 = tpu.memref_squeeze %dma_start3A_63 : memref<1x128xi32, #tpu.memory_space<vmem>> -> memref<128xi32, #tpu.memory_space<vmem>>
      %dma_start3A_65 = arith.constant 0 : i32
      %dma_start3A_66 = arith.constant 0 : i32
      %dma_start3A_67 = tpu.memref_slice %arg2[%dma_start3A_65, %dma_start3A_66] : memref<10000x128xf32, #tpu.memory_space<hbm>> -> memref<10000x128xf32, #tpu.memory_space<hbm>>
      tpu.enqueue_indirect_dma source(%dma_start3A_67 : memref<10000x128xf32, #tpu.memory_space<hbm>>) target(%arg8 : memref<128x128xf32, #tpu.memory_space<vmem>>) offsets(%dma_start3A_64 : memref<128xi32, #tpu.memory_space<vmem>>) semaphore(%arg10 : memref<!tpu.dma_semaphore, #tpu.memory_space<semaphore_mem>>)
      %scan3A_68 = arith.constant 0 : i32
      %scan3A_69 = arith.constant 0 : i32
      %scan3A_70 = arith.constant 7 : i32
      %scan3A_71 = arith.addi %scan3A_69, %scan3A_70 : i32
      %scan3A_72 = arith.constant 1 : i32
      scf.for %scan3A_95 = %scan3A_69 to %scan3A_71 step %scan3A_72  : i32 {
        %mul3A_96 = arith.constant 2 : i32
        %mul3A_97 = arith.muli %mul3A_96, %scan3A_95 : i32
        %dma_wait3A_98 = arith.constant 0 : i32
        %dma_wait3A_99 = tpu.memref_slice %arg6[%mul3A_97, %dma_wait3A_98] : memref<16x128xi32, #tpu.memory_space<vmem>> -> memref<1x128xi32, #tpu.memory_space<vmem>>
        %dma_wait3A_100 = tpu.memref_squeeze %dma_wait3A_99 : memref<1x128xi32, #tpu.memory_space<vmem>> -> memref<128xi32, #tpu.memory_space<vmem>>
        %dma_wait3A_101 = arith.constant 0 : i32
        %dma_wait3A_102 = arith.constant 0 : i32
        %dma_wait3A_103 = tpu.memref_slice %arg2[%dma_wait3A_101, %dma_wait3A_102] : memref<10000x128xf32, #tpu.memory_space<hbm>> -> memref<10000x128xf32, #tpu.memory_space<hbm>>
        tpu.wait_indirect_dma semaphore(%arg10 : memref<!tpu.dma_semaphore, #tpu.memory_space<semaphore_mem>>) src(%dma_wait3A_103 : memref<10000x128xf32, #tpu.memory_space<hbm>>) dst(%arg8 : memref<128x128xf32, #tpu.memory_space<vmem>>)
        %add3A_104 = arith.constant 1 : i32
        %add3A_105 = arith.addi %mul3A_97, %add3A_104 : i32
        %dma_start3A_106 = arith.constant 0 : i32
        %dma_start3A_107 = tpu.memref_slice %arg6[%add3A_105, %dma_start3A_106] : memref<16x128xi32, #tpu.memory_space<vmem>> -> memref<1x128xi32, #tpu.memory_space<vmem>>
        %dma_start3A_108 = tpu.memref_squeeze %dma_start3A_107 : memref<1x128xi32, #tpu.memory_space<vmem>> -> memref<128xi32, #tpu.memory_space<vmem>>
        %dma_start3A_109 = arith.constant 0 : i32
        %dma_start3A_110 = arith.constant 0 : i32
        %dma_start3A_111 = tpu.memref_slice %arg2[%dma_start3A_109, %dma_start3A_110] : memref<10000x128xf32, #tpu.memory_space<hbm>> -> memref<10000x128xf32, #tpu.memory_space<hbm>>
        tpu.enqueue_indirect_dma source(%dma_start3A_111 : memref<10000x128xf32, #tpu.memory_space<hbm>>) target(%arg9 : memref<128x128xf32, #tpu.memory_space<vmem>>) offsets(%dma_start3A_108 : memref<128xi32, #tpu.memory_space<vmem>>) semaphore(%arg11 : memref<!tpu.dma_semaphore, #tpu.memory_space<semaphore_mem>>)
        "tpu.region"() ({
          %run_scoped3A_130 = tpu.sem_alloc : memref<!tpu.dma_semaphore, #tpu.memory_space<semaphore_mem>>
          %dma_start3A_131 = arith.constant 0 : i32
          %dma_start3A_132 = tpu.memref_slice %arg7[%mul3A_97, %dma_start3A_131] : memref<16x128xi32, #tpu.memory_space<vmem>> -> memref<1x128xi32, #tpu.memory_space<vmem>>
          %dma_start3A_133 = tpu.memref_squeeze %dma_start3A_132 : memref<1x128xi32, #tpu.memory_space<vmem>> -> memref<128xi32, #tpu.memory_space<vmem>>
          %dma_start3A_134 = arith.constant 0 : i32
          %dma_start3A_135 = arith.constant 0 : i32
          %dma_start3A_136 = tpu.memref_slice %arg12[%dma_start3A_134, %dma_start3A_135] : memref<10240x128xf32, #tpu.memory_space<vmem_shared>> -> memref<10240x128xf32, #tpu.memory_space<vmem_shared>>
          tpu.enqueue_indirect_dma source(%arg8 : memref<128x128xf32, #tpu.memory_space<vmem>>) target(%dma_start3A_136 : memref<10240x128xf32, #tpu.memory_space<vmem_shared>>) offsets(%dma_start3A_133 : memref<128xi32, #tpu.memory_space<vmem>>) semaphore(%run_scoped3A_130 : memref<!tpu.dma_semaphore, #tpu.memory_space<semaphore_mem>>) {add = true}
          %dma_wait3A_137 = arith.constant 0 : i32
          %dma_wait3A_138 = tpu.memref_slice %arg7[%mul3A_97, %dma_wait3A_137] : memref<16x128xi32, #tpu.memory_space<vmem>> -> memref<1x128xi32, #tpu.memory_space<vmem>>
          %dma_wait3A_139 = tpu.memref_squeeze %dma_wait3A_138 : memref<1x128xi32, #tpu.memory_space<vmem>> -> memref<128xi32, #tpu.memory_space<vmem>>
          %dma_wait3A_140 = arith.constant 0 : i32
          %dma_wait3A_141 = arith.constant 0 : i32
          %dma_wait3A_142 = tpu.memref_slice %arg12[%dma_wait3A_140, %dma_wait3A_141] : memref<10240x128xf32, #tpu.memory_space<vmem_shared>> -> memref<10240x128xf32, #tpu.memory_space<vmem_shared>>
          tpu.wait_indirect_dma semaphore(%run_scoped3A_130 : memref<!tpu.dma_semaphore, #tpu.memory_space<semaphore_mem>>) src(%arg8 : memref<128x128xf32, #tpu.memory_space<vmem>>) dst(%dma_wait3A_142 : memref<10240x128xf32, #tpu.memory_space<vmem_shared>>)
          tpu.yield
        }) : () -> ()
        %add3A_112 = arith.constant 1 : i32
        %add3A_113 = arith.addi %mul3A_97, %add3A_112 : i32
        %dma_wait3A_114 = arith.constant 0 : i32
        %dma_wait3A_115 = tpu.memref_slice %arg6[%add3A_113, %dma_wait3A_114] : memref<16x128xi32, #tpu.memory_space<vmem>> -> memref<1x128xi32, #tpu.memory_space<vmem>>
        %dma_wait3A_116 = tpu.memref_squeeze %dma_wait3A_115 : memref<1x128xi32, #tpu.memory_space<vmem>> -> memref<128xi32, #tpu.memory_space<vmem>>
        %dma_wait3A_117 = arith.constant 0 : i32
        %dma_wait3A_118 = arith.constant 0 : i32
        %dma_wait3A_119 = tpu.memref_slice %arg2[%dma_wait3A_117, %dma_wait3A_118] : memref<10000x128xf32, #tpu.memory_space<hbm>> -> memref<10000x128xf32, #tpu.memory_space<hbm>>
        tpu.wait_indirect_dma semaphore(%arg11 : memref<!tpu.dma_semaphore, #tpu.memory_space<semaphore_mem>>) src(%dma_wait3A_119 : memref<10000x128xf32, #tpu.memory_space<hbm>>) dst(%arg9 : memref<128x128xf32, #tpu.memory_space<vmem>>)
        %add3A_120 = arith.constant 2 : i32
        %add3A_121 = arith.addi %mul3A_97, %add3A_120 : i32
        %dma_start3A_122 = arith.constant 0 : i32
        %dma_start3A_123 = tpu.memref_slice %arg6[%add3A_121, %dma_start3A_122] : memref<16x128xi32, #tpu.memory_space<vmem>> -> memref<1x128xi32, #tpu.memory_space<vmem>>
        %dma_start3A_124 = tpu.memref_squeeze %dma_start3A_123 : memref<1x128xi32, #tpu.memory_space<vmem>> -> memref<128xi32, #tpu.memory_space<vmem>>
        %dma_start3A_125 = arith.constant 0 : i32
        %dma_start3A_126 = arith.constant 0 : i32
        %dma_start3A_127 = tpu.memref_slice %arg2[%dma_start3A_125, %dma_start3A_126] : memref<10000x128xf32, #tpu.memory_space<hbm>> -> memref<10000x128xf32, #tpu.memory_space<hbm>>
        tpu.enqueue_indirect_dma source(%dma_start3A_127 : memref<10000x128xf32, #tpu.memory_space<hbm>>) target(%arg8 : memref<128x128xf32, #tpu.memory_space<vmem>>) offsets(%dma_start3A_124 : memref<128xi32, #tpu.memory_space<vmem>>) semaphore(%arg10 : memref<!tpu.dma_semaphore, #tpu.memory_space<semaphore_mem>>)
        %add3A_128 = arith.constant 1 : i32
        %add3A_129 = arith.addi %mul3A_97, %add3A_128 : i32
        "tpu.region"() ({
          %run_scoped3A_130 = tpu.sem_alloc : memref<!tpu.dma_semaphore, #tpu.memory_space<semaphore_mem>>
          %dma_start3A_131 = arith.constant 0 : i32
          %dma_start3A_132 = tpu.memref_slice %arg7[%add3A_129, %dma_start3A_131] : memref<16x128xi32, #tpu.memory_space<vmem>> -> memref<1x128xi32, #tpu.memory_space<vmem>>
          %dma_start3A_133 = tpu.memref_squeeze %dma_start3A_132 : memref<1x128xi32, #tpu.memory_space<vmem>> -> memref<128xi32, #tpu.memory_space<vmem>>
          %dma_start3A_134 = arith.constant 0 : i32
          %dma_start3A_135 = arith.constant 0 : i32
          %dma_start3A_136 = tpu.memref_slice %arg12[%dma_start3A_134, %dma_start3A_135] : memref<10240x128xf32, #tpu.memory_space<vmem_shared>> -> memref<10240x128xf32, #tpu.memory_space<vmem_shared>>
          tpu.enqueue_indirect_dma source(%arg9 : memref<128x128xf32, #tpu.memory_space<vmem>>) target(%dma_start3A_136 : memref<10240x128xf32, #tpu.memory_space<vmem_shared>>) offsets(%dma_start3A_133 : memref<128xi32, #tpu.memory_space<vmem>>) semaphore(%run_scoped3A_130 : memref<!tpu.dma_semaphore, #tpu.memory_space<semaphore_mem>>) {add = true}
          %dma_wait3A_137 = arith.constant 0 : i32
          %dma_wait3A_138 = tpu.memref_slice %arg7[%add3A_129, %dma_wait3A_137] : memref<16x128xi32, #tpu.memory_space<vmem>> -> memref<1x128xi32, #tpu.memory_space<vmem>>
          %dma_wait3A_139 = tpu.memref_squeeze %dma_wait3A_138 : memref<1x128xi32, #tpu.memory_space<vmem>> -> memref<128xi32, #tpu.memory_space<vmem>>
          %dma_wait3A_140 = arith.constant 0 : i32
          %dma_wait3A_141 = arith.constant 0 : i32
          %dma_wait3A_142 = tpu.memref_slice %arg12[%dma_wait3A_140, %dma_wait3A_141] : memref<10240x128xf32, #tpu.memory_space<vmem_shared>> -> memref<10240x128xf32, #tpu.memory_space<vmem_shared>>
          tpu.wait_indirect_dma semaphore(%run_scoped3A_130 : memref<!tpu.dma_semaphore, #tpu.memory_space<semaphore_mem>>) src(%arg9 : memref<128x128xf32, #tpu.memory_space<vmem>>) dst(%dma_wait3A_142 : memref<10240x128xf32, #tpu.memory_space<vmem_shared>>)
          tpu.yield
        }) : () -> ()
      }
      %scan3A_73 = arith.constant 7 : i32
      %dma_wait3A = arith.constant 14 : i32
      %dma_wait3A_74 = arith.constant 0 : i32
      %dma_wait3A_75 = tpu.memref_slice %arg6[%dma_wait3A, %dma_wait3A_74] : memref<16x128xi32, #tpu.memory_space<vmem>> -> memref<1x128xi32, #tpu.memory_space<vmem>>
      %dma_wait3A_76 = tpu.memref_squeeze %dma_wait3A_75 : memref<1x128xi32, #tpu.memory_space<vmem>> -> memref<128xi32, #tpu.memory_space<vmem>>
      %dma_wait3A_77 = arith.constant 0 : i32
      %dma_wait3A_78 = arith.constant 0 : i32
      %dma_wait3A_79 = tpu.memref_slice %arg2[%dma_wait3A_77, %dma_wait3A_78] : memref<10000x128xf32, #tpu.memory_space<hbm>> -> memref<10000x128xf32, #tpu.memory_space<hbm>>
      tpu.wait_indirect_dma semaphore(%arg10 : memref<!tpu.dma_semaphore, #tpu.memory_space<semaphore_mem>>) src(%dma_wait3A_79 : memref<10000x128xf32, #tpu.memory_space<hbm>>) dst(%arg8 : memref<128x128xf32, #tpu.memory_space<vmem>>)
      %dma_start3A_80 = arith.constant 15 : i32
      %dma_start3A_81 = arith.constant 0 : i32
      %dma_start3A_82 = tpu.memref_slice %arg6[%dma_start3A_80, %dma_start3A_81] : memref<16x128xi32, #tpu.memory_space<vmem>> -> memref<1x128xi32, #tpu.memory_space<vmem>>
      %dma_start3A_83 = tpu.memref_squeeze %dma_start3A_82 : memref<1x128xi32, #tpu.memory_space<vmem>> -> memref<128xi32, #tpu.memory_space<vmem>>
      %dma_start3A_84 = arith.constant 0 : i32
      %dma_start3A_85 = arith.constant 0 : i32
      %dma_start3A_86 = tpu.memref_slice %arg2[%dma_start3A_84, %dma_start3A_85] : memref<10000x128xf32, #tpu.memory_space<hbm>> -> memref<10000x128xf32, #tpu.memory_space<hbm>>
      tpu.enqueue_indirect_dma source(%dma_start3A_86 : memref<10000x128xf32, #tpu.memory_space<hbm>>) target(%arg9 : memref<128x128xf32, #tpu.memory_space<vmem>>) offsets(%dma_start3A_83 : memref<128xi32, #tpu.memory_space<vmem>>) semaphore(%arg11 : memref<!tpu.dma_semaphore, #tpu.memory_space<semaphore_mem>>)
      %run_scoped3A = arith.constant 14 : i32
      "tpu.region"() ({
        %run_scoped3A_95 = tpu.sem_alloc : memref<!tpu.dma_semaphore, #tpu.memory_space<semaphore_mem>>
        %dma_start3A_96 = arith.constant 0 : i32
        %dma_start3A_97 = tpu.memref_slice %arg7[%run_scoped3A, %dma_start3A_96] : memref<16x128xi32, #tpu.memory_space<vmem>> -> memref<1x128xi32, #tpu.memory_space<vmem>>
        %dma_start3A_98 = tpu.memref_squeeze %dma_start3A_97 : memref<1x128xi32, #tpu.memory_space<vmem>> -> memref<128xi32, #tpu.memory_space<vmem>>
        %dma_start3A_99 = arith.constant 0 : i32
        %dma_start3A_100 = arith.constant 0 : i32
        %dma_start3A_101 = tpu.memref_slice %arg12[%dma_start3A_99, %dma_start3A_100] : memref<10240x128xf32, #tpu.memory_space<vmem_shared>> -> memref<10240x128xf32, #tpu.memory_space<vmem_shared>>
        tpu.enqueue_indirect_dma source(%arg8 : memref<128x128xf32, #tpu.memory_space<vmem>>) target(%dma_start3A_101 : memref<10240x128xf32, #tpu.memory_space<vmem_shared>>) offsets(%dma_start3A_98 : memref<128xi32, #tpu.memory_space<vmem>>) semaphore(%run_scoped3A_95 : memref<!tpu.dma_semaphore, #tpu.memory_space<semaphore_mem>>) {add = true}
        %dma_wait3A_102 = arith.constant 0 : i32
        %dma_wait3A_103 = tpu.memref_slice %arg7[%run_scoped3A, %dma_wait3A_102] : memref<16x128xi32, #tpu.memory_space<vmem>> -> memref<1x128xi32, #tpu.memory_space<vmem>>
        %dma_wait3A_104 = tpu.memref_squeeze %dma_wait3A_103 : memref<1x128xi32, #tpu.memory_space<vmem>> -> memref<128xi32, #tpu.memory_space<vmem>>
        %dma_wait3A_105 = arith.constant 0 : i32
        %dma_wait3A_106 = arith.constant 0 : i32
        %dma_wait3A_107 = tpu.memref_slice %arg12[%dma_wait3A_105, %dma_wait3A_106] : memref<10240x128xf32, #tpu.memory_space<vmem_shared>> -> memref<10240x128xf32, #tpu.memory_space<vmem_shared>>
        tpu.wait_indirect_dma semaphore(%run_scoped3A_95 : memref<!tpu.dma_semaphore, #tpu.memory_space<semaphore_mem>>) src(%arg8 : memref<128x128xf32, #tpu.memory_space<vmem>>) dst(%dma_wait3A_107 : memref<10240x128xf32, #tpu.memory_space<vmem_shared>>)
        tpu.yield
      }) : () -> ()
      %dma_wait3A_87 = arith.constant 15 : i32
      %dma_wait3A_88 = arith.constant 0 : i32
      %dma_wait3A_89 = tpu.memref_slice %arg6[%dma_wait3A_87, %dma_wait3A_88] : memref<16x128xi32, #tpu.memory_space<vmem>> -> memref<1x128xi32, #tpu.memory_space<vmem>>
      %dma_wait3A_90 = tpu.memref_squeeze %dma_wait3A_89 : memref<1x128xi32, #tpu.memory_space<vmem>> -> memref<128xi32, #tpu.memory_space<vmem>>
      %dma_wait3A_91 = arith.constant 0 : i32
      %dma_wait3A_92 = arith.constant 0 : i32
      %dma_wait3A_93 = tpu.memref_slice %arg2[%dma_wait3A_91, %dma_wait3A_92] : memref<10000x128xf32, #tpu.memory_space<hbm>> -> memref<10000x128xf32, #tpu.memory_space<hbm>>
      tpu.wait_indirect_dma semaphore(%arg11 : memref<!tpu.dma_semaphore, #tpu.memory_space<semaphore_mem>>) src(%dma_wait3A_93 : memref<10000x128xf32, #tpu.memory_space<hbm>>) dst(%arg9 : memref<128x128xf32, #tpu.memory_space<vmem>>)
      %run_scoped3A_94 = arith.constant 15 : i32
      "tpu.region"() ({
        %run_scoped3A_95 = tpu.sem_alloc : memref<!tpu.dma_semaphore, #tpu.memory_space<semaphore_mem>>
        %dma_start3A_96 = arith.constant 0 : i32
        %dma_start3A_97 = tpu.memref_slice %arg7[%run_scoped3A_94, %dma_start3A_96] : memref<16x128xi32, #tpu.memory_space<vmem>> -> memref<1x128xi32, #tpu.memory_space<vmem>>
        %dma_start3A_98 = tpu.memref_squeeze %dma_start3A_97 : memref<1x128xi32, #tpu.memory_space<vmem>> -> memref<128xi32, #tpu.memory_space<vmem>>
        %dma_start3A_99 = arith.constant 0 : i32
        %dma_start3A_100 = arith.constant 0 : i32
        %dma_start3A_101 = tpu.memref_slice %arg12[%dma_start3A_99, %dma_start3A_100] : memref<10240x128xf32, #tpu.memory_space<vmem_shared>> -> memref<10240x128xf32, #tpu.memory_space<vmem_shared>>
        tpu.enqueue_indirect_dma source(%arg9 : memref<128x128xf32, #tpu.memory_space<vmem>>) target(%dma_start3A_101 : memref<10240x128xf32, #tpu.memory_space<vmem_shared>>) offsets(%dma_start3A_98 : memref<128xi32, #tpu.memory_space<vmem>>) semaphore(%run_scoped3A_95 : memref<!tpu.dma_semaphore, #tpu.memory_space<semaphore_mem>>) {add = true}
        %dma_wait3A_102 = arith.constant 0 : i32
        %dma_wait3A_103 = tpu.memref_slice %arg7[%run_scoped3A_94, %dma_wait3A_102] : memref<16x128xi32, #tpu.memory_space<vmem>> -> memref<1x128xi32, #tpu.memory_space<vmem>>
        %dma_wait3A_104 = tpu.memref_squeeze %dma_wait3A_103 : memref<1x128xi32, #tpu.memory_space<vmem>> -> memref<128xi32, #tpu.memory_space<vmem>>
        %dma_wait3A_105 = arith.constant 0 : i32
        %dma_wait3A_106 = arith.constant 0 : i32
        %dma_wait3A_107 = tpu.memref_slice %arg12[%dma_wait3A_105, %dma_wait3A_106] : memref<10240x128xf32, #tpu.memory_space<vmem_shared>> -> memref<10240x128xf32, #tpu.memory_space<vmem_shared>>
        tpu.wait_indirect_dma semaphore(%run_scoped3A_95 : memref<!tpu.dma_semaphore, #tpu.memory_space<semaphore_mem>>) src(%arg9 : memref<128x128xf32, #tpu.memory_space<vmem>>) dst(%dma_wait3A_107 : memref<10240x128xf32, #tpu.memory_space<vmem_shared>>)
        tpu.yield
      }) : () -> ()
    }
    %scan3A_33 = arith.constant 5 : i32
    %barrier3A_34 = arith.constant 0 : index
    tpu.barrier barrier_id(%barrier3A_34)
    %mul3A_35 = arith.constant 640 : i32
    %mul3A_36 = arith.muli %arg1, %mul3A_35 : i32
    %add3A_37 = arith.constant 0 : i32
    %add3A_38 = arith.addi %mul3A_36, %add3A_37 : i32
    "tpu.region"() ({
      %run_scoped3A = tpu.sem_alloc : memref<!tpu.dma_semaphore, #tpu.memory_space<semaphore_mem>>
      %dma_start3A = arith.constant 0 : i32
      %dma_start3A_55 = tpu.memref_slice %arg5[%arg0, %add3A_38, %dma_start3A] : memref<2x10240x128xf32, #tpu.memory_space<hbm>> -> memref<1x128x128xf32, #tpu.memory_space<hbm>>
      %dma_start3A_56 = tpu.memref_squeeze %dma_start3A_55 : memref<1x128x128xf32, #tpu.memory_space<hbm>> -> memref<128x128xf32, #tpu.memory_space<hbm>>
      %dma_start3A_57 = arith.constant 0 : i32
      %dma_start3A_58 = tpu.memref_slice %arg12[%add3A_38, %dma_start3A_57] : memref<10240x128xf32, #tpu.memory_space<vmem_shared>> -> memref<128x128xf32, #tpu.memory_space<vmem_shared>>
      tpu.enqueue_dma source(%dma_start3A_58 : memref<128x128xf32, #tpu.memory_space<vmem_shared>>) target(%dma_start3A_56 : memref<128x128xf32, #tpu.memory_space<hbm>>) target_semaphore(%run_scoped3A : memref<!tpu.dma_semaphore, #tpu.memory_space<semaphore_mem>>)
      %dma_wait3A = arith.constant 0 : i32
      %dma_wait3A_59 = tpu.memref_slice %arg5[%arg0, %add3A_38, %dma_wait3A] : memref<2x10240x128xf32, #tpu.memory_space<hbm>> -> memref<1x128x128xf32, #tpu.memory_space<hbm>>
      %dma_wait3A_60 = tpu.memref_squeeze %dma_wait3A_59 : memref<1x128x128xf32, #tpu.memory_space<hbm>> -> memref<128x128xf32, #tpu.memory_space<hbm>>
      %dma_wait3A_61 = arith.constant 0 : i32
      %dma_wait3A_62 = tpu.memref_slice %arg12[%add3A_38, %dma_wait3A_61] : memref<10240x128xf32, #tpu.memory_space<vmem_shared>> -> memref<128x128xf32, #tpu.memory_space<vmem_shared>>
      tpu.wait_dma2 semaphore(%run_scoped3A : memref<!tpu.dma_semaphore, #tpu.memory_space<semaphore_mem>>) src(%dma_wait3A_62 : memref<128x128xf32, #tpu.memory_space<vmem_shared>>) dst(%dma_wait3A_60 : memref<128x128xf32, #tpu.memory_space<hbm>>)
      tpu.yield
    }) : () -> ()
    %mul3A_39 = arith.constant 640 : i32
    %mul3A_40 = arith.muli %arg1, %mul3A_39 : i32
    %add3A_41 = arith.constant 128 : i32
    %add3A_42 = arith.addi %mul3A_40, %add3A_41 : i32
    "tpu.region"() ({
      %run_scoped3A = tpu.sem_alloc : memref<!tpu.dma_semaphore, #tpu.memory_space<semaphore_mem>>
      %dma_start3A = arith.constant 0 : i32
      %dma_start3A_55 = tpu.memref_slice %arg5[%arg0, %add3A_42, %dma_start3A] : memref<2x10240x128xf32, #tpu.memory_space<hbm>> -> memref<1x128x128xf32, #tpu.memory_space<hbm>>
      %dma_start3A_56 = tpu.memref_squeeze %dma_start3A_55 : memref<1x128x128xf32, #tpu.memory_space<hbm>> -> memref<128x128xf32, #tpu.memory_space<hbm>>
      %dma_start3A_57 = arith.constant 0 : i32
      %dma_start3A_58 = tpu.memref_slice %arg12[%add3A_42, %dma_start3A_57] : memref<10240x128xf32, #tpu.memory_space<vmem_shared>> -> memref<128x128xf32, #tpu.memory_space<vmem_shared>>
      tpu.enqueue_dma source(%dma_start3A_58 : memref<128x128xf32, #tpu.memory_space<vmem_shared>>) target(%dma_start3A_56 : memref<128x128xf32, #tpu.memory_space<hbm>>) target_semaphore(%run_scoped3A : memref<!tpu.dma_semaphore, #tpu.memory_space<semaphore_mem>>)
      %dma_wait3A = arith.constant 0 : i32
      %dma_wait3A_59 = tpu.memref_slice %arg5[%arg0, %add3A_42, %dma_wait3A] : memref<2x10240x128xf32, #tpu.memory_space<hbm>> -> memref<1x128x128xf32, #tpu.memory_space<hbm>>
      %dma_wait3A_60 = tpu.memref_squeeze %dma_wait3A_59 : memref<1x128x128xf32, #tpu.memory_space<hbm>> -> memref<128x128xf32, #tpu.memory_space<hbm>>
      %dma_wait3A_61 = arith.constant 0 : i32
      %dma_wait3A_62 = tpu.memref_slice %arg12[%add3A_42, %dma_wait3A_61] : memref<10240x128xf32, #tpu.memory_space<vmem_shared>> -> memref<128x128xf32, #tpu.memory_space<vmem_shared>>
      tpu.wait_dma2 semaphore(%run_scoped3A : memref<!tpu.dma_semaphore, #tpu.memory_space<semaphore_mem>>) src(%dma_wait3A_62 : memref<128x128xf32, #tpu.memory_space<vmem_shared>>) dst(%dma_wait3A_60 : memref<128x128xf32, #tpu.memory_space<hbm>>)
      tpu.yield
    }) : () -> ()
    %mul3A_43 = arith.constant 640 : i32
    %mul3A_44 = arith.muli %arg1, %mul3A_43 : i32
    %add3A_45 = arith.constant 256 : i32
    %add3A_46 = arith.addi %mul3A_44, %add3A_45 : i32
    "tpu.region"() ({
      %run_scoped3A = tpu.sem_alloc : memref<!tpu.dma_semaphore, #tpu.memory_space<semaphore_mem>>
      %dma_start3A = arith.constant 0 : i32
      %dma_start3A_55 = tpu.memref_slice %arg5[%arg0, %add3A_46, %dma_start3A] : memref<2x10240x128xf32, #tpu.memory_space<hbm>> -> memref<1x128x128xf32, #tpu.memory_space<hbm>>
      %dma_start3A_56 = tpu.memref_squeeze %dma_start3A_55 : memref<1x128x128xf32, #tpu.memory_space<hbm>> -> memref<128x128xf32, #tpu.memory_space<hbm>>
      %dma_start3A_57 = arith.constant 0 : i32
      %dma_start3A_58 = tpu.memref_slice %arg12[%add3A_46, %dma_start3A_57] : memref<10240x128xf32, #tpu.memory_space<vmem_shared>> -> memref<128x128xf32, #tpu.memory_space<vmem_shared>>
      tpu.enqueue_dma source(%dma_start3A_58 : memref<128x128xf32, #tpu.memory_space<vmem_shared>>) target(%dma_start3A_56 : memref<128x128xf32, #tpu.memory_space<hbm>>) target_semaphore(%run_scoped3A : memref<!tpu.dma_semaphore, #tpu.memory_space<semaphore_mem>>)
      %dma_wait3A = arith.constant 0 : i32
      %dma_wait3A_59 = tpu.memref_slice %arg5[%arg0, %add3A_46, %dma_wait3A] : memref<2x10240x128xf32, #tpu.memory_space<hbm>> -> memref<1x128x128xf32, #tpu.memory_space<hbm>>
      %dma_wait3A_60 = tpu.memref_squeeze %dma_wait3A_59 : memref<1x128x128xf32, #tpu.memory_space<hbm>> -> memref<128x128xf32, #tpu.memory_space<hbm>>
      %dma_wait3A_61 = arith.constant 0 : i32
      %dma_wait3A_62 = tpu.memref_slice %arg12[%add3A_46, %dma_wait3A_61] : memref<10240x128xf32, #tpu.memory_space<vmem_shared>> -> memref<128x128xf32, #tpu.memory_space<vmem_shared>>
      tpu.wait_dma2 semaphore(%run_scoped3A : memref<!tpu.dma_semaphore, #tpu.memory_space<semaphore_mem>>) src(%dma_wait3A_62 : memref<128x128xf32, #tpu.memory_space<vmem_shared>>) dst(%dma_wait3A_60 : memref<128x128xf32, #tpu.memory_space<hbm>>)
      tpu.yield
    }) : () -> ()
    %mul3A_47 = arith.constant 640 : i32
    %mul3A_48 = arith.muli %arg1, %mul3A_47 : i32
    %add3A_49 = arith.constant 384 : i32
    %add3A_50 = arith.addi %mul3A_48, %add3A_49 : i32
    "tpu.region"() ({
      %run_scoped3A = tpu.sem_alloc : memref<!tpu.dma_semaphore, #tpu.memory_space<semaphore_mem>>
      %dma_start3A = arith.constant 0 : i32
      %dma_start3A_55 = tpu.memref_slice %arg5[%arg0, %add3A_50, %dma_start3A] : memref<2x10240x128xf32, #tpu.memory_space<hbm>> -> memref<1x128x128xf32, #tpu.memory_space<hbm>>
      %dma_start3A_56 = tpu.memref_squeeze %dma_start3A_55 : memref<1x128x128xf32, #tpu.memory_space<hbm>> -> memref<128x128xf32, #tpu.memory_space<hbm>>
      %dma_start3A_57 = arith.constant 0 : i32
      %dma_start3A_58 = tpu.memref_slice %arg12[%add3A_50, %dma_start3A_57] : memref<10240x128xf32, #tpu.memory_space<vmem_shared>> -> memref<128x128xf32, #tpu.memory_space<vmem_shared>>
      tpu.enqueue_dma source(%dma_start3A_58 : memref<128x128xf32, #tpu.memory_space<vmem_shared>>) target(%dma_start3A_56 : memref<128x128xf32, #tpu.memory_space<hbm>>) target_semaphore(%run_scoped3A : memref<!tpu.dma_semaphore, #tpu.memory_space<semaphore_mem>>)
      %dma_wait3A = arith.constant 0 : i32
      %dma_wait3A_59 = tpu.memref_slice %arg5[%arg0, %add3A_50, %dma_wait3A] : memref<2x10240x128xf32, #tpu.memory_space<hbm>> -> memref<1x128x128xf32, #tpu.memory_space<hbm>>
      %dma_wait3A_60 = tpu.memref_squeeze %dma_wait3A_59 : memref<1x128x128xf32, #tpu.memory_space<hbm>> -> memref<128x128xf32, #tpu.memory_space<hbm>>
      %dma_wait3A_61 = arith.constant 0 : i32
      %dma_wait3A_62 = tpu.memref_slice %arg12[%add3A_50, %dma_wait3A_61] : memref<10240x128xf32, #tpu.memory_space<vmem_shared>> -> memref<128x128xf32, #tpu.memory_space<vmem_shared>>
      tpu.wait_dma2 semaphore(%run_scoped3A : memref<!tpu.dma_semaphore, #tpu.memory_space<semaphore_mem>>) src(%dma_wait3A_62 : memref<128x128xf32, #tpu.memory_space<vmem_shared>>) dst(%dma_wait3A_60 : memref<128x128xf32, #tpu.memory_space<hbm>>)
      tpu.yield
    }) : () -> ()
    %mul3A_51 = arith.constant 640 : i32
    %mul3A_52 = arith.muli %arg1, %mul3A_51 : i32
    %add3A_53 = arith.constant 512 : i32
    %add3A_54 = arith.addi %mul3A_52, %add3A_53 : i32
    "tpu.region"() ({
      %run_scoped3A = tpu.sem_alloc : memref<!tpu.dma_semaphore, #tpu.memory_space<semaphore_mem>>
      %dma_start3A = arith.constant 0 : i32
      %dma_start3A_55 = tpu.memref_slice %arg5[%arg0, %add3A_54, %dma_start3A] : memref<2x10240x128xf32, #tpu.memory_space<hbm>> -> memref<1x128x128xf32, #tpu.memory_space<hbm>>
      %dma_start3A_56 = tpu.memref_squeeze %dma_start3A_55 : memref<1x128x128xf32, #tpu.memory_space<hbm>> -> memref<128x128xf32, #tpu.memory_space<hbm>>
      %dma_start3A_57 = arith.constant 0 : i32
      %dma_start3A_58 = tpu.memref_slice %arg12[%add3A_54, %dma_start3A_57] : memref<10240x128xf32, #tpu.memory_space<vmem_shared>> -> memref<128x128xf32, #tpu.memory_space<vmem_shared>>
      tpu.enqueue_dma source(%dma_start3A_58 : memref<128x128xf32, #tpu.memory_space<vmem_shared>>) target(%dma_start3A_56 : memref<128x128xf32, #tpu.memory_space<hbm>>) target_semaphore(%run_scoped3A : memref<!tpu.dma_semaphore, #tpu.memory_space<semaphore_mem>>)
      %dma_wait3A = arith.constant 0 : i32
      %dma_wait3A_59 = tpu.memref_slice %arg5[%arg0, %add3A_54, %dma_wait3A] : memref<2x10240x128xf32, #tpu.memory_space<hbm>> -> memref<1x128x128xf32, #tpu.memory_space<hbm>>
      %dma_wait3A_60 = tpu.memref_squeeze %dma_wait3A_59 : memref<1x128x128xf32, #tpu.memory_space<hbm>> -> memref<128x128xf32, #tpu.memory_space<hbm>>
      %dma_wait3A_61 = arith.constant 0 : i32
      %dma_wait3A_62 = tpu.memref_slice %arg12[%add3A_54, %dma_wait3A_61] : memref<10240x128xf32, #tpu.memory_space<vmem_shared>> -> memref<128x128xf32, #tpu.memory_space<vmem_shared>>
      tpu.wait_dma2 semaphore(%run_scoped3A : memref<!tpu.dma_semaphore, #tpu.memory_space<semaphore_mem>>) src(%dma_wait3A_62 : memref<128x128xf32, #tpu.memory_space<vmem_shared>>) dst(%dma_wait3A_60 : memref<128x128xf32, #tpu.memory_space<hbm>>)
      tpu.yield
    }) : () -> ()
    return
  }
}

#map = affine_map<(d0, d1) -> (0, 0)>
#map1 = affine_map<(d0, d1) -> (0, 0, 0)>
module attributes {stable_mosaic.version = 14 : i64} {
  func.func @_sc_msgpass(%arg0: i32, %arg1: i32, %arg2: memref<10000x128xf32, #tpu.memory_space<hbm>>, %arg3: memref<2560x128xi32, #tpu.memory_space<hbm>>, %arg4: memref<2560x128xi32, #tpu.memory_space<hbm>>, %arg5: memref<2x10240x128xf32, #tpu.memory_space<hbm>>, %arg6: memref<16x128xi32, #tpu.memory_space<vmem>>, %arg7: memref<16x128xi32, #tpu.memory_space<vmem>>, %arg8: memref<128x128xf32, #tpu.memory_space<vmem>>, %arg9: memref<128x128xf32, #tpu.memory_space<vmem>>, %arg10: memref<!tpu.dma_semaphore, #tpu.memory_space<semaphore_mem>>, %arg11: memref<!tpu.dma_semaphore, #tpu.memory_space<semaphore_mem>>, %arg12: memref<10240x128xf32, #tpu.memory_space<vmem_shared>>) attributes {dimension_semantics = [#tpu.dimension_semantics<core_parallel>, #tpu.dimension_semantics<subcore_parallel>], iteration_bounds = array<i64: 2, 16>, scalar_prefetch = 0 : i64, scratch_operands = 7 : i64, tpu.core_type = #tpu.core_type<sc_vector_subcore>, window_params = [{transform_indices = #map}, {transform_indices = #map}, {transform_indices = #map}, {transform_indices = #map1}]} {
    %mul3A = arith.constant 16 : i32
    %mul3A_0 = arith.muli %arg0, %mul3A : i32
    %add3A = arith.addi %mul3A_0, %arg1 : i32
    %scan3A = arith.constant 0 : i32
    %scan3A_1 = arith.constant 0 : i32
    %scan3A_2 = arith.constant 128 : i32
    %scan3A_3 = arith.addi %scan3A_1, %scan3A_2 : i32
    %scan3A_4 = arith.constant 1 : i32
    scf.for %scan3A_55 = %scan3A_1 to %scan3A_3 step %scan3A_4  : i32 {
      %broadcast_in_dim3A = arith.constant 0.000000e+00 : f32
      %broadcast_in_dim3A_56 = vector.broadcast %broadcast_in_dim3A : f32 to vector<16xf32>
      %swap3A = arith.index_cast %scan3A_55 : i32 to index
      %swap3A_57 = arith.constant 0 : index
      %swap3A_58 = tpu.vector_load %arg8[%swap3A, %swap3A_57] {strides = array<i32>} : memref<128x128xf32, #tpu.memory_space<vmem>>, vector<1x16xf32>,
      %swap3A_59 = vector.shape_cast %swap3A_58 : vector<1x16xf32> to vector<16xf32>
      %swap3A_60 = vector.shape_cast %broadcast_in_dim3A_56 : vector<16xf32> to vector<1x16xf32>
      tpu.vector_store %arg8[%swap3A, %swap3A_57], %swap3A_60 {strides = array<i32>} : memref<128x128xf32, #tpu.memory_space<vmem>>, vector<1x16xf32>,
      %broadcast_in_dim3A_61 = arith.constant 0.000000e+00 : f32
      %broadcast_in_dim3A_62 = vector.broadcast %broadcast_in_dim3A_61 : f32 to vector<16xf32>
      %swap3A_63 = arith.index_cast %scan3A_55 : i32 to index
      %swap3A_64 = arith.constant 16 : index
      %swap3A_65 = tpu.vector_load %arg8[%swap3A_63, %swap3A_64] {strides = array<i32>} : memref<128x128xf32, #tpu.memory_space<vmem>>, vector<1x16xf32>,
      %swap3A_66 = vector.shape_cast %swap3A_65 : vector<1x16xf32> to vector<16xf32>
      %swap3A_67 = vector.shape_cast %broadcast_in_dim3A_62 : vector<16xf32> to vector<1x16xf32>
      tpu.vector_store %arg8[%swap3A_63, %swap3A_64], %swap3A_67 {strides = array<i32>} : memref<128x128xf32, #tpu.memory_space<vmem>>, vector<1x16xf32>,
      %broadcast_in_dim3A_68 = arith.constant 0.000000e+00 : f32
      %broadcast_in_dim3A_69 = vector.broadcast %broadcast_in_dim3A_68 : f32 to vector<16xf32>
      %swap3A_70 = arith.index_cast %scan3A_55 : i32 to index
      %swap3A_71 = arith.constant 32 : index
      %swap3A_72 = tpu.vector_load %arg8[%swap3A_70, %swap3A_71] {strides = array<i32>} : memref<128x128xf32, #tpu.memory_space<vmem>>, vector<1x16xf32>,
      %swap3A_73 = vector.shape_cast %swap3A_72 : vector<1x16xf32> to vector<16xf32>
      %swap3A_74 = vector.shape_cast %broadcast_in_dim3A_69 : vector<16xf32> to vector<1x16xf32>
      tpu.vector_store %arg8[%swap3A_70, %swap3A_71], %swap3A_74 {strides = array<i32>} : memref<128x128xf32, #tpu.memory_space<vmem>>, vector<1x16xf32>,
      %broadcast_in_dim3A_75 = arith.constant 0.000000e+00 : f32
      %broadcast_in_dim3A_76 = vector.broadcast %broadcast_in_dim3A_75 : f32 to vector<16xf32>
      %swap3A_77 = arith.index_cast %scan3A_55 : i32 to index
      %swap3A_78 = arith.constant 48 : index
      %swap3A_79 = tpu.vector_load %arg8[%swap3A_77, %swap3A_78] {strides = array<i32>} : memref<128x128xf32, #tpu.memory_space<vmem>>, vector<1x16xf32>,
      %swap3A_80 = vector.shape_cast %swap3A_79 : vector<1x16xf32> to vector<16xf32>
      %swap3A_81 = vector.shape_cast %broadcast_in_dim3A_76 : vector<16xf32> to vector<1x16xf32>
      tpu.vector_store %arg8[%swap3A_77, %swap3A_78], %swap3A_81 {strides = array<i32>} : memref<128x128xf32, #tpu.memory_space<vmem>>, vector<1x16xf32>,
      %broadcast_in_dim3A_82 = arith.constant 0.000000e+00 : f32
      %broadcast_in_dim3A_83 = vector.broadcast %broadcast_in_dim3A_82 : f32 to vector<16xf32>
      %swap3A_84 = arith.index_cast %scan3A_55 : i32 to index
      %swap3A_85 = arith.constant 64 : index
      %swap3A_86 = tpu.vector_load %arg8[%swap3A_84, %swap3A_85] {strides = array<i32>} : memref<128x128xf32, #tpu.memory_space<vmem>>, vector<1x16xf32>,
      %swap3A_87 = vector.shape_cast %swap3A_86 : vector<1x16xf32> to vector<16xf32>
      %swap3A_88 = vector.shape_cast %broadcast_in_dim3A_83 : vector<16xf32> to vector<1x16xf32>
      tpu.vector_store %arg8[%swap3A_84, %swap3A_85], %swap3A_88 {strides = array<i32>} : memref<128x128xf32, #tpu.memory_space<vmem>>, vector<1x16xf32>,
      %broadcast_in_dim3A_89 = arith.constant 0.000000e+00 : f32
      %broadcast_in_dim3A_90 = vector.broadcast %broadcast_in_dim3A_89 : f32 to vector<16xf32>
      %swap3A_91 = arith.index_cast %scan3A_55 : i32 to index
      %swap3A_92 = arith.constant 80 : index
      %swap3A_93 = tpu.vector_load %arg8[%swap3A_91, %swap3A_92] {strides = array<i32>} : memref<128x128xf32, #tpu.memory_space<vmem>>, vector<1x16xf32>,
      %swap3A_94 = vector.shape_cast %swap3A_93 : vector<1x16xf32> to vector<16xf32>
      %swap3A_95 = vector.shape_cast %broadcast_in_dim3A_90 : vector<16xf32> to vector<1x16xf32>
      tpu.vector_store %arg8[%swap3A_91, %swap3A_92], %swap3A_95 {strides = array<i32>} : memref<128x128xf32, #tpu.memory_space<vmem>>, vector<1x16xf32>,
      %broadcast_in_dim3A_96 = arith.constant 0.000000e+00 : f32
      %broadcast_in_dim3A_97 = vector.broadcast %broadcast_in_dim3A_96 : f32 to vector<16xf32>
      %swap3A_98 = arith.index_cast %scan3A_55 : i32 to index
      %swap3A_99 = arith.constant 96 : index
      %swap3A_100 = tpu.vector_load %arg8[%swap3A_98, %swap3A_99] {strides = array<i32>} : memref<128x128xf32, #tpu.memory_space<vmem>>, vector<1x16xf32>,
      %swap3A_101 = vector.shape_cast %swap3A_100 : vector<1x16xf32> to vector<16xf32>
      %swap3A_102 = vector.shape_cast %broadcast_in_dim3A_97 : vector<16xf32> to vector<1x16xf32>
      tpu.vector_store %arg8[%swap3A_98, %swap3A_99], %swap3A_102 {strides = array<i32>} : memref<128x128xf32, #tpu.memory_space<vmem>>, vector<1x16xf32>,
      %broadcast_in_dim3A_103 = arith.constant 0.000000e+00 : f32
      %broadcast_in_dim3A_104 = vector.broadcast %broadcast_in_dim3A_103 : f32 to vector<16xf32>
      %swap3A_105 = arith.index_cast %scan3A_55 : i32 to index
      %swap3A_106 = arith.constant 112 : index
      %swap3A_107 = tpu.vector_load %arg8[%swap3A_105, %swap3A_106] {strides = array<i32>} : memref<128x128xf32, #tpu.memory_space<vmem>>, vector<1x16xf32>,
      %swap3A_108 = vector.shape_cast %swap3A_107 : vector<1x16xf32> to vector<16xf32>
      %swap3A_109 = vector.shape_cast %broadcast_in_dim3A_104 : vector<16xf32> to vector<1x16xf32>
      tpu.vector_store %arg8[%swap3A_105, %swap3A_106], %swap3A_109 {strides = array<i32>} : memref<128x128xf32, #tpu.memory_space<vmem>>, vector<1x16xf32>,
    }
    %scan3A_5 = arith.constant 128 : i32
    %mul3A_6 = arith.constant 640 : i32
    %mul3A_7 = arith.muli %arg1, %mul3A_6 : i32
    %add3A_8 = arith.constant 0 : i32
    %add3A_9 = arith.addi %mul3A_7, %add3A_8 : i32
    "tpu.region"() ({
      %run_scoped3A = tpu.sem_alloc : memref<!tpu.dma_semaphore, #tpu.memory_space<semaphore_mem>>
      %dma_start3A = arith.constant 0 : i32
      %dma_start3A_55 = tpu.memref_slice %arg12[%add3A_9, %dma_start3A] : memref<10240x128xf32, #tpu.memory_space<vmem_shared>> -> memref<128x128xf32, #tpu.memory_space<vmem_shared>>
      %dma_start3A_56 = arith.constant 0 : i32
      %dma_start3A_57 = tpu.memref_slice %arg12[%add3A_9, %dma_start3A_56] : memref<10240x128xf32, #tpu.memory_space<vmem_shared>> -> memref<128x128xf32, #tpu.memory_space<vmem_shared>>
      tpu.enqueue_dma source(%arg8 : memref<128x128xf32, #tpu.memory_space<vmem>>) target(%dma_start3A_57 : memref<128x128xf32, #tpu.memory_space<vmem_shared>>) target_semaphore(%run_scoped3A : memref<!tpu.dma_semaphore, #tpu.memory_space<semaphore_mem>>)
      %dma_wait3A = arith.constant 0 : i32
      %dma_wait3A_58 = tpu.memref_slice %arg12[%add3A_9, %dma_wait3A] : memref<10240x128xf32, #tpu.memory_space<vmem_shared>> -> memref<128x128xf32, #tpu.memory_space<vmem_shared>>
      %dma_wait3A_59 = arith.constant 0 : i32
      %dma_wait3A_60 = tpu.memref_slice %arg12[%add3A_9, %dma_wait3A_59] : memref<10240x128xf32, #tpu.memory_space<vmem_shared>> -> memref<128x128xf32, #tpu.memory_space<vmem_shared>>
      tpu.wait_dma2 semaphore(%run_scoped3A : memref<!tpu.dma_semaphore, #tpu.memory_space<semaphore_mem>>) src(%arg8 : memref<128x128xf32, #tpu.memory_space<vmem>>) dst(%dma_wait3A_60 : memref<128x128xf32, #tpu.memory_space<vmem_shared>>)
      tpu.yield
    }) : () -> ()
    %mul3A_10 = arith.constant 640 : i32
    %mul3A_11 = arith.muli %arg1, %mul3A_10 : i32
    %add3A_12 = arith.constant 128 : i32
    %add3A_13 = arith.addi %mul3A_11, %add3A_12 : i32
    "tpu.region"() ({
      %run_scoped3A = tpu.sem_alloc : memref<!tpu.dma_semaphore, #tpu.memory_space<semaphore_mem>>
      %dma_start3A = arith.constant 0 : i32
      %dma_start3A_55 = tpu.memref_slice %arg12[%add3A_13, %dma_start3A] : memref<10240x128xf32, #tpu.memory_space<vmem_shared>> -> memref<128x128xf32, #tpu.memory_space<vmem_shared>>
      %dma_start3A_56 = arith.constant 0 : i32
      %dma_start3A_57 = tpu.memref_slice %arg12[%add3A_13, %dma_start3A_56] : memref<10240x128xf32, #tpu.memory_space<vmem_shared>> -> memref<128x128xf32, #tpu.memory_space<vmem_shared>>
      tpu.enqueue_dma source(%arg8 : memref<128x128xf32, #tpu.memory_space<vmem>>) target(%dma_start3A_57 : memref<128x128xf32, #tpu.memory_space<vmem_shared>>) target_semaphore(%run_scoped3A : memref<!tpu.dma_semaphore, #tpu.memory_space<semaphore_mem>>)
      %dma_wait3A = arith.constant 0 : i32
      %dma_wait3A_58 = tpu.memref_slice %arg12[%add3A_13, %dma_wait3A] : memref<10240x128xf32, #tpu.memory_space<vmem_shared>> -> memref<128x128xf32, #tpu.memory_space<vmem_shared>>
      %dma_wait3A_59 = arith.constant 0 : i32
      %dma_wait3A_60 = tpu.memref_slice %arg12[%add3A_13, %dma_wait3A_59] : memref<10240x128xf32, #tpu.memory_space<vmem_shared>> -> memref<128x128xf32, #tpu.memory_space<vmem_shared>>
      tpu.wait_dma2 semaphore(%run_scoped3A : memref<!tpu.dma_semaphore, #tpu.memory_space<semaphore_mem>>) src(%arg8 : memref<128x128xf32, #tpu.memory_space<vmem>>) dst(%dma_wait3A_60 : memref<128x128xf32, #tpu.memory_space<vmem_shared>>)
      tpu.yield
    }) : () -> ()
    %mul3A_14 = arith.constant 640 : i32
    %mul3A_15 = arith.muli %arg1, %mul3A_14 : i32
    %add3A_16 = arith.constant 256 : i32
    %add3A_17 = arith.addi %mul3A_15, %add3A_16 : i32
    "tpu.region"() ({
      %run_scoped3A = tpu.sem_alloc : memref<!tpu.dma_semaphore, #tpu.memory_space<semaphore_mem>>
      %dma_start3A = arith.constant 0 : i32
      %dma_start3A_55 = tpu.memref_slice %arg12[%add3A_17, %dma_start3A] : memref<10240x128xf32, #tpu.memory_space<vmem_shared>> -> memref<128x128xf32, #tpu.memory_space<vmem_shared>>
      %dma_start3A_56 = arith.constant 0 : i32
      %dma_start3A_57 = tpu.memref_slice %arg12[%add3A_17, %dma_start3A_56] : memref<10240x128xf32, #tpu.memory_space<vmem_shared>> -> memref<128x128xf32, #tpu.memory_space<vmem_shared>>
      tpu.enqueue_dma source(%arg8 : memref<128x128xf32, #tpu.memory_space<vmem>>) target(%dma_start3A_57 : memref<128x128xf32, #tpu.memory_space<vmem_shared>>) target_semaphore(%run_scoped3A : memref<!tpu.dma_semaphore, #tpu.memory_space<semaphore_mem>>)
      %dma_wait3A = arith.constant 0 : i32
      %dma_wait3A_58 = tpu.memref_slice %arg12[%add3A_17, %dma_wait3A] : memref<10240x128xf32, #tpu.memory_space<vmem_shared>> -> memref<128x128xf32, #tpu.memory_space<vmem_shared>>
      %dma_wait3A_59 = arith.constant 0 : i32
      %dma_wait3A_60 = tpu.memref_slice %arg12[%add3A_17, %dma_wait3A_59] : memref<10240x128xf32, #tpu.memory_space<vmem_shared>> -> memref<128x128xf32, #tpu.memory_space<vmem_shared>>
      tpu.wait_dma2 semaphore(%run_scoped3A : memref<!tpu.dma_semaphore, #tpu.memory_space<semaphore_mem>>) src(%arg8 : memref<128x128xf32, #tpu.memory_space<vmem>>) dst(%dma_wait3A_60 : memref<128x128xf32, #tpu.memory_space<vmem_shared>>)
      tpu.yield
    }) : () -> ()
    %mul3A_18 = arith.constant 640 : i32
    %mul3A_19 = arith.muli %arg1, %mul3A_18 : i32
    %add3A_20 = arith.constant 384 : i32
    %add3A_21 = arith.addi %mul3A_19, %add3A_20 : i32
    "tpu.region"() ({
      %run_scoped3A = tpu.sem_alloc : memref<!tpu.dma_semaphore, #tpu.memory_space<semaphore_mem>>
      %dma_start3A = arith.constant 0 : i32
      %dma_start3A_55 = tpu.memref_slice %arg12[%add3A_21, %dma_start3A] : memref<10240x128xf32, #tpu.memory_space<vmem_shared>> -> memref<128x128xf32, #tpu.memory_space<vmem_shared>>
      %dma_start3A_56 = arith.constant 0 : i32
      %dma_start3A_57 = tpu.memref_slice %arg12[%add3A_21, %dma_start3A_56] : memref<10240x128xf32, #tpu.memory_space<vmem_shared>> -> memref<128x128xf32, #tpu.memory_space<vmem_shared>>
      tpu.enqueue_dma source(%arg8 : memref<128x128xf32, #tpu.memory_space<vmem>>) target(%dma_start3A_57 : memref<128x128xf32, #tpu.memory_space<vmem_shared>>) target_semaphore(%run_scoped3A : memref<!tpu.dma_semaphore, #tpu.memory_space<semaphore_mem>>)
      %dma_wait3A = arith.constant 0 : i32
      %dma_wait3A_58 = tpu.memref_slice %arg12[%add3A_21, %dma_wait3A] : memref<10240x128xf32, #tpu.memory_space<vmem_shared>> -> memref<128x128xf32, #tpu.memory_space<vmem_shared>>
      %dma_wait3A_59 = arith.constant 0 : i32
      %dma_wait3A_60 = tpu.memref_slice %arg12[%add3A_21, %dma_wait3A_59] : memref<10240x128xf32, #tpu.memory_space<vmem_shared>> -> memref<128x128xf32, #tpu.memory_space<vmem_shared>>
      tpu.wait_dma2 semaphore(%run_scoped3A : memref<!tpu.dma_semaphore, #tpu.memory_space<semaphore_mem>>) src(%arg8 : memref<128x128xf32, #tpu.memory_space<vmem>>) dst(%dma_wait3A_60 : memref<128x128xf32, #tpu.memory_space<vmem_shared>>)
      tpu.yield
    }) : () -> ()
    %mul3A_22 = arith.constant 640 : i32
    %mul3A_23 = arith.muli %arg1, %mul3A_22 : i32
    %add3A_24 = arith.constant 512 : i32
    %add3A_25 = arith.addi %mul3A_23, %add3A_24 : i32
    "tpu.region"() ({
      %run_scoped3A = tpu.sem_alloc : memref<!tpu.dma_semaphore, #tpu.memory_space<semaphore_mem>>
      %dma_start3A = arith.constant 0 : i32
      %dma_start3A_55 = tpu.memref_slice %arg12[%add3A_25, %dma_start3A] : memref<10240x128xf32, #tpu.memory_space<vmem_shared>> -> memref<128x128xf32, #tpu.memory_space<vmem_shared>>
      %dma_start3A_56 = arith.constant 0 : i32
      %dma_start3A_57 = tpu.memref_slice %arg12[%add3A_25, %dma_start3A_56] : memref<10240x128xf32, #tpu.memory_space<vmem_shared>> -> memref<128x128xf32, #tpu.memory_space<vmem_shared>>
      tpu.enqueue_dma source(%arg8 : memref<128x128xf32, #tpu.memory_space<vmem>>) target(%dma_start3A_57 : memref<128x128xf32, #tpu.memory_space<vmem_shared>>) target_semaphore(%run_scoped3A : memref<!tpu.dma_semaphore, #tpu.memory_space<semaphore_mem>>)
      %dma_wait3A = arith.constant 0 : i32
      %dma_wait3A_58 = tpu.memref_slice %arg12[%add3A_25, %dma_wait3A] : memref<10240x128xf32, #tpu.memory_space<vmem_shared>> -> memref<128x128xf32, #tpu.memory_space<vmem_shared>>
      %dma_wait3A_59 = arith.constant 0 : i32
      %dma_wait3A_60 = tpu.memref_slice %arg12[%add3A_25, %dma_wait3A_59] : memref<10240x128xf32, #tpu.memory_space<vmem_shared>> -> memref<128x128xf32, #tpu.memory_space<vmem_shared>>
      tpu.wait_dma2 semaphore(%run_scoped3A : memref<!tpu.dma_semaphore, #tpu.memory_space<semaphore_mem>>) src(%arg8 : memref<128x128xf32, #tpu.memory_space<vmem>>) dst(%dma_wait3A_60 : memref<128x128xf32, #tpu.memory_space<vmem_shared>>)
      tpu.yield
    }) : () -> ()
    %barrier3A = arith.constant 0 : index
    tpu.barrier barrier_id(%barrier3A)
    %mul3A_26 = arith.constant 80 : i32
    %mul3A_27 = arith.muli %add3A, %mul3A_26 : i32
    %scan3A_28 = arith.constant 0 : i32
    %scan3A_29 = arith.constant 0 : i32
    %scan3A_30 = arith.constant 5 : i32
    %scan3A_31 = arith.addi %scan3A_29, %scan3A_30 : i32
    %scan3A_32 = arith.constant 1 : i32
    scf.for %scan3A_55 = %scan3A_29 to %scan3A_31 step %scan3A_32  : i32 {
      %mul3A_56 = arith.constant 16 : i32
      %mul3A_57 = arith.muli %scan3A_55, %mul3A_56 : i32
      %add3A_58 = arith.addi %mul3A_27, %mul3A_57 : i32
      "tpu.region"() ({
        %run_scoped3A_95 = tpu.sem_alloc : memref<!tpu.dma_semaphore, #tpu.memory_space<semaphore_mem>>
        %dma_start3A_96 = arith.constant 0 : i32
        %dma_start3A_97 = tpu.memref_slice %arg3[%add3A_58, %dma_start3A_96] : memref<2560x128xi32, #tpu.memory_space<hbm>> -> memref<16x128xi32, #tpu.memory_space<hbm>>
        %dma_start3A_98 = arith.constant 0 : i32
        %dma_start3A_99 = tpu.memref_slice %arg3[%add3A_58, %dma_start3A_98] : memref<2560x128xi32, #tpu.memory_space<hbm>> -> memref<16x128xi32, #tpu.memory_space<hbm>>
        tpu.enqueue_dma source(%dma_start3A_99 : memref<16x128xi32, #tpu.memory_space<hbm>>) target(%arg6 : memref<16x128xi32, #tpu.memory_space<vmem>>) target_semaphore(%run_scoped3A_95 : memref<!tpu.dma_semaphore, #tpu.memory_space<semaphore_mem>>)
        %dma_wait3A_100 = arith.constant 0 : i32
        %dma_wait3A_101 = tpu.memref_slice %arg3[%add3A_58, %dma_wait3A_100] : memref<2560x128xi32, #tpu.memory_space<hbm>> -> memref<16x128xi32, #tpu.memory_space<hbm>>
        %dma_wait3A_102 = arith.constant 0 : i32
        %dma_wait3A_103 = tpu.memref_slice %arg3[%add3A_58, %dma_wait3A_102] : memref<2560x128xi32, #tpu.memory_space<hbm>> -> memref<16x128xi32, #tpu.memory_space<hbm>>
        tpu.wait_dma2 semaphore(%run_scoped3A_95 : memref<!tpu.dma_semaphore, #tpu.memory_space<semaphore_mem>>) src(%dma_wait3A_103 : memref<16x128xi32, #tpu.memory_space<hbm>>) dst(%arg6 : memref<16x128xi32, #tpu.memory_space<vmem>>)
        tpu.yield
      }) : () -> ()
      %mul3A_59 = arith.constant 16 : i32
      %mul3A_60 = arith.muli %scan3A_55, %mul3A_59 : i32
      %add3A_61 = arith.addi %mul3A_27, %mul3A_60 : i32
      "tpu.region"() ({
        %run_scoped3A_95 = tpu.sem_alloc : memref<!tpu.dma_semaphore, #tpu.memory_space<semaphore_mem>>
        %dma_start3A_96 = arith.constant 0 : i32
        %dma_start3A_97 = tpu.memref_slice %arg4[%add3A_61, %dma_start3A_96] : memref<2560x128xi32, #tpu.memory_space<hbm>> -> memref<16x128xi32, #tpu.memory_space<hbm>>
        %dma_start3A_98 = arith.constant 0 : i32
        %dma_start3A_99 = tpu.memref_slice %arg4[%add3A_61, %dma_start3A_98] : memref<2560x128xi32, #tpu.memory_space<hbm>> -> memref<16x128xi32, #tpu.memory_space<hbm>>
        tpu.enqueue_dma source(%dma_start3A_99 : memref<16x128xi32, #tpu.memory_space<hbm>>) target(%arg7 : memref<16x128xi32, #tpu.memory_space<vmem>>) target_semaphore(%run_scoped3A_95 : memref<!tpu.dma_semaphore, #tpu.memory_space<semaphore_mem>>)
        %dma_wait3A_100 = arith.constant 0 : i32
        %dma_wait3A_101 = tpu.memref_slice %arg4[%add3A_61, %dma_wait3A_100] : memref<2560x128xi32, #tpu.memory_space<hbm>> -> memref<16x128xi32, #tpu.memory_space<hbm>>
        %dma_wait3A_102 = arith.constant 0 : i32
        %dma_wait3A_103 = tpu.memref_slice %arg4[%add3A_61, %dma_wait3A_102] : memref<2560x128xi32, #tpu.memory_space<hbm>> -> memref<16x128xi32, #tpu.memory_space<hbm>>
        tpu.wait_dma2 semaphore(%run_scoped3A_95 : memref<!tpu.dma_semaphore, #tpu.memory_space<semaphore_mem>>) src(%dma_wait3A_103 : memref<16x128xi32, #tpu.memory_space<hbm>>) dst(%arg7 : memref<16x128xi32, #tpu.memory_space<vmem>>)
        tpu.yield
      }) : () -> ()
      %dma_start3A = arith.constant 0 : i32
      %dma_start3A_62 = arith.constant 0 : i32
      %dma_start3A_63 = tpu.memref_slice %arg6[%dma_start3A, %dma_start3A_62] : memref<16x128xi32, #tpu.memory_space<vmem>> -> memref<1x128xi32, #tpu.memory_space<vmem>>
      %dma_start3A_64 = tpu.memref_squeeze %dma_start3A_63 : memref<1x128xi32, #tpu.memory_space<vmem>> -> memref<128xi32, #tpu.memory_space<vmem>>
      %dma_start3A_65 = arith.constant 0 : i32
      %dma_start3A_66 = arith.constant 0 : i32
      %dma_start3A_67 = tpu.memref_slice %arg2[%dma_start3A_65, %dma_start3A_66] : memref<10000x128xf32, #tpu.memory_space<hbm>> -> memref<10000x128xf32, #tpu.memory_space<hbm>>
      tpu.enqueue_indirect_dma source(%dma_start3A_67 : memref<10000x128xf32, #tpu.memory_space<hbm>>) target(%arg8 : memref<128x128xf32, #tpu.memory_space<vmem>>) offsets(%dma_start3A_64 : memref<128xi32, #tpu.memory_space<vmem>>) semaphore(%arg10 : memref<!tpu.dma_semaphore, #tpu.memory_space<semaphore_mem>>)
      %scan3A_68 = arith.constant 0 : i32
      %scan3A_69 = arith.constant 0 : i32
      %scan3A_70 = arith.constant 7 : i32
      %scan3A_71 = arith.addi %scan3A_69, %scan3A_70 : i32
      %scan3A_72 = arith.constant 1 : i32
      scf.for %scan3A_95 = %scan3A_69 to %scan3A_71 step %scan3A_72  : i32 {
        %mul3A_96 = arith.constant 2 : i32
        %mul3A_97 = arith.muli %mul3A_96, %scan3A_95 : i32
        %dma_wait3A_98 = arith.constant 0 : i32
        %dma_wait3A_99 = tpu.memref_slice %arg6[%mul3A_97, %dma_wait3A_98] : memref<16x128xi32, #tpu.memory_space<vmem>> -> memref<1x128xi32, #tpu.memory_space<vmem>>
        %dma_wait3A_100 = tpu.memref_squeeze %dma_wait3A_99 : memref<1x128xi32, #tpu.memory_space<vmem>> -> memref<128xi32, #tpu.memory_space<vmem>>
        %dma_wait3A_101 = arith.constant 0 : i32
        %dma_wait3A_102 = arith.constant 0 : i32
        %dma_wait3A_103 = tpu.memref_slice %arg2[%dma_wait3A_101, %dma_wait3A_102] : memref<10000x128xf32, #tpu.memory_space<hbm>> -> memref<10000x128xf32, #tpu.memory_space<hbm>>
        tpu.wait_indirect_dma semaphore(%arg10 : memref<!tpu.dma_semaphore, #tpu.memory_space<semaphore_mem>>) src(%dma_wait3A_103 : memref<10000x128xf32, #tpu.memory_space<hbm>>) dst(%arg8 : memref<128x128xf32, #tpu.memory_space<vmem>>)
        %add3A_104 = arith.constant 1 : i32
        %add3A_105 = arith.addi %mul3A_97, %add3A_104 : i32
        %dma_start3A_106 = arith.constant 0 : i32
        %dma_start3A_107 = tpu.memref_slice %arg6[%add3A_105, %dma_start3A_106] : memref<16x128xi32, #tpu.memory_space<vmem>> -> memref<1x128xi32, #tpu.memory_space<vmem>>
        %dma_start3A_108 = tpu.memref_squeeze %dma_start3A_107 : memref<1x128xi32, #tpu.memory_space<vmem>> -> memref<128xi32, #tpu.memory_space<vmem>>
        %dma_start3A_109 = arith.constant 0 : i32
        %dma_start3A_110 = arith.constant 0 : i32
        %dma_start3A_111 = tpu.memref_slice %arg2[%dma_start3A_109, %dma_start3A_110] : memref<10000x128xf32, #tpu.memory_space<hbm>> -> memref<10000x128xf32, #tpu.memory_space<hbm>>
        tpu.enqueue_indirect_dma source(%dma_start3A_111 : memref<10000x128xf32, #tpu.memory_space<hbm>>) target(%arg9 : memref<128x128xf32, #tpu.memory_space<vmem>>) offsets(%dma_start3A_108 : memref<128xi32, #tpu.memory_space<vmem>>) semaphore(%arg11 : memref<!tpu.dma_semaphore, #tpu.memory_space<semaphore_mem>>)
        "tpu.region"() ({
          %run_scoped3A_130 = tpu.sem_alloc : memref<!tpu.dma_semaphore, #tpu.memory_space<semaphore_mem>>
          %dma_start3A_131 = arith.constant 0 : i32
          %dma_start3A_132 = tpu.memref_slice %arg7[%mul3A_97, %dma_start3A_131] : memref<16x128xi32, #tpu.memory_space<vmem>> -> memref<1x128xi32, #tpu.memory_space<vmem>>
          %dma_start3A_133 = tpu.memref_squeeze %dma_start3A_132 : memref<1x128xi32, #tpu.memory_space<vmem>> -> memref<128xi32, #tpu.memory_space<vmem>>
          %dma_start3A_134 = arith.constant 0 : i32
          %dma_start3A_135 = arith.constant 0 : i32
          %dma_start3A_136 = tpu.memref_slice %arg12[%dma_start3A_134, %dma_start3A_135] : memref<10240x128xf32, #tpu.memory_space<vmem_shared>> -> memref<10240x128xf32, #tpu.memory_space<vmem_shared>>
          tpu.enqueue_indirect_dma source(%arg8 : memref<128x128xf32, #tpu.memory_space<vmem>>) target(%dma_start3A_136 : memref<10240x128xf32, #tpu.memory_space<vmem_shared>>) offsets(%dma_start3A_133 : memref<128xi32, #tpu.memory_space<vmem>>) semaphore(%run_scoped3A_130 : memref<!tpu.dma_semaphore, #tpu.memory_space<semaphore_mem>>) {add = true}
          %dma_wait3A_137 = arith.constant 0 : i32
          %dma_wait3A_138 = tpu.memref_slice %arg7[%mul3A_97, %dma_wait3A_137] : memref<16x128xi32, #tpu.memory_space<vmem>> -> memref<1x128xi32, #tpu.memory_space<vmem>>
          %dma_wait3A_139 = tpu.memref_squeeze %dma_wait3A_138 : memref<1x128xi32, #tpu.memory_space<vmem>> -> memref<128xi32, #tpu.memory_space<vmem>>
          %dma_wait3A_140 = arith.constant 0 : i32
          %dma_wait3A_141 = arith.constant 0 : i32
          %dma_wait3A_142 = tpu.memref_slice %arg12[%dma_wait3A_140, %dma_wait3A_141] : memref<10240x128xf32, #tpu.memory_space<vmem_shared>> -> memref<10240x128xf32, #tpu.memory_space<vmem_shared>>
          tpu.wait_indirect_dma semaphore(%run_scoped3A_130 : memref<!tpu.dma_semaphore, #tpu.memory_space<semaphore_mem>>) src(%arg8 : memref<128x128xf32, #tpu.memory_space<vmem>>) dst(%dma_wait3A_142 : memref<10240x128xf32, #tpu.memory_space<vmem_shared>>)
          tpu.yield
        }) : () -> ()
        %add3A_112 = arith.constant 1 : i32
        %add3A_113 = arith.addi %mul3A_97, %add3A_112 : i32
        %dma_wait3A_114 = arith.constant 0 : i32
        %dma_wait3A_115 = tpu.memref_slice %arg6[%add3A_113, %dma_wait3A_114] : memref<16x128xi32, #tpu.memory_space<vmem>> -> memref<1x128xi32, #tpu.memory_space<vmem>>
        %dma_wait3A_116 = tpu.memref_squeeze %dma_wait3A_115 : memref<1x128xi32, #tpu.memory_space<vmem>> -> memref<128xi32, #tpu.memory_space<vmem>>
        %dma_wait3A_117 = arith.constant 0 : i32
        %dma_wait3A_118 = arith.constant 0 : i32
        %dma_wait3A_119 = tpu.memref_slice %arg2[%dma_wait3A_117, %dma_wait3A_118] : memref<10000x128xf32, #tpu.memory_space<hbm>> -> memref<10000x128xf32, #tpu.memory_space<hbm>>
        tpu.wait_indirect_dma semaphore(%arg11 : memref<!tpu.dma_semaphore, #tpu.memory_space<semaphore_mem>>) src(%dma_wait3A_119 : memref<10000x128xf32, #tpu.memory_space<hbm>>) dst(%arg9 : memref<128x128xf32, #tpu.memory_space<vmem>>)
        %add3A_120 = arith.constant 2 : i32
        %add3A_121 = arith.addi %mul3A_97, %add3A_120 : i32
        %dma_start3A_122 = arith.constant 0 : i32
        %dma_start3A_123 = tpu.memref_slice %arg6[%add3A_121, %dma_start3A_122] : memref<16x128xi32, #tpu.memory_space<vmem>> -> memref<1x128xi32, #tpu.memory_space<vmem>>
        %dma_start3A_124 = tpu.memref_squeeze %dma_start3A_123 : memref<1x128xi32, #tpu.memory_space<vmem>> -> memref<128xi32, #tpu.memory_space<vmem>>
        %dma_start3A_125 = arith.constant 0 : i32
        %dma_start3A_126 = arith.constant 0 : i32
        %dma_start3A_127 = tpu.memref_slice %arg2[%dma_start3A_125, %dma_start3A_126] : memref<10000x128xf32, #tpu.memory_space<hbm>> -> memref<10000x128xf32, #tpu.memory_space<hbm>>
        tpu.enqueue_indirect_dma source(%dma_start3A_127 : memref<10000x128xf32, #tpu.memory_space<hbm>>) target(%arg8 : memref<128x128xf32, #tpu.memory_space<vmem>>) offsets(%dma_start3A_124 : memref<128xi32, #tpu.memory_space<vmem>>) semaphore(%arg10 : memref<!tpu.dma_semaphore, #tpu.memory_space<semaphore_mem>>)
        %add3A_128 = arith.constant 1 : i32
        %add3A_129 = arith.addi %mul3A_97, %add3A_128 : i32
        "tpu.region"() ({
          %run_scoped3A_130 = tpu.sem_alloc : memref<!tpu.dma_semaphore, #tpu.memory_space<semaphore_mem>>
          %dma_start3A_131 = arith.constant 0 : i32
          %dma_start3A_132 = tpu.memref_slice %arg7[%add3A_129, %dma_start3A_131] : memref<16x128xi32, #tpu.memory_space<vmem>> -> memref<1x128xi32, #tpu.memory_space<vmem>>
          %dma_start3A_133 = tpu.memref_squeeze %dma_start3A_132 : memref<1x128xi32, #tpu.memory_space<vmem>> -> memref<128xi32, #tpu.memory_space<vmem>>
          %dma_start3A_134 = arith.constant 0 : i32
          %dma_start3A_135 = arith.constant 0 : i32
          %dma_start3A_136 = tpu.memref_slice %arg12[%dma_start3A_134, %dma_start3A_135] : memref<10240x128xf32, #tpu.memory_space<vmem_shared>> -> memref<10240x128xf32, #tpu.memory_space<vmem_shared>>
          tpu.enqueue_indirect_dma source(%arg9 : memref<128x128xf32, #tpu.memory_space<vmem>>) target(%dma_start3A_136 : memref<10240x128xf32, #tpu.memory_space<vmem_shared>>) offsets(%dma_start3A_133 : memref<128xi32, #tpu.memory_space<vmem>>) semaphore(%run_scoped3A_130 : memref<!tpu.dma_semaphore, #tpu.memory_space<semaphore_mem>>) {add = true}
          %dma_wait3A_137 = arith.constant 0 : i32
          %dma_wait3A_138 = tpu.memref_slice %arg7[%add3A_129, %dma_wait3A_137] : memref<16x128xi32, #tpu.memory_space<vmem>> -> memref<1x128xi32, #tpu.memory_space<vmem>>
          %dma_wait3A_139 = tpu.memref_squeeze %dma_wait3A_138 : memref<1x128xi32, #tpu.memory_space<vmem>> -> memref<128xi32, #tpu.memory_space<vmem>>
          %dma_wait3A_140 = arith.constant 0 : i32
          %dma_wait3A_141 = arith.constant 0 : i32
          %dma_wait3A_142 = tpu.memref_slice %arg12[%dma_wait3A_140, %dma_wait3A_141] : memref<10240x128xf32, #tpu.memory_space<vmem_shared>> -> memref<10240x128xf32, #tpu.memory_space<vmem_shared>>
          tpu.wait_indirect_dma semaphore(%run_scoped3A_130 : memref<!tpu.dma_semaphore, #tpu.memory_space<semaphore_mem>>) src(%arg9 : memref<128x128xf32, #tpu.memory_space<vmem>>) dst(%dma_wait3A_142 : memref<10240x128xf32, #tpu.memory_space<vmem_shared>>)
          tpu.yield
        }) : () -> ()
      }
      %scan3A_73 = arith.constant 7 : i32
      %dma_wait3A = arith.constant 14 : i32
      %dma_wait3A_74 = arith.constant 0 : i32
      %dma_wait3A_75 = tpu.memref_slice %arg6[%dma_wait3A, %dma_wait3A_74] : memref<16x128xi32, #tpu.memory_space<vmem>> -> memref<1x128xi32, #tpu.memory_space<vmem>>
      %dma_wait3A_76 = tpu.memref_squeeze %dma_wait3A_75 : memref<1x128xi32, #tpu.memory_space<vmem>> -> memref<128xi32, #tpu.memory_space<vmem>>
      %dma_wait3A_77 = arith.constant 0 : i32
      %dma_wait3A_78 = arith.constant 0 : i32
      %dma_wait3A_79 = tpu.memref_slice %arg2[%dma_wait3A_77, %dma_wait3A_78] : memref<10000x128xf32, #tpu.memory_space<hbm>> -> memref<10000x128xf32, #tpu.memory_space<hbm>>
      tpu.wait_indirect_dma semaphore(%arg10 : memref<!tpu.dma_semaphore, #tpu.memory_space<semaphore_mem>>) src(%dma_wait3A_79 : memref<10000x128xf32, #tpu.memory_space<hbm>>) dst(%arg8 : memref<128x128xf32, #tpu.memory_space<vmem>>)
      %dma_start3A_80 = arith.constant 15 : i32
      %dma_start3A_81 = arith.constant 0 : i32
      %dma_start3A_82 = tpu.memref_slice %arg6[%dma_start3A_80, %dma_start3A_81] : memref<16x128xi32, #tpu.memory_space<vmem>> -> memref<1x128xi32, #tpu.memory_space<vmem>>
      %dma_start3A_83 = tpu.memref_squeeze %dma_start3A_82 : memref<1x128xi32, #tpu.memory_space<vmem>> -> memref<128xi32, #tpu.memory_space<vmem>>
      %dma_start3A_84 = arith.constant 0 : i32
      %dma_start3A_85 = arith.constant 0 : i32
      %dma_start3A_86 = tpu.memref_slice %arg2[%dma_start3A_84, %dma_start3A_85] : memref<10000x128xf32, #tpu.memory_space<hbm>> -> memref<10000x128xf32, #tpu.memory_space<hbm>>
      tpu.enqueue_indirect_dma source(%dma_start3A_86 : memref<10000x128xf32, #tpu.memory_space<hbm>>) target(%arg9 : memref<128x128xf32, #tpu.memory_space<vmem>>) offsets(%dma_start3A_83 : memref<128xi32, #tpu.memory_space<vmem>>) semaphore(%arg11 : memref<!tpu.dma_semaphore, #tpu.memory_space<semaphore_mem>>)
      %run_scoped3A = arith.constant 14 : i32
      "tpu.region"() ({
        %run_scoped3A_95 = tpu.sem_alloc : memref<!tpu.dma_semaphore, #tpu.memory_space<semaphore_mem>>
        %dma_start3A_96 = arith.constant 0 : i32
        %dma_start3A_97 = tpu.memref_slice %arg7[%run_scoped3A, %dma_start3A_96] : memref<16x128xi32, #tpu.memory_space<vmem>> -> memref<1x128xi32, #tpu.memory_space<vmem>>
        %dma_start3A_98 = tpu.memref_squeeze %dma_start3A_97 : memref<1x128xi32, #tpu.memory_space<vmem>> -> memref<128xi32, #tpu.memory_space<vmem>>
        %dma_start3A_99 = arith.constant 0 : i32
        %dma_start3A_100 = arith.constant 0 : i32
        %dma_start3A_101 = tpu.memref_slice %arg12[%dma_start3A_99, %dma_start3A_100] : memref<10240x128xf32, #tpu.memory_space<vmem_shared>> -> memref<10240x128xf32, #tpu.memory_space<vmem_shared>>
        tpu.enqueue_indirect_dma source(%arg8 : memref<128x128xf32, #tpu.memory_space<vmem>>) target(%dma_start3A_101 : memref<10240x128xf32, #tpu.memory_space<vmem_shared>>) offsets(%dma_start3A_98 : memref<128xi32, #tpu.memory_space<vmem>>) semaphore(%run_scoped3A_95 : memref<!tpu.dma_semaphore, #tpu.memory_space<semaphore_mem>>) {add = true}
        %dma_wait3A_102 = arith.constant 0 : i32
        %dma_wait3A_103 = tpu.memref_slice %arg7[%run_scoped3A, %dma_wait3A_102] : memref<16x128xi32, #tpu.memory_space<vmem>> -> memref<1x128xi32, #tpu.memory_space<vmem>>
        %dma_wait3A_104 = tpu.memref_squeeze %dma_wait3A_103 : memref<1x128xi32, #tpu.memory_space<vmem>> -> memref<128xi32, #tpu.memory_space<vmem>>
        %dma_wait3A_105 = arith.constant 0 : i32
        %dma_wait3A_106 = arith.constant 0 : i32
        %dma_wait3A_107 = tpu.memref_slice %arg12[%dma_wait3A_105, %dma_wait3A_106] : memref<10240x128xf32, #tpu.memory_space<vmem_shared>> -> memref<10240x128xf32, #tpu.memory_space<vmem_shared>>
        tpu.wait_indirect_dma semaphore(%run_scoped3A_95 : memref<!tpu.dma_semaphore, #tpu.memory_space<semaphore_mem>>) src(%arg8 : memref<128x128xf32, #tpu.memory_space<vmem>>) dst(%dma_wait3A_107 : memref<10240x128xf32, #tpu.memory_space<vmem_shared>>)
        tpu.yield
      }) : () -> ()
      %dma_wait3A_87 = arith.constant 15 : i32
      %dma_wait3A_88 = arith.constant 0 : i32
      %dma_wait3A_89 = tpu.memref_slice %arg6[%dma_wait3A_87, %dma_wait3A_88] : memref<16x128xi32, #tpu.memory_space<vmem>> -> memref<1x128xi32, #tpu.memory_space<vmem>>
      %dma_wait3A_90 = tpu.memref_squeeze %dma_wait3A_89 : memref<1x128xi32, #tpu.memory_space<vmem>> -> memref<128xi32, #tpu.memory_space<vmem>>
      %dma_wait3A_91 = arith.constant 0 : i32
      %dma_wait3A_92 = arith.constant 0 : i32
      %dma_wait3A_93 = tpu.memref_slice %arg2[%dma_wait3A_91, %dma_wait3A_92] : memref<10000x128xf32, #tpu.memory_space<hbm>> -> memref<10000x128xf32, #tpu.memory_space<hbm>>
      tpu.wait_indirect_dma semaphore(%arg11 : memref<!tpu.dma_semaphore, #tpu.memory_space<semaphore_mem>>) src(%dma_wait3A_93 : memref<10000x128xf32, #tpu.memory_space<hbm>>) dst(%arg9 : memref<128x128xf32, #tpu.memory_space<vmem>>)
      %run_scoped3A_94 = arith.constant 15 : i32
      "tpu.region"() ({
        %run_scoped3A_95 = tpu.sem_alloc : memref<!tpu.dma_semaphore, #tpu.memory_space<semaphore_mem>>
        %dma_start3A_96 = arith.constant 0 : i32
        %dma_start3A_97 = tpu.memref_slice %arg7[%run_scoped3A_94, %dma_start3A_96] : memref<16x128xi32, #tpu.memory_space<vmem>> -> memref<1x128xi32, #tpu.memory_space<vmem>>
        %dma_start3A_98 = tpu.memref_squeeze %dma_start3A_97 : memref<1x128xi32, #tpu.memory_space<vmem>> -> memref<128xi32, #tpu.memory_space<vmem>>
        %dma_start3A_99 = arith.constant 0 : i32
        %dma_start3A_100 = arith.constant 0 : i32
        %dma_start3A_101 = tpu.memref_slice %arg12[%dma_start3A_99, %dma_start3A_100] : memref<10240x128xf32, #tpu.memory_space<vmem_shared>> -> memref<10240x128xf32, #tpu.memory_space<vmem_shared>>
        tpu.enqueue_indirect_dma source(%arg9 : memref<128x128xf32, #tpu.memory_space<vmem>>) target(%dma_start3A_101 : memref<10240x128xf32, #tpu.memory_space<vmem_shared>>) offsets(%dma_start3A_98 : memref<128xi32, #tpu.memory_space<vmem>>) semaphore(%run_scoped3A_95 : memref<!tpu.dma_semaphore, #tpu.memory_space<semaphore_mem>>) {add = true}
        %dma_wait3A_102 = arith.constant 0 : i32
        %dma_wait3A_103 = tpu.memref_slice %arg7[%run_scoped3A_94, %dma_wait3A_102] : memref<16x128xi32, #tpu.memory_space<vmem>> -> memref<1x128xi32, #tpu.memory_space<vmem>>
        %dma_wait3A_104 = tpu.memref_squeeze %dma_wait3A_103 : memref<1x128xi32, #tpu.memory_space<vmem>> -> memref<128xi32, #tpu.memory_space<vmem>>
        %dma_wait3A_105 = arith.constant 0 : i32
        %dma_wait3A_106 = arith.constant 0 : i32
        %dma_wait3A_107 = tpu.memref_slice %arg12[%dma_wait3A_105, %dma_wait3A_106] : memref<10240x128xf32, #tpu.memory_space<vmem_shared>> -> memref<10240x128xf32, #tpu.memory_space<vmem_shared>>
        tpu.wait_indirect_dma semaphore(%run_scoped3A_95 : memref<!tpu.dma_semaphore, #tpu.memory_space<semaphore_mem>>) src(%arg9 : memref<128x128xf32, #tpu.memory_space<vmem>>) dst(%dma_wait3A_107 : memref<10240x128xf32, #tpu.memory_space<vmem_shared>>)
        tpu.yield
      }) : () -> ()
    }
    %scan3A_33 = arith.constant 5 : i32
    %barrier3A_34 = arith.constant 0 : index
    tpu.barrier barrier_id(%barrier3A_34)
    %mul3A_35 = arith.constant 640 : i32
    %mul3A_36 = arith.muli %arg1, %mul3A_35 : i32
    %add3A_37 = arith.constant 0 : i32
    %add3A_38 = arith.addi %mul3A_36, %add3A_37 : i32
    "tpu.region"() ({
      %run_scoped3A = tpu.sem_alloc : memref<!tpu.dma_semaphore, #tpu.memory_space<semaphore_mem>>
      %dma_start3A = arith.constant 0 : i32
      %dma_start3A_55 = tpu.memref_slice %arg5[%arg0, %add3A_38, %dma_start3A] : memref<2x10240x128xf32, #tpu.memory_space<hbm>> -> memref<1x128x128xf32, #tpu.memory_space<hbm>>
      %dma_start3A_56 = tpu.memref_squeeze %dma_start3A_55 : memref<1x128x128xf32, #tpu.memory_space<hbm>> -> memref<128x128xf32, #tpu.memory_space<hbm>>
      %dma_start3A_57 = arith.constant 0 : i32
      %dma_start3A_58 = tpu.memref_slice %arg12[%add3A_38, %dma_start3A_57] : memref<10240x128xf32, #tpu.memory_space<vmem_shared>> -> memref<128x128xf32, #tpu.memory_space<vmem_shared>>
      tpu.enqueue_dma source(%dma_start3A_58 : memref<128x128xf32, #tpu.memory_space<vmem_shared>>) target(%dma_start3A_56 : memref<128x128xf32, #tpu.memory_space<hbm>>) target_semaphore(%run_scoped3A : memref<!tpu.dma_semaphore, #tpu.memory_space<semaphore_mem>>)
      %dma_wait3A = arith.constant 0 : i32
      %dma_wait3A_59 = tpu.memref_slice %arg5[%arg0, %add3A_38, %dma_wait3A] : memref<2x10240x128xf32, #tpu.memory_space<hbm>> -> memref<1x128x128xf32, #tpu.memory_space<hbm>>
      %dma_wait3A_60 = tpu.memref_squeeze %dma_wait3A_59 : memref<1x128x128xf32, #tpu.memory_space<hbm>> -> memref<128x128xf32, #tpu.memory_space<hbm>>
      %dma_wait3A_61 = arith.constant 0 : i32
      %dma_wait3A_62 = tpu.memref_slice %arg12[%add3A_38, %dma_wait3A_61] : memref<10240x128xf32, #tpu.memory_space<vmem_shared>> -> memref<128x128xf32, #tpu.memory_space<vmem_shared>>
      tpu.wait_dma2 semaphore(%run_scoped3A : memref<!tpu.dma_semaphore, #tpu.memory_space<semaphore_mem>>) src(%dma_wait3A_62 : memref<128x128xf32, #tpu.memory_space<vmem_shared>>) dst(%dma_wait3A_60 : memref<128x128xf32, #tpu.memory_space<hbm>>)
      tpu.yield
    }) : () -> ()
    %mul3A_39 = arith.constant 640 : i32
    %mul3A_40 = arith.muli %arg1, %mul3A_39 : i32
    %add3A_41 = arith.constant 128 : i32
    %add3A_42 = arith.addi %mul3A_40, %add3A_41 : i32
    "tpu.region"() ({
      %run_scoped3A = tpu.sem_alloc : memref<!tpu.dma_semaphore, #tpu.memory_space<semaphore_mem>>
      %dma_start3A = arith.constant 0 : i32
      %dma_start3A_55 = tpu.memref_slice %arg5[%arg0, %add3A_42, %dma_start3A] : memref<2x10240x128xf32, #tpu.memory_space<hbm>> -> memref<1x128x128xf32, #tpu.memory_space<hbm>>
      %dma_start3A_56 = tpu.memref_squeeze %dma_start3A_55 : memref<1x128x128xf32, #tpu.memory_space<hbm>> -> memref<128x128xf32, #tpu.memory_space<hbm>>
      %dma_start3A_57 = arith.constant 0 : i32
      %dma_start3A_58 = tpu.memref_slice %arg12[%add3A_42, %dma_start3A_57] : memref<10240x128xf32, #tpu.memory_space<vmem_shared>> -> memref<128x128xf32, #tpu.memory_space<vmem_shared>>
      tpu.enqueue_dma source(%dma_start3A_58 : memref<128x128xf32, #tpu.memory_space<vmem_shared>>) target(%dma_start3A_56 : memref<128x128xf32, #tpu.memory_space<hbm>>) target_semaphore(%run_scoped3A : memref<!tpu.dma_semaphore, #tpu.memory_space<semaphore_mem>>)
      %dma_wait3A = arith.constant 0 : i32
      %dma_wait3A_59 = tpu.memref_slice %arg5[%arg0, %add3A_42, %dma_wait3A] : memref<2x10240x128xf32, #tpu.memory_space<hbm>> -> memref<1x128x128xf32, #tpu.memory_space<hbm>>
      %dma_wait3A_60 = tpu.memref_squeeze %dma_wait3A_59 : memref<1x128x128xf32, #tpu.memory_space<hbm>> -> memref<128x128xf32, #tpu.memory_space<hbm>>
      %dma_wait3A_61 = arith.constant 0 : i32
      %dma_wait3A_62 = tpu.memref_slice %arg12[%add3A_42, %dma_wait3A_61] : memref<10240x128xf32, #tpu.memory_space<vmem_shared>> -> memref<128x128xf32, #tpu.memory_space<vmem_shared>>
      tpu.wait_dma2 semaphore(%run_scoped3A : memref<!tpu.dma_semaphore, #tpu.memory_space<semaphore_mem>>) src(%dma_wait3A_62 : memref<128x128xf32, #tpu.memory_space<vmem_shared>>) dst(%dma_wait3A_60 : memref<128x128xf32, #tpu.memory_space<hbm>>)
      tpu.yield
    }) : () -> ()
    %mul3A_43 = arith.constant 640 : i32
    %mul3A_44 = arith.muli %arg1, %mul3A_43 : i32
    %add3A_45 = arith.constant 256 : i32
    %add3A_46 = arith.addi %mul3A_44, %add3A_45 : i32
    "tpu.region"() ({
      %run_scoped3A = tpu.sem_alloc : memref<!tpu.dma_semaphore, #tpu.memory_space<semaphore_mem>>
      %dma_start3A = arith.constant 0 : i32
      %dma_start3A_55 = tpu.memref_slice %arg5[%arg0, %add3A_46, %dma_start3A] : memref<2x10240x128xf32, #tpu.memory_space<hbm>> -> memref<1x128x128xf32, #tpu.memory_space<hbm>>
      %dma_start3A_56 = tpu.memref_squeeze %dma_start3A_55 : memref<1x128x128xf32, #tpu.memory_space<hbm>> -> memref<128x128xf32, #tpu.memory_space<hbm>>
      %dma_start3A_57 = arith.constant 0 : i32
      %dma_start3A_58 = tpu.memref_slice %arg12[%add3A_46, %dma_start3A_57] : memref<10240x128xf32, #tpu.memory_space<vmem_shared>> -> memref<128x128xf32, #tpu.memory_space<vmem_shared>>
      tpu.enqueue_dma source(%dma_start3A_58 : memref<128x128xf32, #tpu.memory_space<vmem_shared>>) target(%dma_start3A_56 : memref<128x128xf32, #tpu.memory_space<hbm>>) target_semaphore(%run_scoped3A : memref<!tpu.dma_semaphore, #tpu.memory_space<semaphore_mem>>)
      %dma_wait3A = arith.constant 0 : i32
      %dma_wait3A_59 = tpu.memref_slice %arg5[%arg0, %add3A_46, %dma_wait3A] : memref<2x10240x128xf32, #tpu.memory_space<hbm>> -> memref<1x128x128xf32, #tpu.memory_space<hbm>>
      %dma_wait3A_60 = tpu.memref_squeeze %dma_wait3A_59 : memref<1x128x128xf32, #tpu.memory_space<hbm>> -> memref<128x128xf32, #tpu.memory_space<hbm>>
      %dma_wait3A_61 = arith.constant 0 : i32
      %dma_wait3A_62 = tpu.memref_slice %arg12[%add3A_46, %dma_wait3A_61] : memref<10240x128xf32, #tpu.memory_space<vmem_shared>> -> memref<128x128xf32, #tpu.memory_space<vmem_shared>>
      tpu.wait_dma2 semaphore(%run_scoped3A : memref<!tpu.dma_semaphore, #tpu.memory_space<semaphore_mem>>) src(%dma_wait3A_62 : memref<128x128xf32, #tpu.memory_space<vmem_shared>>) dst(%dma_wait3A_60 : memref<128x128xf32, #tpu.memory_space<hbm>>)
      tpu.yield
    }) : () -> ()
    %mul3A_47 = arith.constant 640 : i32
    %mul3A_48 = arith.muli %arg1, %mul3A_47 : i32
    %add3A_49 = arith.constant 384 : i32
    %add3A_50 = arith.addi %mul3A_48, %add3A_49 : i32
    "tpu.region"() ({
      %run_scoped3A = tpu.sem_alloc : memref<!tpu.dma_semaphore, #tpu.memory_space<semaphore_mem>>
      %dma_start3A = arith.constant 0 : i32
      %dma_start3A_55 = tpu.memref_slice %arg5[%arg0, %add3A_50, %dma_start3A] : memref<2x10240x128xf32, #tpu.memory_space<hbm>> -> memref<1x128x128xf32, #tpu.memory_space<hbm>>
      %dma_start3A_56 = tpu.memref_squeeze %dma_start3A_55 : memref<1x128x128xf32, #tpu.memory_space<hbm>> -> memref<128x128xf32, #tpu.memory_space<hbm>>
      %dma_start3A_57 = arith.constant 0 : i32
      %dma_start3A_58 = tpu.memref_slice %arg12[%add3A_50, %dma_start3A_57] : memref<10240x128xf32, #tpu.memory_space<vmem_shared>> -> memref<128x128xf32, #tpu.memory_space<vmem_shared>>
      tpu.enqueue_dma source(%dma_start3A_58 : memref<128x128xf32, #tpu.memory_space<vmem_shared>>) target(%dma_start3A_56 : memref<128x128xf32, #tpu.memory_space<hbm>>) target_semaphore(%run_scoped3A : memref<!tpu.dma_semaphore, #tpu.memory_space<semaphore_mem>>)
      %dma_wait3A = arith.constant 0 : i32
      %dma_wait3A_59 = tpu.memref_slice %arg5[%arg0, %add3A_50, %dma_wait3A] : memref<2x10240x128xf32, #tpu.memory_space<hbm>> -> memref<1x128x128xf32, #tpu.memory_space<hbm>>
      %dma_wait3A_60 = tpu.memref_squeeze %dma_wait3A_59 : memref<1x128x128xf32, #tpu.memory_space<hbm>> -> memref<128x128xf32, #tpu.memory_space<hbm>>
      %dma_wait3A_61 = arith.constant 0 : i32
      %dma_wait3A_62 = tpu.memref_slice %arg12[%add3A_50, %dma_wait3A_61] : memref<10240x128xf32, #tpu.memory_space<vmem_shared>> -> memref<128x128xf32, #tpu.memory_space<vmem_shared>>
      tpu.wait_dma2 semaphore(%run_scoped3A : memref<!tpu.dma_semaphore, #tpu.memory_space<semaphore_mem>>) src(%dma_wait3A_62 : memref<128x128xf32, #tpu.memory_space<vmem_shared>>) dst(%dma_wait3A_60 : memref<128x128xf32, #tpu.memory_space<hbm>>)
      tpu.yield
    }) : () -> ()
    %mul3A_51 = arith.constant 640 : i32
    %mul3A_52 = arith.muli %arg1, %mul3A_51 : i32
    %add3A_53 = arith.constant 512 : i32
    %add3A_54 = arith.addi %mul3A_52, %add3A_53 : i32
    "tpu.region"() ({
      %run_scoped3A = tpu.sem_alloc : memref<!tpu.dma_semaphore, #tpu.memory_space<semaphore_mem>>
      %dma_start3A = arith.constant 0 : i32
      %dma_start3A_55 = tpu.memref_slice %arg5[%arg0, %add3A_54, %dma_start3A] : memref<2x10240x128xf32, #tpu.memory_space<hbm>> -> memref<1x128x128xf32, #tpu.memory_space<hbm>>
      %dma_start3A_56 = tpu.memref_squeeze %dma_start3A_55 : memref<1x128x128xf32, #tpu.memory_space<hbm>> -> memref<128x128xf32, #tpu.memory_space<hbm>>
      %dma_start3A_57 = arith.constant 0 : i32
      %dma_start3A_58 = tpu.memref_slice %arg12[%add3A_54, %dma_start3A_57] : memref<10240x128xf32, #tpu.memory_space<vmem_shared>> -> memref<128x128xf32, #tpu.memory_space<vmem_shared>>
      tpu.enqueue_dma source(%dma_start3A_58 : memref<128x128xf32, #tpu.memory_space<vmem_shared>>) target(%dma_start3A_56 : memref<128x128xf32, #tpu.memory_space<hbm>>) target_semaphore(%run_scoped3A : memref<!tpu.dma_semaphore, #tpu.memory_space<semaphore_mem>>)
      %dma_wait3A = arith.constant 0 : i32
      %dma_wait3A_59 = tpu.memref_slice %arg5[%arg0, %add3A_54, %dma_wait3A] : memref<2x10240x128xf32, #tpu.memory_space<hbm>> -> memref<1x128x128xf32, #tpu.memory_space<hbm>>
      %dma_wait3A_60 = tpu.memref_squeeze %dma_wait3A_59 : memref<1x128x128xf32, #tpu.memory_space<hbm>> -> memref<128x128xf32, #tpu.memory_space<hbm>>
      %dma_wait3A_61 = arith.constant 0 : i32
      %dma_wait3A_62 = tpu.memref_slice %arg12[%add3A_54, %dma_wait3A_61] : memref<10240x128xf32, #tpu.memory_space<vmem_shared>> -> memref<128x128xf32, #tpu.memory_space<vmem_shared>>
      tpu.wait_dma2 semaphore(%run_scoped3A : memref<!tpu.dma_semaphore, #tpu.memory_space<semaphore_mem>>) src(%dma_wait3A_62 : memref<128x128xf32, #tpu.memory_space<vmem_shared>>) dst(%dma_wait3A_60 : memref<128x128xf32, #tpu.memory_space<hbm>>)
      tpu.yield
    }) : () -> ()
    return
  }
}

module attributes {stable_mosaic.version = 14 : i64} {
  func.func @_tc_mm_body(%arg0: memref<10000x128xf32, #tpu.memory_space<vmem>>, %arg1: memref<128x128xf32, #tpu.memory_space<vmem>>, %arg2: memref<10000x128xf32, #tpu.memory_space<vmem>>) attributes {dimension_semantics = [], scalar_prefetch = 0 : i64, scratch_operands = 0 : i64, tpu.core_type = #tpu.core_type<tc>} {
    %get3A = arith.constant 0 : index
    %get3A_0 = arith.constant 0 : index
    %get3A_1 = vector.load %arg0[%get3A, %get3A_0] : memref<10000x128xf32, #tpu.memory_space<vmem>>, vector<10000x128xf32>
    %get3A_2 = arith.constant 0 : index
    %get3A_3 = arith.constant 0 : index
    %get3A_4 = vector.load %arg1[%get3A_2, %get3A_3] : memref<128x128xf32, #tpu.memory_space<vmem>>, vector<128x128xf32>
    %dot_general3A = arith.constant dense<0.000000e+00> : vector<10000x128xf32>
    %dot_general3A_5 = tpu.matmul %get3A_1, %get3A_4, %dot_general3A {dimension_numbers = #tpu.dot_dimension_numbers<[1], [0], [0], [1], [0, 0, 1, 1], [], []>, transpose_lhs_hint = false} : vector<10000x128xf32>, vector<128x128xf32>, vector<10000x128xf32> -> vector<10000x128xf32>
    %swap3A = arith.constant 0 : index
    %swap3A_6 = arith.constant 0 : index
    %swap3A_7 = vector.load %arg2[%swap3A, %swap3A_6] : memref<10000x128xf32, #tpu.memory_space<vmem>>, vector<10000x128xf32>
    tpu.vector_store %arg2[%swap3A, %swap3A_6], %dot_general3A_5 {strides = array<i32>} : memref<10000x128xf32, #tpu.memory_space<vmem>>, vector<10000x128xf32>,
    return
  }
}

module attributes {stable_mosaic.version = 14 : i64} {
  func.func @_tc_scale_body(%arg0: memref<10000x128xf32, #tpu.memory_space<vmem>>, %arg1: memref<2x10240x1xf32, #tpu.memory_space<vmem>>, %arg2: memref<2x10240x1xf32, #tpu.memory_space<vmem>>, %arg3: memref<10000x128xf32, #tpu.memory_space<vmem>>, %arg4: memref<10000x1xf32, #tpu.memory_space<vmem>>, %arg5: memref<10000x1xf32, #tpu.memory_space<vmem>>) attributes {dimension_semantics = [], scalar_prefetch = 0 : i64, scratch_operands = 0 : i64, tpu.core_type = #tpu.core_type<tc>} {
    %get3A = arith.constant 0 : index
    %get3A_0 = arith.constant 0 : index
    %get3A_1 = arith.constant 0 : index
    %get3A_2 = vector.load %arg1[%get3A, %get3A_0, %get3A_1] : memref<2x10240x1xf32, #tpu.memory_space<vmem>>, vector<1x10240x1xf32>
    %get3A_3 = vector.shape_cast %get3A_2 : vector<1x10240x1xf32> to vector<10240x1xf32>
    %get3A_4 = arith.constant 1 : index
    %get3A_5 = arith.constant 0 : index
    %get3A_6 = arith.constant 0 : index
    %get3A_7 = vector.load %arg1[%get3A_4, %get3A_5, %get3A_6] : memref<2x10240x1xf32, #tpu.memory_space<vmem>>, vector<1x10240x1xf32>
    %get3A_8 = vector.shape_cast %get3A_7 : vector<1x10240x1xf32> to vector<10240x1xf32>
    %add3A = arith.addf %get3A_3, %get3A_8 : vector<10240x1xf32>
    %slice3A = vector.extract_strided_slice %add3A {offsets = [0, 0], sizes = [10000, 1], strides = [1, 1]} : vector<10240x1xf32> to vector<10000x1xf32>
    %get3A_9 = arith.constant 0 : index
    %get3A_10 = arith.constant 0 : index
    %get3A_11 = arith.constant 0 : index
    %get3A_12 = vector.load %arg2[%get3A_9, %get3A_10, %get3A_11] : memref<2x10240x1xf32, #tpu.memory_space<vmem>>, vector<1x10240x1xf32>
    %get3A_13 = vector.shape_cast %get3A_12 : vector<1x10240x1xf32> to vector<10240x1xf32>
    %get3A_14 = arith.constant 1 : index
    %get3A_15 = arith.constant 0 : index
    %get3A_16 = arith.constant 0 : index
    %get3A_17 = vector.load %arg2[%get3A_14, %get3A_15, %get3A_16] : memref<2x10240x1xf32, #tpu.memory_space<vmem>>, vector<1x10240x1xf32>
    %get3A_18 = vector.shape_cast %get3A_17 : vector<1x10240x1xf32> to vector<10240x1xf32>
    %add3A_19 = arith.addf %get3A_13, %get3A_18 : vector<10240x1xf32>
    %slice3A_20 = vector.extract_strided_slice %add3A_19 {offsets = [0, 0], sizes = [10000, 1], strides = [1, 1]} : vector<10240x1xf32> to vector<10000x1xf32>
    %max3A = arith.constant 1.000000e+00 : f32
    %max3A_21 = vector.broadcast %max3A : f32 to vector<10000x1xf32>
    %max3A_22 = arith.maximumf %slice3A, %max3A_21 : vector<10000x1xf32>
    %rsqrt3A = math.rsqrt %max3A_22 : vector<10000x1xf32>
    %max3A_23 = arith.constant 1.000000e+00 : f32
    %max3A_24 = vector.broadcast %max3A_23 : f32 to vector<10000x1xf32>
    %max3A_25 = arith.maximumf %slice3A_20, %max3A_24 : vector<10000x1xf32>
    %rsqrt3A_26 = math.rsqrt %max3A_25 : vector<10000x1xf32>
    %get3A_27 = arith.constant 0 : index
    %get3A_28 = arith.constant 0 : index
    %get3A_29 = vector.load %arg0[%get3A_27, %get3A_28] : memref<10000x128xf32, #tpu.memory_space<vmem>>, vector<10000x128xf32>
    %mul3A = vector.broadcast %rsqrt3A : vector<10000x1xf32> to vector<10000x128xf32>
    %mul3A_30 = arith.mulf %get3A_29, %mul3A : vector<10000x128xf32>
    %swap3A = arith.constant 0 : index
    %swap3A_31 = arith.constant 0 : index
    %swap3A_32 = vector.load %arg3[%swap3A, %swap3A_31] : memref<10000x128xf32, #tpu.memory_space<vmem>>, vector<10000x128xf32>
    tpu.vector_store %arg3[%swap3A, %swap3A_31], %mul3A_30 {strides = array<i32>} : memref<10000x128xf32, #tpu.memory_space<vmem>>, vector<10000x128xf32>,
    %swap3A_33 = arith.constant 0 : index
    %swap3A_34 = arith.constant 0 : index
    %swap3A_35 = vector.load %arg4[%swap3A_33, %swap3A_34] : memref<10000x1xf32, #tpu.memory_space<vmem>>, vector<10000x1xf32>
    tpu.vector_store %arg4[%swap3A_33, %swap3A_34], %rsqrt3A {strides = array<i32>} : memref<10000x1xf32, #tpu.memory_space<vmem>>, vector<10000x1xf32>,
    %swap3A_36 = arith.constant 0 : index
    %swap3A_37 = arith.constant 0 : index
    %swap3A_38 = vector.load %arg5[%swap3A_36, %swap3A_37] : memref<10000x1xf32, #tpu.memory_space<vmem>>, vector<10000x1xf32>
    tpu.vector_store %arg5[%swap3A_36, %swap3A_37], %rsqrt3A_26 {strides = array<i32>} : memref<10000x1xf32, #tpu.memory_space<vmem>>, vector<10000x1xf32>,
    return
  }
}

module attributes {stable_mosaic.version = 14 : i64} {
  func.func @_tc_mid_body(%arg0: memref<2x10240x128xf32, #tpu.memory_space<vmem>>, %arg1: memref<10000x1xf32, #tpu.memory_space<vmem>>, %arg2: memref<10000x1xf32, #tpu.memory_space<vmem>>, %arg3: memref<128xf32, #tpu.memory_space<vmem>>, %arg4: memref<128x128xf32, #tpu.memory_space<vmem>>, %arg5: memref<10000x128xf32, #tpu.memory_space<vmem>>) attributes {dimension_semantics = [], scalar_prefetch = 0 : i64, scratch_operands = 0 : i64, tpu.core_type = #tpu.core_type<tc>} {
    %get3A = arith.constant 0 : index
    %get3A_0 = arith.constant 0 : index
    %get3A_1 = arith.constant 0 : index
    %get3A_2 = vector.load %arg0[%get3A, %get3A_0, %get3A_1] : memref<2x10240x128xf32, #tpu.memory_space<vmem>>, vector<1x10000x128xf32>
    %get3A_3 = vector.shape_cast %get3A_2 : vector<1x10000x128xf32> to vector<10000x128xf32>
    %get3A_4 = arith.constant 1 : index
    %get3A_5 = arith.constant 0 : index
    %get3A_6 = arith.constant 0 : index
    %get3A_7 = vector.load %arg0[%get3A_4, %get3A_5, %get3A_6] : memref<2x10240x128xf32, #tpu.memory_space<vmem>>, vector<1x10000x128xf32>
    %get3A_8 = vector.shape_cast %get3A_7 : vector<1x10000x128xf32> to vector<10000x128xf32>
    %add3A = arith.addf %get3A_3, %get3A_8 : vector<10000x128xf32>
    %get3A_9 = arith.constant 0 : index
    %get3A_10 = arith.constant 0 : index
    %get3A_11 = vector.load %arg2[%get3A_9, %get3A_10] : memref<10000x1xf32, #tpu.memory_space<vmem>>, vector<10000x1xf32>
    %mul3A = vector.broadcast %get3A_11 : vector<10000x1xf32> to vector<10000x128xf32>
    %mul3A_12 = arith.mulf %add3A, %mul3A : vector<10000x128xf32>
    %get3A_13 = arith.constant 0 : index
    %get3A_14 = vector.load %arg3[%get3A_13] : memref<128xf32, #tpu.memory_space<vmem>>, vector<128xf32>
    %broadcast_in_dim3A = vector.shape_cast %get3A_14 : vector<128xf32> to vector<1x128xf32>
    %add3A_15 = vector.broadcast %broadcast_in_dim3A : vector<1x128xf32> to vector<10000x128xf32>
    %add3A_16 = arith.addf %mul3A_12, %add3A_15 : vector<10000x128xf32>
    %max3A = arith.constant 0.000000e+00 : f32
    %max3A_17 = vector.broadcast %max3A : f32 to vector<10000x128xf32>
    %max3A_18 = arith.maximumf %add3A_16, %max3A_17 : vector<10000x128xf32>
    %get3A_19 = arith.constant 0 : index
    %get3A_20 = arith.constant 0 : index
    %get3A_21 = vector.load %arg4[%get3A_19, %get3A_20] : memref<128x128xf32, #tpu.memory_space<vmem>>, vector<128x128xf32>
    %dot_general3A = arith.constant dense<0.000000e+00> : vector<10000x128xf32>
    %dot_general3A_22 = tpu.matmul %max3A_18, %get3A_21, %dot_general3A {dimension_numbers = #tpu.dot_dimension_numbers<[1], [0], [0], [1], [0, 0, 1, 1], [], []>, transpose_lhs_hint = false} : vector<10000x128xf32>, vector<128x128xf32>, vector<10000x128xf32> -> vector<10000x128xf32>
    %get3A_23 = arith.constant 0 : index
    %get3A_24 = arith.constant 0 : index
    %get3A_25 = vector.load %arg1[%get3A_23, %get3A_24] : memref<10000x1xf32, #tpu.memory_space<vmem>>, vector<10000x1xf32>
    %mul3A_26 = vector.broadcast %get3A_25 : vector<10000x1xf32> to vector<10000x128xf32>
    %mul3A_27 = arith.mulf %dot_general3A_22, %mul3A_26 : vector<10000x128xf32>
    %swap3A = arith.constant 0 : index
    %swap3A_28 = arith.constant 0 : index
    %swap3A_29 = vector.load %arg5[%swap3A, %swap3A_28] : memref<10000x128xf32, #tpu.memory_space<vmem>>, vector<10000x128xf32>
    tpu.vector_store %arg5[%swap3A, %swap3A_28], %mul3A_27 {strides = array<i32>} : memref<10000x128xf32, #tpu.memory_space<vmem>>, vector<10000x128xf32>,
    return
  }
}

module attributes {stable_mosaic.version = 14 : i64} {
  func.func @_tc_post_body(%arg0: memref<2x10240x128xf32, #tpu.memory_space<vmem>>, %arg1: memref<10000x1xf32, #tpu.memory_space<vmem>>, %arg2: memref<128xf32, #tpu.memory_space<vmem>>, %arg3: memref<10000x128xf32, #tpu.memory_space<vmem>>) attributes {dimension_semantics = [], scalar_prefetch = 0 : i64, scratch_operands = 0 : i64, tpu.core_type = #tpu.core_type<tc>} {
    %get3A = arith.constant 0 : index
    %get3A_0 = arith.constant 0 : index
    %get3A_1 = arith.constant 0 : index
    %get3A_2 = vector.load %arg0[%get3A, %get3A_0, %get3A_1] : memref<2x10240x128xf32, #tpu.memory_space<vmem>>, vector<1x10000x128xf32>
    %get3A_3 = vector.shape_cast %get3A_2 : vector<1x10000x128xf32> to vector<10000x128xf32>
    %get3A_4 = arith.constant 1 : index
    %get3A_5 = arith.constant 0 : index
    %get3A_6 = arith.constant 0 : index
    %get3A_7 = vector.load %arg0[%get3A_4, %get3A_5, %get3A_6] : memref<2x10240x128xf32, #tpu.memory_space<vmem>>, vector<1x10000x128xf32>
    %get3A_8 = vector.shape_cast %get3A_7 : vector<1x10000x128xf32> to vector<10000x128xf32>
    %add3A = arith.addf %get3A_3, %get3A_8 : vector<10000x128xf32>
    %get3A_9 = arith.constant 0 : index
    %get3A_10 = arith.constant 0 : index
    %get3A_11 = vector.load %arg1[%get3A_9, %get3A_10] : memref<10000x1xf32, #tpu.memory_space<vmem>>, vector<10000x1xf32>
    %mul3A = vector.broadcast %get3A_11 : vector<10000x1xf32> to vector<10000x128xf32>
    %mul3A_12 = arith.mulf %add3A, %mul3A : vector<10000x128xf32>
    %get3A_13 = arith.constant 0 : index
    %get3A_14 = vector.load %arg2[%get3A_13] : memref<128xf32, #tpu.memory_space<vmem>>, vector<128xf32>
    %broadcast_in_dim3A = vector.shape_cast %get3A_14 : vector<128xf32> to vector<1x128xf32>
    %add3A_15 = vector.broadcast %broadcast_in_dim3A : vector<1x128xf32> to vector<10000x128xf32>
    %add3A_16 = arith.addf %mul3A_12, %add3A_15 : vector<10000x128xf32>
    %swap3A = arith.constant 0 : index
    %swap3A_17 = arith.constant 0 : index
    %swap3A_18 = vector.load %arg3[%swap3A, %swap3A_17] : memref<10000x128xf32, #tpu.memory_space<vmem>>, vector<10000x128xf32>
    tpu.vector_store %arg3[%swap3A, %swap3A_17], %add3A_16 {strides = array<i32>} : memref<10000x128xf32, #tpu.memory_space<vmem>>, vector<10000x128xf32>,
    return
  }
}

</mosaic_0001>

<sc_bundles>
// kernel: kernel.12.cloned.1.call-start
scs
__scs_entry_jumppad:
0x0: {  	(pc) =	sbr.rel $0x88, $3  }
0x1: {  	(tag) =	ssettag $0x0;
	lr =	simm.s32 $0x1  }
0x2: {  	[smem:$0x3F9B] =	sst lr;
	_ =	strace $0xD0000000  }
0x3: {  	_ = 	snop  }
0x4: {  	_ = 	snop  }
0x5: {  	_ = 	snop  }
0x6: {  	_ = 	snop  }
0x7: {  	_ = 	snop  }
__scs_overlays_trampoline_lowered:
0x8: {  	[smem:$0x3FAA] =	sst s0  }
0x9: {  	[smem:$0x3FAB] =	sst s1  }
0xa: {  	[smem:$0x3FAC] =	sst s2  }
0xb: {  	[smem:$0x3FAD] =	sst s3  }
0xc: {  	[smem:$0x3FAE] =	sst s4  }
0xd: {  	[smem:$0x3FAF] =	sst s5  }
0xe: {  	[smem:$0x3FB0] =	sst s6  }
0xf: {  	[smem:$0x3FB1] =	sst s7  }
0x10: {  	[smem:$0x3FB2] =	sst s8  }
0x11: {  	[smem:$0x3FB3] =	sst s9;
	s0 =	simm.s32 @!p0 $0x0  }
0x12: {  	s1 =	sld [smem:$0x3F99];
	s0 =	simm.s32 @p0 $0x1  }
0x13: {  	[smem:$0x3FB4] =	sst s0;
	s0 =	simm.s32 @!p1 $0x0  }
0x14: {  	s2 =	sld [smem:$0x3F98];
	s0 =	simm.s32 @p1 $0x1  }
0x15: {  	[smem:$0x3FB5] =	sst s0;
	s0 =	simm.s32 @!p2 $0x0  }
0x16: {  	s3 =	sld [smem:$0x3FDB];
	s0 =	simm.s32 @p2 $0x1  }
0x17: {  	s4 =	simm.s32 $0x1BF5;
	[smem:$0x3FB7] =	sst s0  }
0x18: {  	s0 =	sld [smem:$0x3F9A];
	_ =	swait.ge [sflag:s4], $0x0  }
0x19: {  	s7 =	sld [smem:$0x3F9B]  }
0x1a: {  	s8 =	sadd.s32 $0xFFFFE003, lr  }
0x1b: {  	s9 =	sadd.s32 $0xFFFFFEF7, lr;
	s5 =	simm.s32 $0xFFFFFFFF;
	p2 =	slt.u32 s8, $0xFFFFF086  }
0x1c: {  	p1 =	slt.u32 s9, $0xF7A;
	s5 =	simm.s32 @!p2 $0x0  }
0x1d: {  	s5 =	simm.s32 @p1 $0x1;
	p0 =	seq.s32 s7, s2  }
0x1e: {  	s7 =	smul.u32 @!p0 $0xF7A, s2;
	p2 =	seq.s32 @!p0 s5, $0x0  }
0x1f: {  	s9 =	smul.u32 $0xF7A, s1;
	s8 =	simm.s32 @!p0 $0x1BF5;
	p2 =	por !p2, p0  }
0x20: {  	[sflag:s8] =	ssyncset.s32 @!p0 $0xFFFFF086;
	s6 =	sadd.s32 @!p0 s3, s7;
	s7 =	simm.s32 @!p0 $0x108  }
0x21: {  	s3 =	sadd.s32 s3, s9;
	s6 =	sadd.s32 @!p0 $0x88, s6;
	s7 =	simm.s32 @p2 $0x1082  }
0x22: {  	[simem:s7], [sflag:s8] =	dma.local @!p0 [hbm:s6], $0xF7A  }
0x23: {  	s9 =	sor.u32 $0xD0000000, s2;
	s6 =	simm.s32 $0x108;
	_ =	swait.ge @!p0 [sflag:s8], $0x0  }
0x24: {  	s3 =	sadd.s32 $0x88, s3;
	s6 =	simm.s32 @!p1 $0x1082;
	[sflag:s4] =	ssyncset.s32 $0xFFFFF086  }
0x25: {  	[simem:s6], [sflag:s4] =	dma.local [hbm:s3], $0xF7A  }
0x26: {  	[smem:$0x3F9B] =	sst s1;
	(tag) =	ssettag s2;
	_ =	strace s9  }
0x27: {  	s1 =	sld [smem:$0x3FAB]  }
0x28: {  	s2 =	sld [smem:$0x3FAC]  }
0x29: {  	s4 =	sld [smem:$0x3FAE]  }
0x2a: {  	p0 =	seq.s32 s5, $0x0;
	s5 =	sld [smem:$0x3FAF]  }
0x2b: {  	s6 =	sld [smem:$0x3FB0]  }
0x2c: {  	s7 =	sld [smem:$0x3FB1]  }
0x2d: {  	s3 =	simm.s32 $0x108;
	s8 =	sld [smem:$0x3FB2]  }
0x2e: {  	s3 =	simm.s32 @!p0 $0x1082;
	s9 =	sld [smem:$0x3FB3]  }
0x2f: {  	lr =	sadd.s32 s0, s3;
	s0 =	sld [smem:$0x3FAA]  }
0x30: {  	s3 =	sld [smem:$0x3FAD]  }
0x31: {  	[smem:$0x3FB6] =	sst s10  }
0x32: {  	s10 =	sld [smem:$0x3FB4];
	_ =	sdelay $0x3  }
0x33: {  	p0 =	seq.s32 s10, $0x1;
	s10 =	sld [smem:$0x3FB6];
	_ =	sdelay $0x3  }
0x34: {  	[smem:$0x3FB6] =	sst s10  }
0x35: {  	s10 =	sld [smem:$0x3FB5];
	_ =	sdelay $0x3  }
0x36: {  	p1 =	seq.s32 s10, $0x1;
	s10 =	sld [smem:$0x3FB6];
	_ =	sdelay $0x3  }
0x37: {  	[smem:$0x3FB6] =	sst s10  }
0x38: {  	s10 =	sld [smem:$0x3FB7]  }
0x39: {  	_ = 	snop;
	(pc) =	sbr.ind lr, $3  }
0x3a: {  	_ = 	snop  }
0x3b: {  	_ = 	snop  }
0x3c: {  	p2 =	seq.s32 s10, $0x1;
	s10 =	sld [smem:$0x3FB6]  }
0x3d: {  	_ =	shalt  }
0x3e: {  	_ =	shalt  }
0x3f: {  	_ =	shalt  }
0x40: {  	_ =	shalt  }
0x41: {  	_ =	shalt  }
0x42: {  	_ =	shalt  }
0x43: {  	_ =	shalt  }
0x44: {  	_ =	shalt  }
0x45: {  	_ =	shalt  }
0x46: {  	_ =	shalt  }
0x47: {  	_ =	shalt  }
0x48: {  	_ =	shalt  }
0x49: {  	_ =	shalt  }
0x4a: {  	_ =	shalt  }
0x4b: {  	_ =	shalt  }
0x4c: {  	_ =	shalt  }
0x4d: {  	_ =	shalt  }
0x4e: {  	_ =	shalt  }
0x4f: {  	_ =	shalt  }
0x50: {  	_ =	shalt  }
0x51: {  	_ =	shalt  }
0x52: {  	_ =	shalt  }
0x53: {  	_ =	shalt  }
0x54: {  	_ =	shalt  }
0x55: {  	_ =	shalt  }
0x56: {  	_ =	shalt  }
0x57: {  	_ =	shalt  }
0x58: {  	_ =	shalt  }
0x59: {  	_ =	shalt  }
0x5a: {  	_ =	shalt  }
0x5b: {  	_ =	shalt  }
0x5c: {  	_ =	shalt  }
0x5d: {  	_ =	shalt  }
0x5e: {  	_ =	shalt  }
0x5f: {  	_ =	shalt  }
0x60: {  	_ =	shalt  }
0x61: {  	_ =	shalt  }
0x62: {  	_ =	shalt  }
0x63: {  	_ =	shalt  }
0x64: {  	_ =	shalt  }
0x65: {  	_ =	shalt  }
0x66: {  	_ =	shalt  }
0x67: {  	_ =	shalt  }
0x68: {  	_ =	shalt  }
0x69: {  	_ =	shalt  }
0x6a: {  	_ =	shalt  }
0x6b: {  	_ =	shalt  }
0x6c: {  	_ =	shalt  }
0x6d: {  	_ =	shalt  }
0x6e: {  	_ =	shalt  }
0x6f: {  	_ =	shalt  }
0x70: {  	_ =	shalt  }
0x71: {  	_ =	shalt  }
0x72: {  	_ =	shalt  }
0x73: {  	_ =	shalt  }
0x74: {  	_ =	shalt  }
0x75: {  	_ =	shalt  }
0x76: {  	_ =	shalt  }
0x77: {  	_ =	shalt  }
0x78: {  	_ =	shalt  }
0x79: {  	_ =	shalt  }
0x7a: {  	_ =	shalt  }
0x7b: {  	_ =	shalt  }
0x7c: {  	_ =	shalt  }
0x7d: {  	_ =	shalt  }
0x7e: {  	_ =	shalt  }
0x7f: {  	_ =	shalt  }
0x80: {  	_ =	shalt  }
0x81: {  	_ =	shalt  }
0x82: {  	_ =	shalt  }
0x83: {  	_ =	shalt  }
0x84: {  	_ =	shalt  }
0x85: {  	_ =	shalt  }
0x86: {  	_ =	shalt  }
0x87: {  	_ =	shalt  }
.Lfunc_end0:
.L_simem_size_0:
called_computation.1_lowered:
.L_overlay_start_0:
0x88: {  	s2 =	sld [smem:$0x3FD9]  }
0x89: {  	s3 =	sld [smem:$0x3FFE];
	_ =	sdelay $0x1  }
0x8a: {  	s1 =	srdreg.scid  }
0x8b: {  	s0 =	sand.u32 $0x1, s1  }
0x8c: {  	s17 =	sshll.u32 s0, $0xA;
	s2 =	sadd.s32 s3, s2  }
0x8d: {  	s2 =	sadd.s32 s2, s17  }
0x8e: {  	[smem:$0x3FC2] =	sst s2  }
0x8f: {  	_ = 	snop  }
0x90: {  	s2 =	sld [smem:$0x3FD0];
	(tm) =	ssettm $0x1  }
0x91: {  	s18 =	sld [smem:$0x3FFB];
	_ =	sdelay $0x3  }
0x92: {  	_ =	strace s18  }
0x93: {  	s3 =	sld [smem:$0x3FFC];
	_ =	sdelay $0x3  }
0x94: {  	_ =	strace s3  }
0x95: {  	s3 =	sld [smem:$0x3FFD];
	_ =	sdelay $0x3  }
0x96: {  	_ =	strace s3  }
0x97: {  	_ =	strace $0x8FFFFFFF  }
0x98: {  	s19 =	sld [smem:$0x3FDB];
	_ =	sdelay $0x1  }
0x99: {  	s4 =	simm.s32 $_scs_section_size  }
0x9a: {  	s5 =	simm.s32 $_size__tile_overlayer_lowered;
	s6 =	simm.s32 $_tile_overlayer_lowered  }
0x9b: {  	s22 =	simm.s32 $0x1BFF;
	s21 =	sshll.u32 s6, $0x1;
	s3 =	sadd.s32 s4, s19  }
0x9c: {  	s7 =	simm.s32 $0x0;
	s20 =	sshll.u32 s5, $0x1;
	s5 =	sadd.s32 s21, s3  }
0x9d: {  	[timem:s7], [sflag:s22] =	dma.local [hbm:s5], s20  }
0x9e: {  	_ =	swait.ge [sflag:s22], s20  }
0x9f: {  	s4 =	ssub.s32 $0x0, s20;
	[sflag:s22] =	ssyncset.done $0x0  }
0xa0: {  	[sflag:s22] =	ssyncadd.s32 s4;
	_ =	sdelay $0x1  }
0xa1: {  	s23 =	simm.s32 $0x1B8B  }
0xa2: {  	_ =	swait.ge [sflag:s23], $0x1  }
0xa3: {  	[sflag:s23] =	ssyncset.done $0x0  }
0xa4: {  	s25 =	simm.s32 $0x1B8E;
	s24 =	sld [smem:$0x3FFE];
	[sflag:s23] =	ssyncadd.s32 $0xFFFFFFFF  }
0xa5: {  	s26 =	simm.s32 $execute0_lowered;
	[smem:$0x3FD2] =	sst s25  }
0xa6: {  	s5 =	sshll.u32 s26, $0x1;
	_ =	strace $0x80000049;
	[dreg:$0x1] =	wrdreg $0xFFFFFFFF  }
0xa7: {  	s28 =	simm.s32 $_size_execute0_lowered;
	s3 =	sadd.s32 s3, s5;
	[dreg:$0x0] =	wrdreg $0x0  }
0xa8: {  	s5 =	sshll.u32 s28, $0x1;
	[dreg:$0x2] =	wrdreg s3  }
0xa9: {  	[dreg:$0x3] =	wrdreg s5  }
0xaa: {  	[dreg:$0x4] =	wrdreg $0xC0  }
0xab: {  	_ =	task [dreg:s7], $0x5FFFF  }
0xac: {  	[dreg:$0x1] =	wrdreg $0xFFFFFFFF  }
0xad: {  	[dreg:$0x0] =	wrdreg $0x60  }
0xae: {  	[dreg:$0x2] =	wrdreg s2  }
0xaf: {  	[dreg:$0x3] =	wrdreg s24  }
0xb0: {  	[dreg:$0x4] =	wrdreg $0x90000  }
0xb1: {  	[dreg:$0x5] =	wrdreg $0x9  }
0xb2: {  	_ =	task.clear_ibuf [dreg:s7], $0x6FFFF;
	_ =	strace $0x90000049  }
0xb3: {  	s29 =	simm.s32 $0x9;
	_ =	strace $0x8000004B  }
0xb4: {  	_ =	swait.ge [sflag:s29], $0x1  }
0xb5: {  	[sflag:s29] =	ssyncadd.s32 $0xFFFFFFFF  }
0xb6: {  	_ =	strace $0x9000004B  }
0xb7: {  	_ =	sfence  }
0xb8: {  	s30 =	sld [smem:$0x0];
	_ =	sdelay $0x2  }
0xb9: {  	s31 =	sshll.u32 s1, $0xD;
	s1 =	sshrl.u32 s1, $0x2  }
0xba: {  	s3 =	sand.u32 $0x4000, s31;
	s1 =	sadd.s32 s1, s30  }
0xbb: {  	s0 =	sor.u32 s3, s0;
	s1 =	sshll.u32 s1, $0x11  }
0xbc: {  	s0 =	sor.u32 s1, s0  }
0xbd: {  	s0 =	sadd.s32 $0x8F2B, s0  }
0xbe: {  	[sflag:s0] =	ssyncadd.remote.s32 $0x1  }
0xbf: {  	_ =	sfence.sel $0xFFFF  }
0xc0: {  	[dreg:$0x0] =	wrdreg $0xFFFFFFFF;
	(pc) =	sbr.abs _section_cstart, $3  }
0xc1: {  	[dreg:$0x1] =	wrdreg $0xFFFFFFFF  }
0xc2: {  	_ =	task.clear_ibuf [dreg:s7], $0x2FFFF;
	_ =	strace $0x9FFFFFFF  }
0xc3: {  	(tm) =	ssettm $0x7FFFFFFF  }
tec
execute0_lowered:
.L_overlay_start_1:
0x0: {  	(tag) =	ssettag $0x1  }
0x1: {  	s1 =	rddreg [dreg:$0x0]  }
0x2: {  	s0 =	srdreg.scid;
	s5 =	rddreg [dreg:$0x1]  }
0x3: {  	s9 =	stileid.u32;
	s3 =	rddreg [dreg:$0x2];
	s4 =	simm.s32 $0x0  }
0x4: {  	s14 =	simm.s32 $0x100;
	s15 =	simm.s32 $0x880;
	s16 =	simm.s32 $0x180  }
0x5: {  	s17 =	simm.s32 $0x900;
	s18 =	simm.s32 $0x200;
	s19 =	simm.s32 $0x980  }
0x6: {  	s28 =	simm.s32 $0x500;
	s29 =	simm.s32 $0xC80;
	[smem:$0x7FF] =	sst s4  }
0x7: {  	s6 =	smul.u32 $0x2800, s9;
	_ =	strace $0x8000004A;
	[dreg:$0x6] =	wrdreg s14  }
0x8: {  	s30 =	simm.s32 $0x580;
	s21 =	smul.u32 $0x50000, s9;
	[dreg:$0x7] =	wrdreg s15  }
0x9: {  	s0 =	sand.u32 $0x1, s0;
	s9 =	smul.u32 $0x14000, s9;
	[dreg:$0x8] =	wrdreg s16  }
0xa: {  	s31 =	simm.s32 $0xD00;
	s2 =	smul.u32 $0x28000, s0;
	[dreg:$0x9] =	wrdreg s17  }
0xb: {  	s7 =	ssub.s32 $0x2, s0;
	s0 =	smul.u32 $0x140000, s0;
	[dreg:$0xa] =	wrdreg s18  }
0xc: {  	[dreg:$0xb] =	wrdreg s19;
	s16 =	simm.s32 $0x1000;
	s17 =	simm.s32 $0x3  }
0xd: {  	s18 =	simm.s32 $0x800;
	s19 =	simm.s32 $0x80;
	s14 =	simm.s32 $0x780  }
0xe: {  	s15 =	simm.s32 $0xF00;
	s8 =	sshrl.u32 s7, $0x1;
	s22 =	sadd.s32 $0x4000, s9  }
0xf: {  	s23 =	sadd.s32 $0x8000, s9;
	s25 =	sadd.s32 $0xC000, s9;
	s26 =	sadd.s32 $0x10000, s9  }
0x10: {  	s2 =	sadd.s32 s6, s2;
	s6 =	sshrl.u32 s21, $0x2;
	s7 =	ssub.s32 s7, s8  }
0x11: {  	s10 =	sadd.s32 s22, s3;
	s24 =	sadd.s32 s23, s3;
	s11 =	sadd.s32 s25, s3  }
0x12: {  	s9 =	sadd.s32 s9, s0;
	s12 =	sadd.s32 s26, s3;
	[dreg:$0x13] =	wrdreg s10  }
0x13: {  	s8 =	sadd.s32 s0, s23;
	s13 =	sadd.s32 s0, s25;
	[dreg:$0x14] =	wrdreg s24  }
0x14: {  	s21 =	simm.s32 $0x280;
	s23 =	simm.s32 $0x300;
	[dreg:$0x15] =	wrdreg s11  }
0x15: {  	s25 =	simm.s32 $0x380;
	s2 =	sshrl.u32 s2, $0x3;
	[dreg:$0x16] =	wrdreg s12  }
0x16: {  	s6 =	sadd.s32 s6, s3;
	s9 =	sshrl.u32 s9, $0x3;
	[dreg:$0xc] =	wrdreg s21  }
0x17: {  	s20 =	smax.u32 s7, $0x1;
	[dreg:$0xe] =	wrdreg s23;
	s24 =	simm.s32 $0xA80  }
0x18: {  	[dreg:$0x10] =	wrdreg s25;
	s21 =	simm.s32 $0x5000;
	s23 =	simm.s32 $0x400  }
0x19: {  	s25 =	simm.s32 $0x480;
	s10 =	simm.s32 $0x680;
	s11 =	simm.s32 $0xE00  }
0x1a: {  	s7 =	simm.s32 $0x0;
	s2 =	sadd.s32 s2, s5;
	[dreg:$0x12] =	wrdreg s6  }
0x1b: {  	s5 =	sadd.s32 $0x15600, s5;
	s6 =	sadd.s32 s0, s22;
	[dreg:$0x1c] =	wrdreg s20  }
0x1c: {  	s0 =	sadd.s32 s0, s26;
	s22 =	simm.s32 $0xA00;
	[dreg:$0xf] =	wrdreg s24  }
0x1d: {  	s20 =	simm.s32 $0x1;
	s26 =	simm.s32 $0xB00;
	s24 =	simm.s32 $0xB80  }
0x1e: {  	s9 =	sadd.s32 s5, s9;
	s6 =	sshrl.u32 s6, $0x3;
	[dreg:$0xd] =	wrdreg s22  }
0x1f: {  	s12 =	sadd.s32 $0xB600, s2;
	s2 =	sadd.s32 $0x1600, s2;
	[dreg:$0x11] =	wrdreg s26  }
0x20: {  	s0 =	sshrl.u32 s0, $0x3;
	s22 =	simm.s32 $0x2;
	[dreg:$0x17] =	wrdreg s9  }
0x21: {  	s26 =	simm.s32 $0xC00;
	s6 =	sadd.s32 s5, s6;
	[dreg:$0x4] =	wrdreg s12  }
0x22: {  	s9 =	sshrl.u32 s8, $0x3;
	[dreg:$0x5] =	wrdreg s2;
	s0 =	sadd.s32 s5, s0  }
0x23: {  	s2 =	simm.s32 $0x600;
	[dreg:$0x18] =	wrdreg s6;
	s6 =	sadd.s32 s5, s9  }
0x24: {  	s12 =	simm.s32 $0x700;
	[dreg:$0x19] =	wrdreg s6;
	s6 =	sshrl.u32 s13, $0x3  }
0x25: {  	[dreg:$0x1b] =	wrdreg s0;
	s0 =	simm.s32 $0xD80;
	s6 =	sadd.s32 s5, s6  }
0x26: {  	v0 =	vimm.f32 $0.0e+00;
	s13 =	simm.s32 $0xE80;
	s5 =	simm.s32 $0xF80;
	[dreg:$0x1a] =	wrdreg s6  }
.LBB2_1:
0x27: {  	[dreg:$0x1d] =	wrdreg s7;
	s7 =	simm.s32 $0x0;
	s8 =	simm.s32 $0x200  }
.LBB2_2:
0x28: {  	p0 =	sne.s32 s8, $0xFE00;
	[tilespmem:s7+$0x1070] =	vst v0  }
0x29: {  	[tilespmem:s7+$0x1000] =	vst v0  }
0x2a: {  	[tilespmem:s7+$0x1010] =	vst v0  }
.Ltmp0:
0x2b: {  	[tilespmem:s7+$0x1020] =	vst v0;
	(pc) =	sbr.rel @p0 .LBB2_2-.Ltmp0, $4  }
0x2c: {  	[tilespmem:s7+$0x1030] =	vst v0  }
0x2d: {  	[tilespmem:s7+$0x1040] =	vst v0  }
0x2e: {  	[tilespmem:s7+$0x1050] =	vst v0  }
0x2f: {  	[tilespmem:s7+$0x1060] =	vst v0;
	s7 =	sshra.s32 s8, $0x2;
	s8 =	sadd.s32 $0x200, s8  }
0x30: {  	[tilespmem:s7+$0x1070] =	vst v0  }
0x31: {  	[tilespmem:s7+$0x1000] =	vst v0  }
0x32: {  	[tilespmem:s7+$0x1010] =	vst v0  }
0x33: {  	[tilespmem:s7+$0x1020] =	vst v0  }
0x34: {  	[tilespmem:s7+$0x1030] =	vst v0  }
0x35: {  	[tilespmem:s7+$0x1040] =	vst v0  }
0x36: {  	[tilespmem:s7+$0x1050] =	vst v0  }
0x37: {  	[tilespmem:s7+$0x1060] =	vst v0;
	s6 =	rddreg [dreg:$0x12]  }
0x38: {  	[spmem:s6] =	stream.linear.scatter [tilespmem:s16], [sflag:$0x3], $0x4000, $0x38;
	[tilespmem:$0x1D000] =	vst v63  }
0x39: {  	_ =	swait.ge [sflag:s17], $0x4000  }
0x3a: {  	[sflag:s17] =	ssyncset.done $0x0  }
0x3b: {  	s7 =	rddreg [dreg:$0x13];
	[sflag:s17] =	ssyncadd.s32 $0xFFFFC000  }
0x3c: {  	[spmem:s7] =	stream.linear.scatter [tilespmem:s16], [sflag:$0x3], $0x4000, $0x38;
	[tilespmem:$0x1D000] =	vst v63  }
0x3d: {  	_ =	swait.ge [sflag:s17], $0x4000  }
0x3e: {  	[sflag:s17] =	ssyncset.done $0x0  }
0x3f: {  	s8 =	rddreg [dreg:$0x14];
	[sflag:s17] =	ssyncadd.s32 $0xFFFFC000  }
0x40: {  	[spmem:s8] =	stream.linear.scatter [tilespmem:s16], [sflag:$0x3], $0x4000, $0x38;
	[tilespmem:$0x1D000] =	vst v63  }
0x41: {  	_ =	swait.ge [sflag:s17], $0x4000  }
0x42: {  	[sflag:s17] =	ssyncset.done $0x0  }
0x43: {  	s9 =	rddreg [dreg:$0x15];
	[sflag:s17] =	ssyncadd.s32 $0xFFFFC000  }
0x44: {  	[spmem:s9] =	stream.linear.scatter [tilespmem:s16], [sflag:$0x3], $0x4000, $0x38;
	[tilespmem:$0x1D000] =	vst v63  }
0x45: {  	_ =	swait.ge [sflag:s17], $0x4000  }
0x46: {  	[sflag:s17] =	ssyncset.done $0x0  }
0x47: {  	s7 =	rddreg [dreg:$0x16];
	[sflag:s17] =	ssyncadd.s32 $0xFFFFC000  }
0x48: {  	[spmem:s7] =	stream.linear.scatter [tilespmem:s16], [sflag:$0x3], $0x4000, $0x38;
	[tilespmem:$0x1D000] =	vst v63  }
0x49: {  	_ =	swait.ge [sflag:s17], $0x4000  }
0x4a: {  	[sflag:s17] =	ssyncset.done $0x0  }
0x4b: {  	[sflag:s17] =	ssyncadd.s32 $0xFFFFC000  }
0x4c: {  	[bflag:$0x0] =	sbarrier.arrive $0xFFFF  }
0x4d: {  	s8 =	rddreg [dreg:$0x5]  }
0x4e: {  	s7 =	sadd.s32 $0x0, s8  }
0x4f: {  	[tilespmem:s4], [sflag:$0x3] =	stream.linear.gather [hbm4b:s7+s4], $0x800, $0x38;
	[tilespmem:$0x1D000] =	vst v63  }
0x50: {  	_ =	swait.ge [sflag:s17], $0x800  }
0x51: {  	s9 =	rddreg [dreg:$0x4];
	[sflag:s17] =	ssyncset.done $0x0  }
0x52: {  	[sflag:s17] =	ssyncadd.s32 $0xFFFFF800;
	s7 =	sadd.s32 $0x0, s9  }
0x53: {  	[tilespmem:s18], [sflag:$0x3] =	stream.linear.gather [hbm4b:s7+s4], $0x800, $0x38;
	[tilespmem:$0x1D000] =	vst v63  }
0x54: {  	_ =	swait.ge [sflag:s17], $0x800  }
0x55: {  	[sflag:s17] =	ssyncset.done $0x0  }
0x56: {  	[sflag:s17] =	ssyncadd.s32 $0xFFFFF800  }
0x57: {  	[tilespmem:s16], [sflag:$0x1] =	stream.indirect.gather [hbm4b:s1+s19], $0x80, s4, s19, $0xb8;
	[tilespmem:$0x1D000] =	vst v63  }
0x58: {  	_ =	swait.ge [sflag:s20], $0x4000  }
0x59: {  	[sflag:s20] =	ssyncset.done $0x0  }
0x5a: {  	[sflag:s20] =	ssyncadd.s32 $0xFFFFC000  }
0x5b: {  	[tilespmem:s21], [sflag:$0x2] =	stream.indirect.gather [hbm4b:s1+s19], $0x80, s19, s19, $0xb8;
	[tilespmem:$0x1D000] =	vst v63  }
0x5c: {  	_ = 	snop  }
0x5d: {  	[spmem:s3] =	stream.indirect.scatter.add.f32 [tilespmem:s16], [sflag:$0x3], $0x80, s18, s19, $0xb8;
	[tilespmem:$0x1D000] =	vst v63  }
0x5e: {  	_ =	swait.ge [sflag:s17], $0x4000  }
0x5f: {  	[sflag:s17] =	ssyncset.done $0x0  }
0x60: {  	[sflag:s17] =	ssyncadd.s32 $0xFFFFC000  }
0x61: {  	_ =	swait.ge [sflag:s22], $0x4000  }
0x62: {  	[sflag:s22] =	ssyncset.done $0x0  }
0x63: {  	s6 =	rddreg [dreg:$0x6];
	[sflag:s22] =	ssyncadd.s32 $0xFFFFC000  }
0x64: {  	[tilespmem:s16], [sflag:$0x1] =	stream.indirect.gather [hbm4b:s1+s19], $0x80, s6, s19, $0xb8;
	[tilespmem:$0x1D000] =	vst v63  }
0x65: {  	s8 =	rddreg [dreg:$0x7]  }
0x66: {  	[spmem:s3] =	stream.indirect.scatter.add.f32 [tilespmem:s21], [sflag:$0x3], $0x80, s8, s19, $0xb8;
	[tilespmem:$0x1D000] =	vst v63  }
0x67: {  	_ =	swait.ge [sflag:s17], $0x4000  }
0x68: {  	[sflag:s17] =	ssyncset.done $0x0  }
0x69: {  	[sflag:s17] =	ssyncadd.s32 $0xFFFFC000  }
0x6a: {  	_ =	swait.ge [sflag:s20], $0x4000  }
0x6b: {  	[sflag:s20] =	ssyncset.done $0x0  }
0x6c: {  	s9 =	rddreg [dreg:$0x8];
	[sflag:s20] =	ssyncadd.s32 $0xFFFFC000  }
0x6d: {  	[tilespmem:s21], [sflag:$0x2] =	stream.indirect.gather [hbm4b:s1+s19], $0x80, s9, s19, $0xb8;
	[tilespmem:$0x1D000] =	vst v63  }
0x6e: {  	s6 =	rddreg [dreg:$0x9]  }
0x6f: {  	[spmem:s3] =	stream.indirect.scatter.add.f32 [tilespmem:s16], [sflag:$0x3], $0x80, s6, s19, $0xb8;
	[tilespmem:$0x1D000] =	vst v63  }
0x70: {  	_ =	swait.ge [sflag:s17], $0x4000  }
0x71: {  	[sflag:s17] =	ssyncset.done $0x0  }
0x72: {  	[sflag:s17] =	ssyncadd.s32 $0xFFFFC000  }
0x73: {  	_ =	swait.ge [sflag:s22], $0x4000  }
0x74: {  	[sflag:s22] =	ssyncset.done $0x0  }
0x75: {  	s9 =	rddreg [dreg:$0xa];
	[sflag:s22] =	ssyncadd.s32 $0xFFFFC000  }
0x76: {  	[tilespmem:s16], [sflag:$0x1] =	stream.indirect.gather [hbm4b:s1+s19], $0x80, s9, s19, $0xb8;
	[tilespmem:$0x1D000] =	vst v63  }
0x77: {  	s6 =	rddreg [dreg:$0xb]  }
0x78: {  	[spmem:s3] =	stream.indirect.scatter.add.f32 [tilespmem:s21], [sflag:$0x3], $0x80, s6, s19, $0xb8;
	[tilespmem:$0x1D000] =	vst v63  }
0x79: {  	_ =	swait.ge [sflag:s17], $0x4000  }
0x7a: {  	[sflag:s17] =	ssyncset.done $0x0  }
0x7b: {  	[sflag:s17] =	ssyncadd.s32 $0xFFFFC000  }
0x7c: {  	_ =	swait.ge [sflag:s20], $0x4000  }
0x7d: {  	[sflag:s20] =	ssyncset.done $0x0  }
0x7e: {  	s9 =	rddreg [dreg:$0xc];
	[sflag:s20] =	ssyncadd.s32 $0xFFFFC000  }
0x7f: {  	[tilespmem:s21], [sflag:$0x2] =	stream.indirect.gather [hbm4b:s1+s19], $0x80, s9, s19, $0xb8;
	[tilespmem:$0x1D000] =	vst v63  }
0x80: {  	s6 =	rddreg [dreg:$0xd]  }
0x81: {  	[spmem:s3] =	stream.indirect.scatter.add.f32 [tilespmem:s16], [sflag:$0x3], $0x80, s6, s19, $0xb8;
	[tilespmem:$0x1D000] =	vst v63  }
0x82: {  	_ =	swait.ge [sflag:s17], $0x4000  }
0x83: {  	[sflag:s17] =	ssyncset.done $0x0  }
0x84: {  	[sflag:s17] =	ssyncadd.s32 $0xFFFFC000  }
0x85: {  	_ =	swait.ge [sflag:s22], $0x4000  }
0x86: {  	[sflag:s22] =	ssyncset.done $0x0  }
0x87: {  	s9 =	rddreg [dreg:$0xe];
	[sflag:s22] =	ssyncadd.s32 $0xFFFFC000  }
0x88: {  	[tilespmem:s16], [sflag:$0x1] =	stream.indirect.gather [hbm4b:s1+s19], $0x80, s9, s19, $0xb8;
	[tilespmem:$0x1D000] =	vst v63  }
0x89: {  	s6 =	rddreg [dreg:$0xf]  }
0x8a: {  	[spmem:s3] =	stream.indirect.scatter.add.f32 [tilespmem:s21], [sflag:$0x3], $0x80, s6, s19, $0xb8;
	[tilespmem:$0x1D000] =	vst v63  }
0x8b: {  	_ =	swait.ge [sflag:s17], $0x4000  }
0x8c: {  	[sflag:s17] =	ssyncset.done $0x0  }
0x8d: {  	[sflag:s17] =	ssyncadd.s32 $0xFFFFC000  }
0x8e: {  	_ =	swait.ge [sflag:s20], $0x4000  }
0x8f: {  	[sflag:s20] =	ssyncset.done $0x0  }
0x90: {  	s8 =	rddreg [dreg:$0x10];
	[sflag:s20] =	ssyncadd.s32 $0xFFFFC000  }
0x91: {  	[tilespmem:s21], [sflag:$0x2] =	stream.indirect.gather [hbm4b:s1+s19], $0x80, s8, s19, $0xb8;
	[tilespmem:$0x1D000] =	vst v63  }
0x92: {  	s9 =	rddreg [dreg:$0x11]  }
0x93: {  	[spmem:s3] =	stream.indirect.scatter.add.f32 [tilespmem:s16], [sflag:$0x3], $0x80, s9, s19, $0xb8;
	[tilespmem:$0x1D000] =	vst v63  }
0x94: {  	_ =	swait.ge [sflag:s17], $0x4000  }
0x95: {  	[sflag:s17] =	ssyncset.done $0x0  }
0x96: {  	[sflag:s17] =	ssyncadd.s32 $0xFFFFC000  }
0x97: {  	_ =	swait.ge [sflag:s22], $0x4000  }
0x98: {  	[sflag:s22] =	ssyncset.done $0x0  }
0x99: {  	[sflag:s22] =	ssyncadd.s32 $0xFFFFC000  }
0x9a: {  	[tilespmem:s16], [sflag:$0x1] =	stream.indirect.gather [hbm4b:s1+s19], $0x80, s23, s19, $0xb8;
	[tilespmem:$0x1D000] =	vst v63  }
0x9b: {  	_ = 	snop  }
0x9c: {  	[spmem:s3] =	stream.indirect.scatter.add.f32 [tilespmem:s21], [sflag:$0x3], $0x80, s24, s19, $0xb8;
	[tilespmem:$0x1D000] =	vst v63  }
0x9d: {  	_ =	swait.ge [sflag:s17], $0x4000  }
0x9e: {  	[sflag:s17] =	ssyncset.done $0x0  }
0x9f: {  	[sflag:s17] =	ssyncadd.s32 $0xFFFFC000  }
0xa0: {  	_ =	swait.ge [sflag:s20], $0x4000  }
0xa1: {  	[sflag:s20] =	ssyncset.done $0x0  }
0xa2: {  	[sflag:s20] =	ssyncadd.s32 $0xFFFFC000  }
0xa3: {  	[tilespmem:s21], [sflag:$0x2] =	stream.indirect.gather [hbm4b:s1+s19], $0x80, s25, s19, $0xb8;
	[tilespmem:$0x1D000] =	vst v63  }
0xa4: {  	_ = 	snop  }
0xa5: {  	[spmem:s3] =	stream.indirect.scatter.add.f32 [tilespmem:s16], [sflag:$0x3], $0x80, s26, s19, $0xb8;
	[tilespmem:$0x1D000] =	vst v63  }
0xa6: {  	_ =	swait.ge [sflag:s17], $0x4000  }
0xa7: {  	[sflag:s17] =	ssyncset.done $0x0  }
0xa8: {  	[sflag:s17] =	ssyncadd.s32 $0xFFFFC000  }
0xa9: {  	_ =	swait.ge [sflag:s22], $0x4000  }
0xaa: {  	[sflag:s22] =	ssyncset.done $0x0  }
0xab: {  	[sflag:s22] =	ssyncadd.s32 $0xFFFFC000  }
0xac: {  	[tilespmem:s16], [sflag:$0x1] =	stream.indirect.gather [hbm4b:s1+s19], $0x80, s28, s19, $0xb8;
	[tilespmem:$0x1D000] =	vst v63  }
0xad: {  	_ = 	snop  }
0xae: {  	[spmem:s3] =	stream.indirect.scatter.add.f32 [tilespmem:s21], [sflag:$0x3], $0x80, s29, s19, $0xb8;
	[tilespmem:$0x1D000] =	vst v63  }
0xaf: {  	_ =	swait.ge [sflag:s17], $0x4000  }
0xb0: {  	[sflag:s17] =	ssyncset.done $0x0  }
0xb1: {  	[sflag:s17] =	ssyncadd.s32 $0xFFFFC000  }
0xb2: {  	_ =	swait.ge [sflag:s20], $0x4000  }
0xb3: {  	[sflag:s20] =	ssyncset.done $0x0  }
0xb4: {  	[sflag:s20] =	ssyncadd.s32 $0xFFFFC000  }
0xb5: {  	[tilespmem:s21], [sflag:$0x2] =	stream.indirect.gather [hbm4b:s1+s19], $0x80, s30, s19, $0xb8;
	[tilespmem:$0x1D000] =	vst v63  }
0xb6: {  	_ = 	snop  }
0xb7: {  	[spmem:s3] =	stream.indirect.scatter.add.f32 [tilespmem:s16], [sflag:$0x3], $0x80, s31, s19, $0xb8;
	[tilespmem:$0x1D000] =	vst v63  }
0xb8: {  	_ =	swait.ge [sflag:s17], $0x4000  }
0xb9: {  	[sflag:s17] =	ssyncset.done $0x0  }
0xba: {  	[sflag:s17] =	ssyncadd.s32 $0xFFFFC000  }
0xbb: {  	_ =	swait.ge [sflag:s22], $0x4000  }
0xbc: {  	[sflag:s22] =	ssyncset.done $0x0  }
0xbd: {  	[sflag:s22] =	ssyncadd.s32 $0xFFFFC000  }
0xbe: {  	[tilespmem:s16], [sflag:$0x1] =	stream.indirect.gather [hbm4b:s1+s19], $0x80, s2, s19, $0xb8;
	[tilespmem:$0x1D000] =	vst v63  }
0xbf: {  	_ = 	snop  }
0xc0: {  	[spmem:s3] =	stream.indirect.scatter.add.f32 [tilespmem:s21], [sflag:$0x3], $0x80, s0, s19, $0xb8;
	[tilespmem:$0x1D000] =	vst v63  }
0xc1: {  	_ =	swait.ge [sflag:s17], $0x4000  }
0xc2: {  	[sflag:s17] =	ssyncset.done $0x0  }
0xc3: {  	[sflag:s17] =	ssyncadd.s32 $0xFFFFC000  }
0xc4: {  	_ =	swait.ge [sflag:s20], $0x4000  }
0xc5: {  	[sflag:s20] =	ssyncset.done $0x0  }
0xc6: {  	[sflag:s20] =	ssyncadd.s32 $0xFFFFC000  }
0xc7: {  	[tilespmem:s21], [sflag:$0x2] =	stream.indirect.gather [hbm4b:s1+s19], $0x80, s10, s19, $0xb8;
	[tilespmem:$0x1D000] =	vst v63  }
0xc8: {  	_ = 	snop  }
0xc9: {  	[spmem:s3] =	stream.indirect.scatter.add.f32 [tilespmem:s16], [sflag:$0x3], $0x80, s11, s19, $0xb8;
	[tilespmem:$0x1D000] =	vst v63  }
0xca: {  	_ =	swait.ge [sflag:s17], $0x4000  }
0xcb: {  	[sflag:s17] =	ssyncset.done $0x0  }
0xcc: {  	[sflag:s17] =	ssyncadd.s32 $0xFFFFC000  }
0xcd: {  	_ =	swait.ge [sflag:s22], $0x4000  }
0xce: {  	[sflag:s22] =	ssyncset.done $0x0  }
0xcf: {  	[sflag:s22] =	ssyncadd.s32 $0xFFFFC000  }
0xd0: {  	[tilespmem:s16], [sflag:$0x1] =	stream.indirect.gather [hbm4b:s1+s19], $0x80, s12, s19, $0xb8;
	[tilespmem:$0x1D000] =	vst v63  }
0xd1: {  	_ = 	snop  }
0xd2: {  	[spmem:s3] =	stream.indirect.scatter.add.f32 [tilespmem:s21], [sflag:$0x3], $0x80, s13, s19, $0xb8;
	[tilespmem:$0x1D000] =	vst v63  }
0xd3: {  	_ =	swait.ge [sflag:s17], $0x4000  }
0xd4: {  	[sflag:s17] =	ssyncset.done $0x0  }
0xd5: {  	[sflag:s17] =	ssyncadd.s32 $0xFFFFC000  }
0xd6: {  	_ =	swait.ge [sflag:s20], $0x4000  }
0xd7: {  	[sflag:s20] =	ssyncset.done $0x0  }
0xd8: {  	[sflag:s20] =	ssyncadd.s32 $0xFFFFC000  }
0xd9: {  	[tilespmem:s21], [sflag:$0x2] =	stream.indirect.gather [hbm4b:s1+s19], $0x80, s14, s19, $0xb8;
	[tilespmem:$0x1D000] =	vst v63  }
0xda: {  	_ = 	snop  }
0xdb: {  	[spmem:s3] =	stream.indirect.scatter.add.f32 [tilespmem:s16], [sflag:$0x3], $0x80, s15, s19, $0xb8;
	[tilespmem:$0x1D000] =	vst v63  }
0xdc: {  	_ =	swait.ge [sflag:s17], $0x4000  }
0xdd: {  	[sflag:s17] =	ssyncset.done $0x0  }
0xde: {  	[sflag:s17] =	ssyncadd.s32 $0xFFFFC000  }
0xdf: {  	_ =	swait.ge [sflag:s22], $0x4000  }
0xe0: {  	[sflag:s22] =	ssyncset.done $0x0  }
0xe1: {  	[sflag:s22] =	ssyncadd.s32 $0xFFFFC000  }
0xe2: {  	[spmem:s3] =	stream.indirect.scatter.add.f32 [tilespmem:s21], [sflag:$0x3], $0x80, s5, s19, $0xb8;
	[tilespmem:$0x1D000] =	vst v63  }
0xe3: {  	s7 =	simm.s32 $0x100;
	_ =	swait.ge [sflag:s17], $0x4000  }
0xe4: {  	s8 =	simm.s32 $0x200;
	s9 =	rddreg [dreg:$0x5];
	[sflag:s17] =	ssyncset.done $0x0  }
.LBB2_4:
0xe5: {  	[sflag:s17] =	ssyncadd.s32 $0xFFFFC000;
	s9 =	sadd.s32 s7, s9  }
0xe6: {  	[tilespmem:s4], [sflag:$0x3] =	stream.linear.gather [hbm4b:s9+s4], $0x800, $0x38;
	[tilespmem:$0x1D000] =	vst v63  }
0xe7: {  	_ =	swait.ge [sflag:s17], $0x800  }
0xe8: {  	s9 =	rddreg [dreg:$0x4];
	[sflag:s17] =	ssyncset.done $0x0  }
0xe9: {  	[sflag:s17] =	ssyncadd.s32 $0xFFFFF800;
	s9 =	sadd.s32 s7, s9  }
0xea: {  	[tilespmem:s18], [sflag:$0x3] =	stream.linear.gather [hbm4b:s9+s4], $0x800, $0x38;
	[tilespmem:$0x1D000] =	vst v63  }
0xeb: {  	_ =	swait.ge [sflag:s17], $0x800  }
0xec: {  	[sflag:s17] =	ssyncset.done $0x0  }
0xed: {  	[sflag:s17] =	ssyncadd.s32 $0xFFFFF800  }
0xee: {  	[tilespmem:s16], [sflag:$0x1] =	stream.indirect.gather [hbm4b:s1+s19], $0x80, s4, s19, $0xb8;
	[tilespmem:$0x1D000] =	vst v63  }
0xef: {  	_ =	swait.ge [sflag:s20], $0x4000  }
0xf0: {  	[sflag:s20] =	ssyncset.done $0x0  }
0xf1: {  	[sflag:s20] =	ssyncadd.s32 $0xFFFFC000  }
0xf2: {  	[tilespmem:s21], [sflag:$0x2] =	stream.indirect.gather [hbm4b:s1+s19], $0x80, s19, s19, $0xb8;
	[tilespmem:$0x1D000] =	vst v63  }
0xf3: {  	_ = 	snop  }
0xf4: {  	[spmem:s3] =	stream.indirect.scatter.add.f32 [tilespmem:s16], [sflag:$0x3], $0x80, s18, s19, $0xb8;
	[tilespmem:$0x1D000] =	vst v63  }
0xf5: {  	_ =	swait.ge [sflag:s17], $0x4000  }
0xf6: {  	[sflag:s17] =	ssyncset.done $0x0  }
0xf7: {  	[sflag:s17] =	ssyncadd.s32 $0xFFFFC000  }
0xf8: {  	_ =	swait.ge [sflag:s22], $0x4000  }
0xf9: {  	s6 =	smov.u32 s8;
	[sflag:s22] =	ssyncset.done $0x0  }
0xfa: {  	s7 =	smov.u32 s6;
	s6 =	rddreg [dreg:$0x6];
	[sflag:s22] =	ssyncadd.s32 $0xFFFFC000  }
0xfb: {  	[tilespmem:s16], [sflag:$0x1] =	stream.indirect.gather [hbm4b:s1+s19], $0x80, s6, s19, $0xb8;
	[tilespmem:$0x1D000] =	vst v63  }
0xfc: {  	s9 =	rddreg [dreg:$0x7]  }
0xfd: {  	[spmem:s3] =	stream.indirect.scatter.add.f32 [tilespmem:s21], [sflag:$0x3], $0x80, s9, s19, $0xb8;
	[tilespmem:$0x1D000] =	vst v63  }
0xfe: {  	_ =	swait.ge [sflag:s17], $0x4000  }
0xff: {  	[sflag:s17] =	ssyncset.done $0x0  }
0x100: {  	[sflag:s17] =	ssyncadd.s32 $0xFFFFC000  }
0x101: {  	_ =	swait.ge [sflag:s20], $0x4000  }
0x102: {  	[sflag:s20] =	ssyncset.done $0x0  }
0x103: {  	s6 =	rddreg [dreg:$0x8];
	[sflag:s20] =	ssyncadd.s32 $0xFFFFC000  }
0x104: {  	[tilespmem:s21], [sflag:$0x2] =	stream.indirect.gather [hbm4b:s1+s19], $0x80, s6, s19, $0xb8;
	[tilespmem:$0x1D000] =	vst v63  }
0x105: {  	s9 =	rddreg [dreg:$0x9]  }
0x106: {  	[spmem:s3] =	stream.indirect.scatter.add.f32 [tilespmem:s16], [sflag:$0x3], $0x80, s9, s19, $0xb8;
	[tilespmem:$0x1D000] =	vst v63  }
0x107: {  	_ =	swait.ge [sflag:s17], $0x4000  }
0x108: {  	[sflag:s17] =	ssyncset.done $0x0  }
0x109: {  	[sflag:s17] =	ssyncadd.s32 $0xFFFFC000  }
0x10a: {  	_ =	swait.ge [sflag:s22], $0x4000  }
0x10b: {  	[sflag:s22] =	ssyncset.done $0x0  }
0x10c: {  	s6 =	rddreg [dreg:$0xa];
	[sflag:s22] =	ssyncadd.s32 $0xFFFFC000  }
0x10d: {  	[tilespmem:s16], [sflag:$0x1] =	stream.indirect.gather [hbm4b:s1+s19], $0x80, s6, s19, $0xb8;
	[tilespmem:$0x1D000] =	vst v63  }
0x10e: {  	s9 =	rddreg [dreg:$0xb]  }
0x10f: {  	[spmem:s3] =	stream.indirect.scatter.add.f32 [tilespmem:s21], [sflag:$0x3], $0x80, s9, s19, $0xb8;
	[tilespmem:$0x1D000] =	vst v63  }
0x110: {  	_ =	swait.ge [sflag:s17], $0x4000  }
0x111: {  	[sflag:s17] =	ssyncset.done $0x0  }
0x112: {  	[sflag:s17] =	ssyncadd.s32 $0xFFFFC000  }
0x113: {  	_ =	swait.ge [sflag:s20], $0x4000  }
0x114: {  	[sflag:s20] =	ssyncset.done $0x0  }
0x115: {  	s6 =	rddreg [dreg:$0xc];
	[sflag:s20] =	ssyncadd.s32 $0xFFFFC000  }
0x116: {  	[tilespmem:s21], [sflag:$0x2] =	stream.indirect.gather [hbm4b:s1+s19], $0x80, s6, s19, $0xb8;
	[tilespmem:$0x1D000] =	vst v63  }
0x117: {  	s9 =	rddreg [dreg:$0xd]  }
0x118: {  	[spmem:s3] =	stream.indirect.scatter.add.f32 [tilespmem:s16], [sflag:$0x3], $0x80, s9, s19, $0xb8;
	[tilespmem:$0x1D000] =	vst v63  }
0x119: {  	_ =	swait.ge [sflag:s17], $0x4000  }
0x11a: {  	[sflag:s17] =	ssyncset.done $0x0  }
0x11b: {  	[sflag:s17] =	ssyncadd.s32 $0xFFFFC000  }
0x11c: {  	_ =	swait.ge [sflag:s22], $0x4000  }
0x11d: {  	[sflag:s22] =	ssyncset.done $0x0  }
0x11e: {  	s6 =	rddreg [dreg:$0xe];
	[sflag:s22] =	ssyncadd.s32 $0xFFFFC000  }
0x11f: {  	[tilespmem:s16], [sflag:$0x1] =	stream.indirect.gather [hbm4b:s1+s19], $0x80, s6, s19, $0xb8;
	[tilespmem:$0x1D000] =	vst v63  }
0x120: {  	s9 =	rddreg [dreg:$0xf]  }
0x121: {  	[spmem:s3] =	stream.indirect.scatter.add.f32 [tilespmem:s21], [sflag:$0x3], $0x80, s9, s19, $0xb8;
	[tilespmem:$0x1D000] =	vst v63  }
0x122: {  	_ =	swait.ge [sflag:s17], $0x4000  }
0x123: {  	[sflag:s17] =	ssyncset.done $0x0  }
0x124: {  	[sflag:s17] =	ssyncadd.s32 $0xFFFFC000  }
0x125: {  	_ =	swait.ge [sflag:s20], $0x4000  }
0x126: {  	[sflag:s20] =	ssyncset.done $0x0  }
0x127: {  	s6 =	rddreg [dreg:$0x10];
	[sflag:s20] =	ssyncadd.s32 $0xFFFFC000  }
0x128: {  	[tilespmem:s21], [sflag:$0x2] =	stream.indirect.gather [hbm4b:s1+s19], $0x80, s6, s19, $0xb8;
	[tilespmem:$0x1D000] =	vst v63  }
0x129: {  	s9 =	rddreg [dreg:$0x11]  }
0x12a: {  	[spmem:s3] =	stream.indirect.scatter.add.f32 [tilespmem:s16], [sflag:$0x3], $0x80, s9, s19, $0xb8;
	[tilespmem:$0x1D000] =	vst v63  }
0x12b: {  	_ =	swait.ge [sflag:s17], $0x4000  }
0x12c: {  	[sflag:s17] =	ssyncset.done $0x0  }
0x12d: {  	[sflag:s17] =	ssyncadd.s32 $0xFFFFC000  }
0x12e: {  	_ =	swait.ge [sflag:s22], $0x4000  }
0x12f: {  	[sflag:s22] =	ssyncset.done $0x0  }
0x130: {  	[sflag:s22] =	ssyncadd.s32 $0xFFFFC000  }
0x131: {  	[tilespmem:s16], [sflag:$0x1] =	stream.indirect.gather [hbm4b:s1+s19], $0x80, s23, s19, $0xb8;
	[tilespmem:$0x1D000] =	vst v63  }
0x132: {  	_ = 	snop  }
0x133: {  	[spmem:s3] =	stream.indirect.scatter.add.f32 [tilespmem:s21], [sflag:$0x3], $0x80, s24, s19, $0xb8;
	[tilespmem:$0x1D000] =	vst v63  }
0x134: {  	_ =	swait.ge [sflag:s17], $0x4000  }
0x135: {  	[sflag:s17] =	ssyncset.done $0x0  }
0x136: {  	[sflag:s17] =	ssyncadd.s32 $0xFFFFC000  }
0x137: {  	_ =	swait.ge [sflag:s20], $0x4000  }
0x138: {  	[sflag:s20] =	ssyncset.done $0x0  }
0x139: {  	[sflag:s20] =	ssyncadd.s32 $0xFFFFC000  }
0x13a: {  	[tilespmem:s21], [sflag:$0x2] =	stream.indirect.gather [hbm4b:s1+s19], $0x80, s25, s19, $0xb8;
	[tilespmem:$0x1D000] =	vst v63  }
0x13b: {  	_ = 	snop  }
0x13c: {  	[spmem:s3] =	stream.indirect.scatter.add.f32 [tilespmem:s16], [sflag:$0x3], $0x80, s26, s19, $0xb8;
	[tilespmem:$0x1D000] =	vst v63  }
0x13d: {  	_ =	swait.ge [sflag:s17], $0x4000  }
0x13e: {  	[sflag:s17] =	ssyncset.done $0x0  }
0x13f: {  	[sflag:s17] =	ssyncadd.s32 $0xFFFFC000  }
0x140: {  	_ =	swait.ge [sflag:s22], $0x4000  }
0x141: {  	[sflag:s22] =	ssyncset.done $0x0  }
0x142: {  	[sflag:s22] =	ssyncadd.s32 $0xFFFFC000  }
0x143: {  	[tilespmem:s16], [sflag:$0x1] =	stream.indirect.gather [hbm4b:s1+s19], $0x80, s28, s19, $0xb8;
	[tilespmem:$0x1D000] =	vst v63  }
0x144: {  	_ = 	snop  }
0x145: {  	[spmem:s3] =	stream.indirect.scatter.add.f32 [tilespmem:s21], [sflag:$0x3], $0x80, s29, s19, $0xb8;
	[tilespmem:$0x1D000] =	vst v63  }
0x146: {  	_ =	swait.ge [sflag:s17], $0x4000  }
0x147: {  	[sflag:s17] =	ssyncset.done $0x0  }
0x148: {  	[sflag:s17] =	ssyncadd.s32 $0xFFFFC000  }
0x149: {  	_ =	swait.ge [sflag:s20], $0x4000  }
0x14a: {  	[sflag:s20] =	ssyncset.done $0x0  }
0x14b: {  	[sflag:s20] =	ssyncadd.s32 $0xFFFFC000  }
0x14c: {  	[tilespmem:s21], [sflag:$0x2] =	stream.indirect.gather [hbm4b:s1+s19], $0x80, s30, s19, $0xb8;
	[tilespmem:$0x1D000] =	vst v63  }
0x14d: {  	_ = 	snop  }
0x14e: {  	[spmem:s3] =	stream.indirect.scatter.add.f32 [tilespmem:s16], [sflag:$0x3], $0x80, s31, s19, $0xb8;
	[tilespmem:$0x1D000] =	vst v63  }
0x14f: {  	_ =	swait.ge [sflag:s17], $0x4000  }
0x150: {  	[sflag:s17] =	ssyncset.done $0x0  }
0x151: {  	[sflag:s17] =	ssyncadd.s32 $0xFFFFC000  }
0x152: {  	_ =	swait.ge [sflag:s22], $0x4000  }
0x153: {  	[sflag:s22] =	ssyncset.done $0x0  }
0x154: {  	[sflag:s22] =	ssyncadd.s32 $0xFFFFC000  }
0x155: {  	[tilespmem:s16], [sflag:$0x1] =	stream.indirect.gather [hbm4b:s1+s19], $0x80, s2, s19, $0xb8;
	[tilespmem:$0x1D000] =	vst v63  }
0x156: {  	_ = 	snop  }
0x157: {  	[spmem:s3] =	stream.indirect.scatter.add.f32 [tilespmem:s21], [sflag:$0x3], $0x80, s0, s19, $0xb8;
	[tilespmem:$0x1D000] =	vst v63  }
0x158: {  	_ =	swait.ge [sflag:s17], $0x4000  }
0x159: {  	[sflag:s17] =	ssyncset.done $0x0  }
0x15a: {  	[sflag:s17] =	ssyncadd.s32 $0xFFFFC000  }
0x15b: {  	_ =	swait.ge [sflag:s20], $0x4000  }
0x15c: {  	[sflag:s20] =	ssyncset.done $0x0  }
0x15d: {  	[sflag:s20] =	ssyncadd.s32 $0xFFFFC000  }
0x15e: {  	[tilespmem:s21], [sflag:$0x2] =	stream.indirect.gather [hbm4b:s1+s19], $0x80, s10, s19, $0xb8;
	[tilespmem:$0x1D000] =	vst v63  }
0x15f: {  	_ = 	snop  }
0x160: {  	[spmem:s3] =	stream.indirect.scatter.add.f32 [tilespmem:s16], [sflag:$0x3], $0x80, s11, s19, $0xb8;
	[tilespmem:$0x1D000] =	vst v63  }
0x161: {  	_ =	swait.ge [sflag:s17], $0x4000  }
0x162: {  	[sflag:s17] =	ssyncset.done $0x0  }
0x163: {  	[sflag:s17] =	ssyncadd.s32 $0xFFFFC000  }
0x164: {  	_ =	swait.ge [sflag:s22], $0x4000  }
0x165: {  	[sflag:s22] =	ssyncset.done $0x0  }
0x166: {  	[sflag:s22] =	ssyncadd.s32 $0xFFFFC000  }
0x167: {  	[tilespmem:s16], [sflag:$0x1] =	stream.indirect.gather [hbm4b:s1+s19], $0x80, s12, s19, $0xb8;
	[tilespmem:$0x1D000] =	vst v63  }
0x168: {  	_ = 	snop  }
0x169: {  	[spmem:s3] =	stream.indirect.scatter.add.f32 [tilespmem:s21], [sflag:$0x3], $0x80, s13, s19, $0xb8;
	[tilespmem:$0x1D000] =	vst v63  }
0x16a: {  	_ =	swait.ge [sflag:s17], $0x4000  }
0x16b: {  	[sflag:s17] =	ssyncset.done $0x0  }
0x16c: {  	[sflag:s17] =	ssyncadd.s32 $0xFFFFC000  }
0x16d: {  	_ =	swait.ge [sflag:s20], $0x4000  }
0x16e: {  	[sflag:s20] =	ssyncset.done $0x0  }
0x16f: {  	[sflag:s20] =	ssyncadd.s32 $0xFFFFC000  }
0x170: {  	[tilespmem:s21], [sflag:$0x2] =	stream.indirect.gather [hbm4b:s1+s19], $0x80, s14, s19, $0xb8;
	[tilespmem:$0x1D000] =	vst v63  }
0x171: {  	_ = 	snop  }
0x172: {  	[spmem:s3] =	stream.indirect.scatter.add.f32 [tilespmem:s16], [sflag:$0x3], $0x80, s15, s19, $0xb8;
	[tilespmem:$0x1D000] =	vst v63  }
0x173: {  	_ =	swait.ge [sflag:s17], $0x4000  }
0x174: {  	[sflag:s17] =	ssyncset.done $0x0  }
0x175: {  	[sflag:s17] =	ssyncadd.s32 $0xFFFFC000  }
0x176: {  	p0 =	sne.s32 s8, $0x400;
	_ =	swait.ge [sflag:s22], $0x4000  }
.Ltmp1:
0x177: {  	[sflag:s22] =	ssyncset.done $0x0;
	(pc) =	sbr.rel @p0 .LBB2_4-.Ltmp1, $4  }
0x178: {  	[sflag:s22] =	ssyncadd.s32 $0xFFFFC000  }
0x179: {  	[spmem:s3] =	stream.indirect.scatter.add.f32 [tilespmem:s21], [sflag:$0x3], $0x80, s5, s19, $0xb8;
	[tilespmem:$0x1D000] =	vst v63  }
0x17a: {  	_ =	swait.ge [sflag:s17], $0x4000  }
0x17b: {  	s8 =	sadd.s32 $0x100, s8;
	s9 =	rddreg [dreg:$0x5];
	[sflag:s17] =	ssyncset.done $0x0  }
0x17c: {  	[sflag:s17] =	ssyncadd.s32 $0xFFFFC000;
	s6 =	sadd.s32 s7, s9  }
0x17d: {  	[tilespmem:s4], [sflag:$0x3] =	stream.linear.gather [hbm4b:s6+s4], $0x800, $0x38;
	[tilespmem:$0x1D000] =	vst v63  }
0x17e: {  	_ =	swait.ge [sflag:s17], $0x800  }
0x17f: {  	s9 =	rddreg [dreg:$0x4];
	[sflag:s17] =	ssyncset.done $0x0  }
0x180: {  	[sflag:s17] =	ssyncadd.s32 $0xFFFFF800;
	s6 =	sadd.s32 s7, s9  }
0x181: {  	[tilespmem:s18], [sflag:$0x3] =	stream.linear.gather [hbm4b:s6+s4], $0x800, $0x38;
	[tilespmem:$0x1D000] =	vst v63  }
0x182: {  	_ =	swait.ge [sflag:s17], $0x800  }
0x183: {  	[sflag:s17] =	ssyncset.done $0x0  }
0x184: {  	[sflag:s17] =	ssyncadd.s32 $0xFFFFF800  }
0x185: {  	[tilespmem:s16], [sflag:$0x1] =	stream.indirect.gather [hbm4b:s1+s19], $0x80, s4, s19, $0xb8;
	[tilespmem:$0x1D000] =	vst v63  }
0x186: {  	_ =	swait.ge [sflag:s20], $0x4000  }
0x187: {  	[sflag:s20] =	ssyncset.done $0x0  }
0x188: {  	[sflag:s20] =	ssyncadd.s32 $0xFFFFC000  }
0x189: {  	[tilespmem:s21], [sflag:$0x2] =	stream.indirect.gather [hbm4b:s1+s19], $0x80, s19, s19, $0xb8;
	[tilespmem:$0x1D000] =	vst v63  }
0x18a: {  	_ = 	snop  }
0x18b: {  	[spmem:s3] =	stream.indirect.scatter.add.f32 [tilespmem:s16], [sflag:$0x3], $0x80, s18, s19, $0xb8;
	[tilespmem:$0x1D000] =	vst v63  }
0x18c: {  	_ =	swait.ge [sflag:s17], $0x4000  }
0x18d: {  	[sflag:s17] =	ssyncset.done $0x0  }
0x18e: {  	[sflag:s17] =	ssyncadd.s32 $0xFFFFC000  }
0x18f: {  	_ =	swait.ge [sflag:s22], $0x4000  }
0x190: {  	[sflag:s22] =	ssyncset.done $0x0  }
0x191: {  	s8 =	rddreg [dreg:$0x6];
	[sflag:s22] =	ssyncadd.s32 $0xFFFFC000  }
0x192: {  	[tilespmem:s16], [sflag:$0x1] =	stream.indirect.gather [hbm4b:s1+s19], $0x80, s8, s19, $0xb8;
	[tilespmem:$0x1D000] =	vst v63  }
0x193: {  	s9 =	rddreg [dreg:$0x7]  }
0x194: {  	[spmem:s3] =	stream.indirect.scatter.add.f32 [tilespmem:s21], [sflag:$0x3], $0x80, s9, s19, $0xb8;
	[tilespmem:$0x1D000] =	vst v63  }
0x195: {  	_ =	swait.ge [sflag:s17], $0x4000  }
0x196: {  	[sflag:s17] =	ssyncset.done $0x0  }
0x197: {  	[sflag:s17] =	ssyncadd.s32 $0xFFFFC000  }
0x198: {  	_ =	swait.ge [sflag:s20], $0x4000  }
0x199: {  	[sflag:s20] =	ssyncset.done $0x0  }
0x19a: {  	s8 =	rddreg [dreg:$0x8];
	[sflag:s20] =	ssyncadd.s32 $0xFFFFC000  }
0x19b: {  	[tilespmem:s21], [sflag:$0x2] =	stream.indirect.gather [hbm4b:s1+s19], $0x80, s8, s19, $0xb8;
	[tilespmem:$0x1D000] =	vst v63  }
0x19c: {  	s9 =	rddreg [dreg:$0x9]  }
0x19d: {  	[spmem:s3] =	stream.indirect.scatter.add.f32 [tilespmem:s16], [sflag:$0x3], $0x80, s9, s19, $0xb8;
	[tilespmem:$0x1D000] =	vst v63  }
0x19e: {  	_ =	swait.ge [sflag:s17], $0x4000  }
0x19f: {  	[sflag:s17] =	ssyncset.done $0x0  }
0x1a0: {  	[sflag:s17] =	ssyncadd.s32 $0xFFFFC000  }
0x1a1: {  	_ =	swait.ge [sflag:s22], $0x4000  }
0x1a2: {  	[sflag:s22] =	ssyncset.done $0x0  }
0x1a3: {  	s8 =	rddreg [dreg:$0xa];
	[sflag:s22] =	ssyncadd.s32 $0xFFFFC000  }
0x1a4: {  	[tilespmem:s16], [sflag:$0x1] =	stream.indirect.gather [hbm4b:s1+s19], $0x80, s8, s19, $0xb8;
	[tilespmem:$0x1D000] =	vst v63  }
0x1a5: {  	s9 =	rddreg [dreg:$0xb]  }
0x1a6: {  	[spmem:s3] =	stream.indirect.scatter.add.f32 [tilespmem:s21], [sflag:$0x3], $0x80, s9, s19, $0xb8;
	[tilespmem:$0x1D000] =	vst v63  }
0x1a7: {  	_ =	swait.ge [sflag:s17], $0x4000  }
0x1a8: {  	[sflag:s17] =	ssyncset.done $0x0  }
0x1a9: {  	[sflag:s17] =	ssyncadd.s32 $0xFFFFC000  }
0x1aa: {  	_ =	swait.ge [sflag:s20], $0x4000  }
0x1ab: {  	[sflag:s20] =	ssyncset.done $0x0  }
0x1ac: {  	s8 =	rddreg [dreg:$0xc];
	[sflag:s20] =	ssyncadd.s32 $0xFFFFC000  }
0x1ad: {  	[tilespmem:s21], [sflag:$0x2] =	stream.indirect.gather [hbm4b:s1+s19], $0x80, s8, s19, $0xb8;
	[tilespmem:$0x1D000] =	vst v63  }
0x1ae: {  	s9 =	rddreg [dreg:$0xd]  }
0x1af: {  	[spmem:s3] =	stream.indirect.scatter.add.f32 [tilespmem:s16], [sflag:$0x3], $0x80, s9, s19, $0xb8;
	[tilespmem:$0x1D000] =	vst v63  }
0x1b0: {  	_ =	swait.ge [sflag:s17], $0x4000  }
0x1b1: {  	[sflag:s17] =	ssyncset.done $0x0  }
0x1b2: {  	[sflag:s17] =	ssyncadd.s32 $0xFFFFC000  }
0x1b3: {  	_ =	swait.ge [sflag:s22], $0x4000  }
0x1b4: {  	[sflag:s22] =	ssyncset.done $0x0  }
0x1b5: {  	s8 =	rddreg [dreg:$0xe];
	[sflag:s22] =	ssyncadd.s32 $0xFFFFC000  }
0x1b6: {  	[tilespmem:s16], [sflag:$0x1] =	stream.indirect.gather [hbm4b:s1+s19], $0x80, s8, s19, $0xb8;
	[tilespmem:$0x1D000] =	vst v63  }
0x1b7: {  	s9 =	rddreg [dreg:$0xf]  }
0x1b8: {  	[spmem:s3] =	stream.indirect.scatter.add.f32 [tilespmem:s21], [sflag:$0x3], $0x80, s9, s19, $0xb8;
	[tilespmem:$0x1D000] =	vst v63  }
0x1b9: {  	_ =	swait.ge [sflag:s17], $0x4000  }
0x1ba: {  	[sflag:s17] =	ssyncset.done $0x0  }
0x1bb: {  	[sflag:s17] =	ssyncadd.s32 $0xFFFFC000  }
0x1bc: {  	_ =	swait.ge [sflag:s20], $0x4000  }
0x1bd: {  	[sflag:s20] =	ssyncset.done $0x0  }
0x1be: {  	s8 =	rddreg [dreg:$0x10];
	[sflag:s20] =	ssyncadd.s32 $0xFFFFC000  }
0x1bf: {  	[tilespmem:s21], [sflag:$0x2] =	stream.indirect.gather [hbm4b:s1+s19], $0x80, s8, s19, $0xb8;
	[tilespmem:$0x1D000] =	vst v63  }
0x1c0: {  	s9 =	rddreg [dreg:$0x11]  }
0x1c1: {  	[spmem:s3] =	stream.indirect.scatter.add.f32 [tilespmem:s16], [sflag:$0x3], $0x80, s9, s19, $0xb8;
	[tilespmem:$0x1D000] =	vst v63  }
0x1c2: {  	_ =	swait.ge [sflag:s17], $0x4000  }
0x1c3: {  	[sflag:s17] =	ssyncset.done $0x0  }
0x1c4: {  	[sflag:s17] =	ssyncadd.s32 $0xFFFFC000  }
0x1c5: {  	_ =	swait.ge [sflag:s22], $0x4000  }
0x1c6: {  	[sflag:s22] =	ssyncset.done $0x0  }
0x1c7: {  	[sflag:s22] =	ssyncadd.s32 $0xFFFFC000  }
0x1c8: {  	[tilespmem:s16], [sflag:$0x1] =	stream.indirect.gather [hbm4b:s1+s19], $0x80, s23, s19, $0xb8;
	[tilespmem:$0x1D000] =	vst v63  }
0x1c9: {  	_ = 	snop  }
0x1ca: {  	[spmem:s3] =	stream.indirect.scatter.add.f32 [tilespmem:s21], [sflag:$0x3], $0x80, s24, s19, $0xb8;
	[tilespmem:$0x1D000] =	vst v63  }
0x1cb: {  	_ =	swait.ge [sflag:s17], $0x4000  }
0x1cc: {  	[sflag:s17] =	ssyncset.done $0x0  }
0x1cd: {  	[sflag:s17] =	ssyncadd.s32 $0xFFFFC000  }
0x1ce: {  	_ =	swait.ge [sflag:s20], $0x4000  }
0x1cf: {  	[sflag:s20] =	ssyncset.done $0x0  }
0x1d0: {  	[sflag:s20] =	ssyncadd.s32 $0xFFFFC000  }
0x1d1: {  	[tilespmem:s21], [sflag:$0x2] =	stream.indirect.gather [hbm4b:s1+s19], $0x80, s25, s19, $0xb8;
	[tilespmem:$0x1D000] =	vst v63  }
0x1d2: {  	_ = 	snop  }
0x1d3: {  	[spmem:s3] =	stream.indirect.scatter.add.f32 [tilespmem:s16], [sflag:$0x3], $0x80, s26, s19, $0xb8;
	[tilespmem:$0x1D000] =	vst v63  }
0x1d4: {  	_ =	swait.ge [sflag:s17], $0x4000  }
0x1d5: {  	[sflag:s17] =	ssyncset.done $0x0  }
0x1d6: {  	[sflag:s17] =	ssyncadd.s32 $0xFFFFC000  }
0x1d7: {  	_ =	swait.ge [sflag:s22], $0x4000  }
0x1d8: {  	[sflag:s22] =	ssyncset.done $0x0  }
0x1d9: {  	[sflag:s22] =	ssyncadd.s32 $0xFFFFC000  }
0x1da: {  	[tilespmem:s16], [sflag:$0x1] =	stream.indirect.gather [hbm4b:s1+s19], $0x80, s28, s19, $0xb8;
	[tilespmem:$0x1D000] =	vst v63  }
0x1db: {  	_ = 	snop  }
0x1dc: {  	[spmem:s3] =	stream.indirect.scatter.add.f32 [tilespmem:s21], [sflag:$0x3], $0x80, s29, s19, $0xb8;
	[tilespmem:$0x1D000] =	vst v63  }
0x1dd: {  	_ =	swait.ge [sflag:s17], $0x4000  }
0x1de: {  	[sflag:s17] =	ssyncset.done $0x0  }
0x1df: {  	[sflag:s17] =	ssyncadd.s32 $0xFFFFC000  }
0x1e0: {  	_ =	swait.ge [sflag:s20], $0x4000  }
0x1e1: {  	[sflag:s20] =	ssyncset.done $0x0  }
0x1e2: {  	[sflag:s20] =	ssyncadd.s32 $0xFFFFC000  }
0x1e3: {  	[tilespmem:s21], [sflag:$0x2] =	stream.indirect.gather [hbm4b:s1+s19], $0x80, s30, s19, $0xb8;
	[tilespmem:$0x1D000] =	vst v63  }
0x1e4: {  	_ = 	snop  }
0x1e5: {  	[spmem:s3] =	stream.indirect.scatter.add.f32 [tilespmem:s16], [sflag:$0x3], $0x80, s31, s19, $0xb8;
	[tilespmem:$0x1D000] =	vst v63  }
0x1e6: {  	_ =	swait.ge [sflag:s17], $0x4000  }
0x1e7: {  	[sflag:s17] =	ssyncset.done $0x0  }
0x1e8: {  	[sflag:s17] =	ssyncadd.s32 $0xFFFFC000  }
0x1e9: {  	_ =	swait.ge [sflag:s22], $0x4000  }
0x1ea: {  	[sflag:s22] =	ssyncset.done $0x0  }
0x1eb: {  	[sflag:s22] =	ssyncadd.s32 $0xFFFFC000  }
0x1ec: {  	[tilespmem:s16], [sflag:$0x1] =	stream.indirect.gather [hbm4b:s1+s19], $0x80, s2, s19, $0xb8;
	[tilespmem:$0x1D000] =	vst v63  }
0x1ed: {  	_ = 	snop  }
0x1ee: {  	[spmem:s3] =	stream.indirect.scatter.add.f32 [tilespmem:s21], [sflag:$0x3], $0x80, s0, s19, $0xb8;
	[tilespmem:$0x1D000] =	vst v63  }
0x1ef: {  	_ =	swait.ge [sflag:s17], $0x4000  }
0x1f0: {  	[sflag:s17] =	ssyncset.done $0x0  }
0x1f1: {  	[sflag:s17] =	ssyncadd.s32 $0xFFFFC000  }
0x1f2: {  	_ =	swait.ge [sflag:s20], $0x4000  }
0x1f3: {  	[sflag:s20] =	ssyncset.done $0x0  }
0x1f4: {  	[sflag:s20] =	ssyncadd.s32 $0xFFFFC000  }
0x1f5: {  	[tilespmem:s21], [sflag:$0x2] =	stream.indirect.gather [hbm4b:s1+s19], $0x80, s10, s19, $0xb8;
	[tilespmem:$0x1D000] =	vst v63  }
0x1f6: {  	_ = 	snop  }
0x1f7: {  	[spmem:s3] =	stream.indirect.scatter.add.f32 [tilespmem:s16], [sflag:$0x3], $0x80, s11, s19, $0xb8;
	[tilespmem:$0x1D000] =	vst v63  }
0x1f8: {  	_ =	swait.ge [sflag:s17], $0x4000  }
0x1f9: {  	[sflag:s17] =	ssyncset.done $0x0  }
0x1fa: {  	[sflag:s17] =	ssyncadd.s32 $0xFFFFC000  }
0x1fb: {  	_ =	swait.ge [sflag:s22], $0x4000  }
0x1fc: {  	[sflag:s22] =	ssyncset.done $0x0  }
0x1fd: {  	[sflag:s22] =	ssyncadd.s32 $0xFFFFC000  }
0x1fe: {  	[tilespmem:s16], [sflag:$0x1] =	stream.indirect.gather [hbm4b:s1+s19], $0x80, s12, s19, $0xb8;
	[tilespmem:$0x1D000] =	vst v63  }
0x1ff: {  	_ = 	snop  }
0x200: {  	[spmem:s3] =	stream.indirect.scatter.add.f32 [tilespmem:s21], [sflag:$0x3], $0x80, s13, s19, $0xb8;
	[tilespmem:$0x1D000] =	vst v63  }
0x201: {  	_ =	swait.ge [sflag:s17], $0x4000  }
0x202: {  	[sflag:s17] =	ssyncset.done $0x0  }
0x203: {  	[sflag:s17] =	ssyncadd.s32 $0xFFFFC000  }
0x204: {  	_ =	swait.ge [sflag:s20], $0x4000  }
0x205: {  	[sflag:s20] =	ssyncset.done $0x0  }
0x206: {  	[sflag:s20] =	ssyncadd.s32 $0xFFFFC000  }
0x207: {  	[tilespmem:s21], [sflag:$0x2] =	stream.indirect.gather [hbm4b:s1+s19], $0x80, s14, s19, $0xb8;
	[tilespmem:$0x1D000] =	vst v63  }
0x208: {  	_ = 	snop  }
0x209: {  	[spmem:s3] =	stream.indirect.scatter.add.f32 [tilespmem:s16], [sflag:$0x3], $0x80, s15, s19, $0xb8;
	[tilespmem:$0x1D000] =	vst v63  }
0x20a: {  	_ =	swait.ge [sflag:s17], $0x4000  }
0x20b: {  	[sflag:s17] =	ssyncset.done $0x0  }
0x20c: {  	[sflag:s17] =	ssyncadd.s32 $0xFFFFC000  }
0x20d: {  	_ =	swait.ge [sflag:s22], $0x4000  }
0x20e: {  	[sflag:s22] =	ssyncset.done $0x0  }
0x20f: {  	[sflag:s22] =	ssyncadd.s32 $0xFFFFC000  }
0x210: {  	[spmem:s3] =	stream.indirect.scatter.add.f32 [tilespmem:s21], [sflag:$0x3], $0x80, s5, s19, $0xb8;
	[tilespmem:$0x1D000] =	vst v63  }
0x211: {  	_ =	swait.ge [sflag:s17], $0x4000  }
0x212: {  	[sflag:s17] =	ssyncset.done $0x0  }
0x213: {  	[sflag:s17] =	ssyncadd.s32 $0xFFFFC000  }
0x214: {  	s8 =	stileid.u32;
	[bflag:$0x0] =	sbarrier.arrive $0xFFFF  }
0x215: {  	s6 =	sshll.u32 s8, $0x6;
	s9 =	rddreg [dreg:$0x12]  }
0x216: {  	s6 =	sor.u32 $0x1C03, s6;
	s8 =	rddreg [dreg:$0x17];
	s7 =	sshrl.u32 s9, $0x3  }
0x217: {  	[hbm:s8], [sflag:s6] =	dma.local [spmem:s7], $0x800  }
0x218: {  	_ =	swait.ge [sflag:s17], $0x800  }
0x219: {  	[sflag:s17] =	ssyncset.done $0x0;
	s8 =	rddreg [dreg:$0x13]  }
0x21a: {  	s9 =	rddreg [dreg:$0x18];
	[sflag:s17] =	ssyncadd.s32 $0xFFFFF800;
	s7 =	sshrl.u32 s8, $0x3  }
0x21b: {  	[hbm:s9], [sflag:s6] =	dma.local [spmem:s7], $0x800  }
0x21c: {  	_ =	swait.ge [sflag:s17], $0x800  }
0x21d: {  	[sflag:s17] =	ssyncset.done $0x0;
	s8 =	rddreg [dreg:$0x14]  }
0x21e: {  	s9 =	rddreg [dreg:$0x19];
	[sflag:s17] =	ssyncadd.s32 $0xFFFFF800;
	s7 =	sshrl.u32 s8, $0x3  }
0x21f: {  	[hbm:s9], [sflag:s6] =	dma.local [spmem:s7], $0x800  }
0x220: {  	_ =	swait.ge [sflag:s17], $0x800  }
0x221: {  	[sflag:s17] =	ssyncset.done $0x0;
	s8 =	rddreg [dreg:$0x15]  }
0x222: {  	s9 =	rddreg [dreg:$0x1a];
	[sflag:s17] =	ssyncadd.s32 $0xFFFFF800;
	s7 =	sshrl.u32 s8, $0x3  }
0x223: {  	[hbm:s9], [sflag:s6] =	dma.local [spmem:s7], $0x800  }
0x224: {  	_ =	swait.ge [sflag:s17], $0x800  }
0x225: {  	[sflag:s17] =	ssyncset.done $0x0;
	s8 =	rddreg [dreg:$0x16]  }
0x226: {  	s9 =	rddreg [dreg:$0x1b];
	[sflag:s17] =	ssyncadd.s32 $0xFFFFF800;
	s7 =	sshrl.u32 s8, $0x3  }
0x227: {  	[hbm:s9], [sflag:s6] =	dma.local [spmem:s7], $0x800  }
0x228: {  	_ =	swait.ge [sflag:s17], $0x800  }
0x229: {  	s8 =	rddreg [dreg:$0x1d]  }
0x22a: {  	s9 =	rddreg [dreg:$0x1c];
	s7 =	sadd.s32 $0x1, s8  }
0x22b: {  	p0 =	sne.s32 s7, s9  }
.Ltmp2:
0x22c: {  	_ = 	snop;
	(pc) =	sbr.rel @p0 .LBB2_1-.Ltmp2, $3  }
0x22d: {  	_ =	sdelay $0x1  }
0x22e: {  	[sflag:s17] =	ssyncset.done $0x0  }
0x22f: {  	[sflag:s17] =	ssyncadd.s32 $0xFFFFF800  }
0x230: {  	_ =	sfence.sel $0x180000  }
0x231: {  	[bflag:$0x0] =	sbarrier.arrive $0xFFFF  }
0x232: {  	_ =	strace $0x9000004A  }
0x233: {  	s0 =	stileid.u32;
	[bflag:$0x2] =	sbarrier.arrive $0xFFFF  }
0x234: {  	p0 =	sne.s32 s0, $0x0;
	s0 =	rddreg [dreg:$0x3]  }
0x235: {  	s0 =	sadd.s32 @!p0 $0x100000, s0  }
0x236: {  	[sflag:s0] =	ssyncadd.tile.s32 @!p0 $0x1;
	_ =	shalt  }
.Lfunc_end2:
_tile_overlayer_lowered:
.L_overlay_start_2:
0x237: {  	(tag) =	ssettag $0x2  }
0x238: {  	s0 =	rddreg [dreg:$0x0];
	s2 =	stileid.u32  }
0x239: {  	s1 =	rddreg [dreg:$0x1];
	p0 =	sne.s32 s2, $0x0  }
0x23a: {  	s3 =	rddreg [dreg:$0x2];
	[bflag:$0x3] =	sbarrier.arrive $0xFFFF;
	s2 =	simm.s32 @!p0 $0x1C03  }
0x23b: {  	[timem:s3], [sflag:s2] =	dma.local @!p0 [hbm:s0], s1  }
0x23c: {  	s0 =	simm.s32 @!p0 $0x3  }
0x23d: {  	_ =	swait.ge @!p0 [sflag:s0], s1  }
0x23e: {  	s1 =	ssub.s32 @!p0 $0x0, s1;
	[sflag:s0] =	ssyncset.done @!p0 $0x0  }
0x23f: {  	[sflag:s0] =	ssyncadd.s32 @!p0 s1  }
0x240: {  	[bflag:$0x3] =	sbarrier.arrive $0xFFFF  }
0x241: {  	_ =	shalt  }

// kernel: kernel.15.cloned.1.call-start
scs
__scs_entry_jumppad:
0x0: {  	(pc) =	sbr.rel $0x88, $3  }
0x1: {  	(tag) =	ssettag $0x0;
	lr =	simm.s32 $0x1  }
0x2: {  	[smem:$0x3F9B] =	sst lr;
	_ =	strace $0xD0000000  }
0x3: {  	_ = 	snop  }
0x4: {  	_ = 	snop  }
0x5: {  	_ = 	snop  }
0x6: {  	_ = 	snop  }
0x7: {  	_ = 	snop  }
__scs_overlays_trampoline_lowered:
0x8: {  	[smem:$0x3FAA] =	sst s0  }
0x9: {  	[smem:$0x3FAB] =	sst s1  }
0xa: {  	[smem:$0x3FAC] =	sst s2  }
0xb: {  	[smem:$0x3FAD] =	sst s3  }
0xc: {  	[smem:$0x3FAE] =	sst s4  }
0xd: {  	[smem:$0x3FAF] =	sst s5  }
0xe: {  	[smem:$0x3FB0] =	sst s6  }
0xf: {  	[smem:$0x3FB1] =	sst s7  }
0x10: {  	[smem:$0x3FB2] =	sst s8  }
0x11: {  	[smem:$0x3FB3] =	sst s9;
	s0 =	simm.s32 @!p0 $0x0  }
0x12: {  	s1 =	sld [smem:$0x3F99];
	s0 =	simm.s32 @p0 $0x1  }
0x13: {  	[smem:$0x3FB4] =	sst s0;
	s0 =	simm.s32 @!p1 $0x0  }
0x14: {  	s2 =	sld [smem:$0x3F98];
	s0 =	simm.s32 @p1 $0x1  }
0x15: {  	[smem:$0x3FB5] =	sst s0;
	s0 =	simm.s32 @!p2 $0x0  }
0x16: {  	s3 =	sld [smem:$0x3FDB];
	s0 =	simm.s32 @p2 $0x1  }
0x17: {  	s4 =	simm.s32 $0x1BF5;
	[smem:$0x3FB7] =	sst s0  }
0x18: {  	s0 =	sld [smem:$0x3F9A];
	_ =	swait.ge [sflag:s4], $0x0  }
0x19: {  	s7 =	sld [smem:$0x3F9B]  }
0x1a: {  	s8 =	sadd.s32 $0xFFFFE003, lr  }
0x1b: {  	s9 =	sadd.s32 $0xFFFFFEF7, lr;
	s5 =	simm.s32 $0xFFFFFFFF;
	p2 =	slt.u32 s8, $0xFFFFF086  }
0x1c: {  	p1 =	slt.u32 s9, $0xF7A;
	s5 =	simm.s32 @!p2 $0x0  }
0x1d: {  	s5 =	simm.s32 @p1 $0x1;
	p0 =	seq.s32 s7, s2  }
0x1e: {  	s7 =	smul.u32 @!p0 $0xF7A, s2;
	p2 =	seq.s32 @!p0 s5, $0x0  }
0x1f: {  	s9 =	smul.u32 $0xF7A, s1;
	s8 =	simm.s32 @!p0 $0x1BF5;
	p2 =	por !p2, p0  }
0x20: {  	[sflag:s8] =	ssyncset.s32 @!p0 $0xFFFFF086;
	s6 =	sadd.s32 @!p0 s3, s7;
	s7 =	simm.s32 @!p0 $0x108  }
0x21: {  	s3 =	sadd.s32 s3, s9;
	s6 =	sadd.s32 @!p0 $0x88, s6;
	s7 =	simm.s32 @p2 $0x1082  }
0x22: {  	[simem:s7], [sflag:s8] =	dma.local @!p0 [hbm:s6], $0xF7A  }
0x23: {  	s9 =	sor.u32 $0xD0000000, s2;
	s6 =	simm.s32 $0x108;
	_ =	swait.ge @!p0 [sflag:s8], $0x0  }
0x24: {  	s3 =	sadd.s32 $0x88, s3;
	s6 =	simm.s32 @!p1 $0x1082;
	[sflag:s4] =	ssyncset.s32 $0xFFFFF086  }
0x25: {  	[simem:s6], [sflag:s4] =	dma.local [hbm:s3], $0xF7A  }
0x26: {  	[smem:$0x3F9B] =	sst s1;
	(tag) =	ssettag s2;
	_ =	strace s9  }
0x27: {  	s1 =	sld [smem:$0x3FAB]  }
0x28: {  	s2 =	sld [smem:$0x3FAC]  }
0x29: {  	s4 =	sld [smem:$0x3FAE]  }
0x2a: {  	p0 =	seq.s32 s5, $0x0;
	s5 =	sld [smem:$0x3FAF]  }
0x2b: {  	s6 =	sld [smem:$0x3FB0]  }
0x2c: {  	s7 =	sld [smem:$0x3FB1]  }
0x2d: {  	s3 =	simm.s32 $0x108;
	s8 =	sld [smem:$0x3FB2]  }
0x2e: {  	s3 =	simm.s32 @!p0 $0x1082;
	s9 =	sld [smem:$0x3FB3]  }
0x2f: {  	lr =	sadd.s32 s0, s3;
	s0 =	sld [smem:$0x3FAA]  }
0x30: {  	s3 =	sld [smem:$0x3FAD]  }
0x31: {  	[smem:$0x3FB6] =	sst s10  }
0x32: {  	s10 =	sld [smem:$0x3FB4];
	_ =	sdelay $0x3  }
0x33: {  	p0 =	seq.s32 s10, $0x1;
	s10 =	sld [smem:$0x3FB6];
	_ =	sdelay $0x3  }
0x34: {  	[smem:$0x3FB6] =	sst s10  }
0x35: {  	s10 =	sld [smem:$0x3FB5];
	_ =	sdelay $0x3  }
0x36: {  	p1 =	seq.s32 s10, $0x1;
	s10 =	sld [smem:$0x3FB6];
	_ =	sdelay $0x3  }
0x37: {  	[smem:$0x3FB6] =	sst s10  }
0x38: {  	s10 =	sld [smem:$0x3FB7]  }
0x39: {  	_ = 	snop;
	(pc) =	sbr.ind lr, $3  }
0x3a: {  	_ = 	snop  }
0x3b: {  	_ = 	snop  }
0x3c: {  	p2 =	seq.s32 s10, $0x1;
	s10 =	sld [smem:$0x3FB6]  }
0x3d: {  	_ =	shalt  }
0x3e: {  	_ =	shalt  }
0x3f: {  	_ =	shalt  }
0x40: {  	_ =	shalt  }
0x41: {  	_ =	shalt  }
0x42: {  	_ =	shalt  }
0x43: {  	_ =	shalt  }
0x44: {  	_ =	shalt  }
0x45: {  	_ =	shalt  }
0x46: {  	_ =	shalt  }
0x47: {  	_ =	shalt  }
0x48: {  	_ =	shalt  }
0x49: {  	_ =	shalt  }
0x4a: {  	_ =	shalt  }
0x4b: {  	_ =	shalt  }
0x4c: {  	_ =	shalt  }
0x4d: {  	_ =	shalt  }
0x4e: {  	_ =	shalt  }
0x4f: {  	_ =	shalt  }
0x50: {  	_ =	shalt  }
0x51: {  	_ =	shalt  }
0x52: {  	_ =	shalt  }
0x53: {  	_ =	shalt  }
0x54: {  	_ =	shalt  }
0x55: {  	_ =	shalt  }
0x56: {  	_ =	shalt  }
0x57: {  	_ =	shalt  }
0x58: {  	_ =	shalt  }
0x59: {  	_ =	shalt  }
0x5a: {  	_ =	shalt  }
0x5b: {  	_ =	shalt  }
0x5c: {  	_ =	shalt  }
0x5d: {  	_ =	shalt  }
0x5e: {  	_ =	shalt  }
0x5f: {  	_ =	shalt  }
0x60: {  	_ =	shalt  }
0x61: {  	_ =	shalt  }
0x62: {  	_ =	shalt  }
0x63: {  	_ =	shalt  }
0x64: {  	_ =	shalt  }
0x65: {  	_ =	shalt  }
0x66: {  	_ =	shalt  }
0x67: {  	_ =	shalt  }
0x68: {  	_ =	shalt  }
0x69: {  	_ =	shalt  }
0x6a: {  	_ =	shalt  }
0x6b: {  	_ =	shalt  }
0x6c: {  	_ =	shalt  }
0x6d: {  	_ =	shalt  }
0x6e: {  	_ =	shalt  }
0x6f: {  	_ =	shalt  }
0x70: {  	_ =	shalt  }
0x71: {  	_ =	shalt  }
0x72: {  	_ =	shalt  }
0x73: {  	_ =	shalt  }
0x74: {  	_ =	shalt  }
0x75: {  	_ =	shalt  }
0x76: {  	_ =	shalt  }
0x77: {  	_ =	shalt  }
0x78: {  	_ =	shalt  }
0x79: {  	_ =	shalt  }
0x7a: {  	_ =	shalt  }
0x7b: {  	_ =	shalt  }
0x7c: {  	_ =	shalt  }
0x7d: {  	_ =	shalt  }
0x7e: {  	_ =	shalt  }
0x7f: {  	_ =	shalt  }
0x80: {  	_ =	shalt  }
0x81: {  	_ =	shalt  }
0x82: {  	_ =	shalt  }
0x83: {  	_ =	shalt  }
0x84: {  	_ =	shalt  }
0x85: {  	_ =	shalt  }
0x86: {  	_ =	shalt  }
0x87: {  	_ =	shalt  }
.Lfunc_end0:
.L_simem_size_0:
called_computation.2_lowered:
.L_overlay_start_0:
0x88: {  	s2 =	sld [smem:$0x3FD9]  }
0x89: {  	s3 =	sld [smem:$0x3FFE];
	_ =	sdelay $0x1  }
0x8a: {  	s1 =	srdreg.scid  }
0x8b: {  	s0 =	sand.u32 $0x1, s1  }
0x8c: {  	s17 =	sshll.u32 s0, $0xA;
	s2 =	sadd.s32 s3, s2  }
0x8d: {  	s2 =	sadd.s32 s2, s17  }
0x8e: {  	[smem:$0x3FC2] =	sst s2  }
0x8f: {  	_ = 	snop  }
0x90: {  	s2 =	sld [smem:$0x3FD0];
	(tm) =	ssettm $0x1  }
0x91: {  	s18 =	sld [smem:$0x3FFB];
	_ =	sdelay $0x3  }
0x92: {  	_ =	strace s18  }
0x93: {  	s3 =	sld [smem:$0x3FFC];
	_ =	sdelay $0x3  }
0x94: {  	_ =	strace s3  }
0x95: {  	s3 =	sld [smem:$0x3FFD];
	_ =	sdelay $0x3  }
0x96: {  	_ =	strace s3  }
0x97: {  	_ =	strace $0x8FFFFFFF  }
0x98: {  	s19 =	sld [smem:$0x3FDB];
	_ =	sdelay $0x1  }
0x99: {  	s4 =	simm.s32 $_scs_section_size  }
0x9a: {  	s5 =	simm.s32 $_size__tile_overlayer_lowered;
	s6 =	simm.s32 $_tile_overlayer_lowered  }
0x9b: {  	s22 =	simm.s32 $0x1BFF;
	s21 =	sshll.u32 s6, $0x1;
	s3 =	sadd.s32 s4, s19  }
0x9c: {  	s7 =	simm.s32 $0x0;
	s20 =	sshll.u32 s5, $0x1;
	s5 =	sadd.s32 s21, s3  }
0x9d: {  	[timem:s7], [sflag:s22] =	dma.local [hbm:s5], s20  }
0x9e: {  	_ =	swait.ge [sflag:s22], s20  }
0x9f: {  	s4 =	ssub.s32 $0x0, s20;
	[sflag:s22] =	ssyncset.done $0x0  }
0xa0: {  	[sflag:s22] =	ssyncadd.s32 s4;
	_ =	sdelay $0x1  }
0xa1: {  	s23 =	simm.s32 $0x1B8B  }
0xa2: {  	_ =	swait.ge [sflag:s23], $0x1  }
0xa3: {  	[sflag:s23] =	ssyncset.done $0x0  }
0xa4: {  	s25 =	simm.s32 $0x1B8E;
	s24 =	sld [smem:$0x3FFE];
	[sflag:s23] =	ssyncadd.s32 $0xFFFFFFFF  }
0xa5: {  	s26 =	simm.s32 $execute0_lowered;
	[smem:$0x3FD2] =	sst s25  }
0xa6: {  	s5 =	sshll.u32 s26, $0x1;
	_ =	strace $0x8000004C;
	[dreg:$0x1] =	wrdreg $0xFFFFFFFF  }
0xa7: {  	s28 =	simm.s32 $_size_execute0_lowered;
	s3 =	sadd.s32 s3, s5;
	[dreg:$0x0] =	wrdreg $0x0  }
0xa8: {  	s5 =	sshll.u32 s28, $0x1;
	[dreg:$0x2] =	wrdreg s3  }
0xa9: {  	[dreg:$0x3] =	wrdreg s5  }
0xaa: {  	[dreg:$0x4] =	wrdreg $0xC0  }
0xab: {  	_ =	task [dreg:s7], $0x5FFFF  }
0xac: {  	[dreg:$0x1] =	wrdreg $0xFFFFFFFF  }
0xad: {  	[dreg:$0x0] =	wrdreg $0x60  }
0xae: {  	[dreg:$0x2] =	wrdreg s2  }
0xaf: {  	[dreg:$0x3] =	wrdreg s24  }
0xb0: {  	[dreg:$0x4] =	wrdreg $0x90000  }
0xb1: {  	[dreg:$0x5] =	wrdreg $0x9  }
0xb2: {  	_ =	task.clear_ibuf [dreg:s7], $0x6FFFF;
	_ =	strace $0x9000004C  }
0xb3: {  	s29 =	simm.s32 $0x9;
	_ =	strace $0x8000004E  }
0xb4: {  	_ =	swait.ge [sflag:s29], $0x1  }
0xb5: {  	[sflag:s29] =	ssyncadd.s32 $0xFFFFFFFF  }
0xb6: {  	_ =	strace $0x9000004E  }
0xb7: {  	_ =	sfence  }
0xb8: {  	s30 =	sld [smem:$0x0];
	_ =	sdelay $0x2  }
0xb9: {  	s31 =	sshll.u32 s1, $0xD;
	s1 =	sshrl.u32 s1, $0x2  }
0xba: {  	s3 =	sand.u32 $0x4000, s31;
	s1 =	sadd.s32 s1, s30  }
0xbb: {  	s0 =	sor.u32 s3, s0;
	s1 =	sshll.u32 s1, $0x11  }
0xbc: {  	s0 =	sor.u32 s1, s0  }
0xbd: {  	s0 =	sadd.s32 $0x8F2B, s0  }
0xbe: {  	[sflag:s0] =	ssyncadd.remote.s32 $0x1  }
0xbf: {  	_ =	sfence.sel $0xFFFF  }
0xc0: {  	[dreg:$0x0] =	wrdreg $0xFFFFFFFF;
	(pc) =	sbr.abs _section_cstart, $3  }
0xc1: {  	[dreg:$0x1] =	wrdreg $0xFFFFFFFF  }
0xc2: {  	_ =	task.clear_ibuf [dreg:s7], $0x2FFFF;
	_ =	strace $0x9FFFFFFF  }
0xc3: {  	(tm) =	ssettm $0x7FFFFFFF  }
tec
execute0_lowered:
.L_overlay_start_1:
0x0: {  	(tag) =	ssettag $0x1  }
0x1: {  	s1 =	rddreg [dreg:$0x0]  }
0x2: {  	s0 =	srdreg.scid;
	s5 =	rddreg [dreg:$0x1]  }
0x3: {  	s9 =	stileid.u32;
	s3 =	rddreg [dreg:$0x2];
	s4 =	simm.s32 $0x0  }
0x4: {  	s14 =	simm.s32 $0x100;
	s15 =	simm.s32 $0x880;
	s16 =	simm.s32 $0x180  }
0x5: {  	s17 =	simm.s32 $0x900;
	s18 =	simm.s32 $0x200;
	s19 =	simm.s32 $0x980  }
0x6: {  	s28 =	simm.s32 $0x500;
	s29 =	simm.s32 $0xC80;
	[smem:$0x7FF] =	sst s4  }
0x7: {  	s6 =	smul.u32 $0x2800, s9;
	_ =	strace $0x8000004D;
	[dreg:$0x6] =	wrdreg s14  }
0x8: {  	s30 =	simm.s32 $0x580;
	s21 =	smul.u32 $0x50000, s9;
	[dreg:$0x7] =	wrdreg s15  }
0x9: {  	s0 =	sand.u32 $0x1, s0;
	s9 =	smul.u32 $0x14000, s9;
	[dreg:$0x8] =	wrdreg s16  }
0xa: {  	s31 =	simm.s32 $0xD00;
	s2 =	smul.u32 $0x28000, s0;
	[dreg:$0x9] =	wrdreg s17  }
0xb: {  	s7 =	ssub.s32 $0x2, s0;
	s0 =	smul.u32 $0x140000, s0;
	[dreg:$0xa] =	wrdreg s18  }
0xc: {  	[dreg:$0xb] =	wrdreg s19;
	s16 =	simm.s32 $0x1000;
	s17 =	simm.s32 $0x3  }
0xd: {  	s18 =	simm.s32 $0x800;
	s19 =	simm.s32 $0x80;
	s14 =	simm.s32 $0x780  }
0xe: {  	s15 =	simm.s32 $0xF00;
	s8 =	sshrl.u32 s7, $0x1;
	s22 =	sadd.s32 $0x4000, s9  }
0xf: {  	s23 =	sadd.s32 $0x8000, s9;
	s25 =	sadd.s32 $0xC000, s9;
	s26 =	sadd.s32 $0x10000, s9  }
0x10: {  	s2 =	sadd.s32 s6, s2;
	s6 =	sshrl.u32 s21, $0x2;
	s7 =	ssub.s32 s7, s8  }
0x11: {  	s10 =	sadd.s32 s22, s3;
	s24 =	sadd.s32 s23, s3;
	s11 =	sadd.s32 s25, s3  }
0x12: {  	s9 =	sadd.s32 s9, s0;
	s12 =	sadd.s32 s26, s3;
	[dreg:$0x13] =	wrdreg s10  }
0x13: {  	s8 =	sadd.s32 s0, s23;
	s13 =	sadd.s32 s0, s25;
	[dreg:$0x14] =	wrdreg s24  }
0x14: {  	s21 =	simm.s32 $0x280;
	s23 =	simm.s32 $0x300;
	[dreg:$0x15] =	wrdreg s11  }
0x15: {  	s25 =	simm.s32 $0x380;
	s2 =	sshrl.u32 s2, $0x3;
	[dreg:$0x16] =	wrdreg s12  }
0x16: {  	s6 =	sadd.s32 s6, s3;
	s9 =	sshrl.u32 s9, $0x3;
	[dreg:$0xc] =	wrdreg s21  }
0x17: {  	s20 =	smax.u32 s7, $0x1;
	[dreg:$0xe] =	wrdreg s23;
	s24 =	simm.s32 $0xA80  }
0x18: {  	[dreg:$0x10] =	wrdreg s25;
	s21 =	simm.s32 $0x5000;
	s23 =	simm.s32 $0x400  }
0x19: {  	s25 =	simm.s32 $0x480;
	s10 =	simm.s32 $0x680;
	s11 =	simm.s32 $0xE00  }
0x1a: {  	s7 =	simm.s32 $0x0;
	s2 =	sadd.s32 s2, s5;
	[dreg:$0x12] =	wrdreg s6  }
0x1b: {  	s5 =	sadd.s32 $0x15600, s5;
	s6 =	sadd.s32 s0, s22;
	[dreg:$0x1c] =	wrdreg s20  }
0x1c: {  	s0 =	sadd.s32 s0, s26;
	s22 =	simm.s32 $0xA00;
	[dreg:$0xf] =	wrdreg s24  }
0x1d: {  	s20 =	simm.s32 $0x1;
	s26 =	simm.s32 $0xB00;
	s24 =	simm.s32 $0xB80  }
0x1e: {  	s9 =	sadd.s32 s5, s9;
	s6 =	sshrl.u32 s6, $0x3;
	[dreg:$0xd] =	wrdreg s22  }
0x1f: {  	s12 =	sadd.s32 $0xB600, s2;
	s2 =	sadd.s32 $0x1600, s2;
	[dreg:$0x11] =	wrdreg s26  }
0x20: {  	s0 =	sshrl.u32 s0, $0x3;
	s22 =	simm.s32 $0x2;
	[dreg:$0x17] =	wrdreg s9  }
0x21: {  	s26 =	simm.s32 $0xC00;
	s6 =	sadd.s32 s5, s6;
	[dreg:$0x4] =	wrdreg s12  }
0x22: {  	s9 =	sshrl.u32 s8, $0x3;
	[dreg:$0x5] =	wrdreg s2;
	s0 =	sadd.s32 s5, s0  }
0x23: {  	s2 =	simm.s32 $0x600;
	[dreg:$0x18] =	wrdreg s6;
	s6 =	sadd.s32 s5, s9  }
0x24: {  	s12 =	simm.s32 $0x700;
	[dreg:$0x19] =	wrdreg s6;
	s6 =	sshrl.u32 s13, $0x3  }
0x25: {  	[dreg:$0x1b] =	wrdreg s0;
	s0 =	simm.s32 $0xD80;
	s6 =	sadd.s32 s5, s6  }
0x26: {  	v0 =	vimm.f32 $0.0e+00;
	s13 =	simm.s32 $0xE80;
	s5 =	simm.s32 $0xF80;
	[dreg:$0x1a] =	wrdreg s6  }
.LBB2_1:
0x27: {  	[dreg:$0x1d] =	wrdreg s7;
	s7 =	simm.s32 $0x0;
	s8 =	simm.s32 $0x200  }
.LBB2_2:
0x28: {  	p0 =	sne.s32 s8, $0xFE00;
	[tilespmem:s7+$0x1070] =	vst v0  }
0x29: {  	[tilespmem:s7+$0x1000] =	vst v0  }
0x2a: {  	[tilespmem:s7+$0x1010] =	vst v0  }
.Ltmp0:
0x2b: {  	[tilespmem:s7+$0x1020] =	vst v0;
	(pc) =	sbr.rel @p0 .LBB2_2-.Ltmp0, $4  }
0x2c: {  	[tilespmem:s7+$0x1030] =	vst v0  }
0x2d: {  	[tilespmem:s7+$0x1040] =	vst v0  }
0x2e: {  	[tilespmem:s7+$0x1050] =	vst v0  }
0x2f: {  	[tilespmem:s7+$0x1060] =	vst v0;
	s7 =	sshra.s32 s8, $0x2;
	s8 =	sadd.s32 $0x200, s8  }
0x30: {  	[tilespmem:s7+$0x1070] =	vst v0  }
0x31: {  	[tilespmem:s7+$0x1000] =	vst v0  }
0x32: {  	[tilespmem:s7+$0x1010] =	vst v0  }
0x33: {  	[tilespmem:s7+$0x1020] =	vst v0  }
0x34: {  	[tilespmem:s7+$0x1030] =	vst v0  }
0x35: {  	[tilespmem:s7+$0x1040] =	vst v0  }
0x36: {  	[tilespmem:s7+$0x1050] =	vst v0  }
0x37: {  	[tilespmem:s7+$0x1060] =	vst v0;
	s6 =	rddreg [dreg:$0x12]  }
0x38: {  	[spmem:s6] =	stream.linear.scatter [tilespmem:s16], [sflag:$0x3], $0x4000, $0x38;
	[tilespmem:$0x1D000] =	vst v63  }
0x39: {  	_ =	swait.ge [sflag:s17], $0x4000  }
0x3a: {  	[sflag:s17] =	ssyncset.done $0x0  }
0x3b: {  	s7 =	rddreg [dreg:$0x13];
	[sflag:s17] =	ssyncadd.s32 $0xFFFFC000  }
0x3c: {  	[spmem:s7] =	stream.linear.scatter [tilespmem:s16], [sflag:$0x3], $0x4000, $0x38;
	[tilespmem:$0x1D000] =	vst v63  }
0x3d: {  	_ =	swait.ge [sflag:s17], $0x4000  }
0x3e: {  	[sflag:s17] =	ssyncset.done $0x0  }
0x3f: {  	s8 =	rddreg [dreg:$0x14];
	[sflag:s17] =	ssyncadd.s32 $0xFFFFC000  }
0x40: {  	[spmem:s8] =	stream.linear.scatter [tilespmem:s16], [sflag:$0x3], $0x4000, $0x38;
	[tilespmem:$0x1D000] =	vst v63  }
0x41: {  	_ =	swait.ge [sflag:s17], $0x4000  }
0x42: {  	[sflag:s17] =	ssyncset.done $0x0  }
0x43: {  	s9 =	rddreg [dreg:$0x15];
	[sflag:s17] =	ssyncadd.s32 $0xFFFFC000  }
0x44: {  	[spmem:s9] =	stream.linear.scatter [tilespmem:s16], [sflag:$0x3], $0x4000, $0x38;
	[tilespmem:$0x1D000] =	vst v63  }
0x45: {  	_ =	swait.ge [sflag:s17], $0x4000  }
0x46: {  	[sflag:s17] =	ssyncset.done $0x0  }
0x47: {  	s7 =	rddreg [dreg:$0x16];
	[sflag:s17] =	ssyncadd.s32 $0xFFFFC000  }
0x48: {  	[spmem:s7] =	stream.linear.scatter [tilespmem:s16], [sflag:$0x3], $0x4000, $0x38;
	[tilespmem:$0x1D000] =	vst v63  }
0x49: {  	_ =	swait.ge [sflag:s17], $0x4000  }
0x4a: {  	[sflag:s17] =	ssyncset.done $0x0  }
0x4b: {  	[sflag:s17] =	ssyncadd.s32 $0xFFFFC000  }
0x4c: {  	[bflag:$0x0] =	sbarrier.arrive $0xFFFF  }
0x4d: {  	s8 =	rddreg [dreg:$0x5]  }
0x4e: {  	s7 =	sadd.s32 $0x0, s8  }
0x4f: {  	[tilespmem:s4], [sflag:$0x3] =	stream.linear.gather [hbm4b:s7+s4], $0x800, $0x38;
	[tilespmem:$0x1D000] =	vst v63  }
0x50: {  	_ =	swait.ge [sflag:s17], $0x800  }
0x51: {  	s9 =	rddreg [dreg:$0x4];
	[sflag:s17] =	ssyncset.done $0x0  }
0x52: {  	[sflag:s17] =	ssyncadd.s32 $0xFFFFF800;
	s7 =	sadd.s32 $0x0, s9  }
0x53: {  	[tilespmem:s18], [sflag:$0x3] =	stream.linear.gather [hbm4b:s7+s4], $0x800, $0x38;
	[tilespmem:$0x1D000] =	vst v63  }
0x54: {  	_ =	swait.ge [sflag:s17], $0x800  }
0x55: {  	[sflag:s17] =	ssyncset.done $0x0  }
0x56: {  	[sflag:s17] =	ssyncadd.s32 $0xFFFFF800  }
0x57: {  	[tilespmem:s16], [sflag:$0x1] =	stream.indirect.gather [hbm4b:s1+s19], $0x80, s4, s19, $0xb8;
	[tilespmem:$0x1D000] =	vst v63  }
0x58: {  	_ =	swait.ge [sflag:s20], $0x4000  }
0x59: {  	[sflag:s20] =	ssyncset.done $0x0  }
0x5a: {  	[sflag:s20] =	ssyncadd.s32 $0xFFFFC000  }
0x5b: {  	[tilespmem:s21], [sflag:$0x2] =	stream.indirect.gather [hbm4b:s1+s19], $0x80, s19, s19, $0xb8;
	[tilespmem:$0x1D000] =	vst v63  }
0x5c: {  	_ = 	snop  }
0x5d: {  	[spmem:s3] =	stream.indirect.scatter.add.f32 [tilespmem:s16], [sflag:$0x3], $0x80, s18, s19, $0xb8;
	[tilespmem:$0x1D000] =	vst v63  }
0x5e: {  	_ =	swait.ge [sflag:s17], $0x4000  }
0x5f: {  	[sflag:s17] =	ssyncset.done $0x0  }
0x60: {  	[sflag:s17] =	ssyncadd.s32 $0xFFFFC000  }
0x61: {  	_ =	swait.ge [sflag:s22], $0x4000  }
0x62: {  	[sflag:s22] =	ssyncset.done $0x0  }
0x63: {  	s6 =	rddreg [dreg:$0x6];
	[sflag:s22] =	ssyncadd.s32 $0xFFFFC000  }
0x64: {  	[tilespmem:s16], [sflag:$0x1] =	stream.indirect.gather [hbm4b:s1+s19], $0x80, s6, s19, $0xb8;
	[tilespmem:$0x1D000] =	vst v63  }
0x65: {  	s8 =	rddreg [dreg:$0x7]  }
0x66: {  	[spmem:s3] =	stream.indirect.scatter.add.f32 [tilespmem:s21], [sflag:$0x3], $0x80, s8, s19, $0xb8;
	[tilespmem:$0x1D000] =	vst v63  }
0x67: {  	_ =	swait.ge [sflag:s17], $0x4000  }
0x68: {  	[sflag:s17] =	ssyncset.done $0x0  }
0x69: {  	[sflag:s17] =	ssyncadd.s32 $0xFFFFC000  }
0x6a: {  	_ =	swait.ge [sflag:s20], $0x4000  }
0x6b: {  	[sflag:s20] =	ssyncset.done $0x0  }
0x6c: {  	s9 =	rddreg [dreg:$0x8];
	[sflag:s20] =	ssyncadd.s32 $0xFFFFC000  }
0x6d: {  	[tilespmem:s21], [sflag:$0x2] =	stream.indirect.gather [hbm4b:s1+s19], $0x80, s9, s19, $0xb8;
	[tilespmem:$0x1D000] =	vst v63  }
0x6e: {  	s6 =	rddreg [dreg:$0x9]  }
0x6f: {  	[spmem:s3] =	stream.indirect.scatter.add.f32 [tilespmem:s16], [sflag:$0x3], $0x80, s6, s19, $0xb8;
	[tilespmem:$0x1D000] =	vst v63  }
0x70: {  	_ =	swait.ge [sflag:s17], $0x4000  }
0x71: {  	[sflag:s17] =	ssyncset.done $0x0  }
0x72: {  	[sflag:s17] =	ssyncadd.s32 $0xFFFFC000  }
0x73: {  	_ =	swait.ge [sflag:s22], $0x4000  }
0x74: {  	[sflag:s22] =	ssyncset.done $0x0  }
0x75: {  	s9 =	rddreg [dreg:$0xa];
	[sflag:s22] =	ssyncadd.s32 $0xFFFFC000  }
0x76: {  	[tilespmem:s16], [sflag:$0x1] =	stream.indirect.gather [hbm4b:s1+s19], $0x80, s9, s19, $0xb8;
	[tilespmem:$0x1D000] =	vst v63  }
0x77: {  	s6 =	rddreg [dreg:$0xb]  }
0x78: {  	[spmem:s3] =	stream.indirect.scatter.add.f32 [tilespmem:s21], [sflag:$0x3], $0x80, s6, s19, $0xb8;
	[tilespmem:$0x1D000] =	vst v63  }
0x79: {  	_ =	swait.ge [sflag:s17], $0x4000  }
0x7a: {  	[sflag:s17] =	ssyncset.done $0x0  }
0x7b: {  	[sflag:s17] =	ssyncadd.s32 $0xFFFFC000  }
0x7c: {  	_ =	swait.ge [sflag:s20], $0x4000  }
0x7d: {  	[sflag:s20] =	ssyncset.done $0x0  }
0x7e: {  	s9 =	rddreg [dreg:$0xc];
	[sflag:s20] =	ssyncadd.s32 $0xFFFFC000  }
0x7f: {  	[tilespmem:s21], [sflag:$0x2] =	stream.indirect.gather [hbm4b:s1+s19], $0x80, s9, s19, $0xb8;
	[tilespmem:$0x1D000] =	vst v63  }
0x80: {  	s6 =	rddreg [dreg:$0xd]  }
0x81: {  	[spmem:s3] =	stream.indirect.scatter.add.f32 [tilespmem:s16], [sflag:$0x3], $0x80, s6, s19, $0xb8;
	[tilespmem:$0x1D000] =	vst v63  }
0x82: {  	_ =	swait.ge [sflag:s17], $0x4000  }
0x83: {  	[sflag:s17] =	ssyncset.done $0x0  }
0x84: {  	[sflag:s17] =	ssyncadd.s32 $0xFFFFC000  }
0x85: {  	_ =	swait.ge [sflag:s22], $0x4000  }
0x86: {  	[sflag:s22] =	ssyncset.done $0x0  }
0x87: {  	s9 =	rddreg [dreg:$0xe];
	[sflag:s22] =	ssyncadd.s32 $0xFFFFC000  }
0x88: {  	[tilespmem:s16], [sflag:$0x1] =	stream.indirect.gather [hbm4b:s1+s19], $0x80, s9, s19, $0xb8;
	[tilespmem:$0x1D000] =	vst v63  }
0x89: {  	s6 =	rddreg [dreg:$0xf]  }
0x8a: {  	[spmem:s3] =	stream.indirect.scatter.add.f32 [tilespmem:s21], [sflag:$0x3], $0x80, s6, s19, $0xb8;
	[tilespmem:$0x1D000] =	vst v63  }
0x8b: {  	_ =	swait.ge [sflag:s17], $0x4000  }
0x8c: {  	[sflag:s17] =	ssyncset.done $0x0  }
0x8d: {  	[sflag:s17] =	ssyncadd.s32 $0xFFFFC000  }
0x8e: {  	_ =	swait.ge [sflag:s20], $0x4000  }
0x8f: {  	[sflag:s20] =	ssyncset.done $0x0  }
0x90: {  	s8 =	rddreg [dreg:$0x10];
	[sflag:s20] =	ssyncadd.s32 $0xFFFFC000  }
0x91: {  	[tilespmem:s21], [sflag:$0x2] =	stream.indirect.gather [hbm4b:s1+s19], $0x80, s8, s19, $0xb8;
	[tilespmem:$0x1D000] =	vst v63  }
0x92: {  	s9 =	rddreg [dreg:$0x11]  }
0x93: {  	[spmem:s3] =	stream.indirect.scatter.add.f32 [tilespmem:s16], [sflag:$0x3], $0x80, s9, s19, $0xb8;
	[tilespmem:$0x1D000] =	vst v63  }
0x94: {  	_ =	swait.ge [sflag:s17], $0x4000  }
0x95: {  	[sflag:s17] =	ssyncset.done $0x0  }
0x96: {  	[sflag:s17] =	ssyncadd.s32 $0xFFFFC000  }
0x97: {  	_ =	swait.ge [sflag:s22], $0x4000  }
0x98: {  	[sflag:s22] =	ssyncset.done $0x0  }
0x99: {  	[sflag:s22] =	ssyncadd.s32 $0xFFFFC000  }
0x9a: {  	[tilespmem:s16], [sflag:$0x1] =	stream.indirect.gather [hbm4b:s1+s19], $0x80, s23, s19, $0xb8;
	[tilespmem:$0x1D000] =	vst v63  }
0x9b: {  	_ = 	snop  }
0x9c: {  	[spmem:s3] =	stream.indirect.scatter.add.f32 [tilespmem:s21], [sflag:$0x3], $0x80, s24, s19, $0xb8;
	[tilespmem:$0x1D000] =	vst v63  }
0x9d: {  	_ =	swait.ge [sflag:s17], $0x4000  }
0x9e: {  	[sflag:s17] =	ssyncset.done $0x0  }
0x9f: {  	[sflag:s17] =	ssyncadd.s32 $0xFFFFC000  }
0xa0: {  	_ =	swait.ge [sflag:s20], $0x4000  }
0xa1: {  	[sflag:s20] =	ssyncset.done $0x0  }
0xa2: {  	[sflag:s20] =	ssyncadd.s32 $0xFFFFC000  }
0xa3: {  	[tilespmem:s21], [sflag:$0x2] =	stream.indirect.gather [hbm4b:s1+s19], $0x80, s25, s19, $0xb8;
	[tilespmem:$0x1D000] =	vst v63  }
0xa4: {  	_ = 	snop  }
0xa5: {  	[spmem:s3] =	stream.indirect.scatter.add.f32 [tilespmem:s16], [sflag:$0x3], $0x80, s26, s19, $0xb8;
	[tilespmem:$0x1D000] =	vst v63  }
0xa6: {  	_ =	swait.ge [sflag:s17], $0x4000  }
0xa7: {  	[sflag:s17] =	ssyncset.done $0x0  }
0xa8: {  	[sflag:s17] =	ssyncadd.s32 $0xFFFFC000  }
0xa9: {  	_ =	swait.ge [sflag:s22], $0x4000  }
0xaa: {  	[sflag:s22] =	ssyncset.done $0x0  }
0xab: {  	[sflag:s22] =	ssyncadd.s32 $0xFFFFC000  }
0xac: {  	[tilespmem:s16], [sflag:$0x1] =	stream.indirect.gather [hbm4b:s1+s19], $0x80, s28, s19, $0xb8;
	[tilespmem:$0x1D000] =	vst v63  }
0xad: {  	_ = 	snop  }
0xae: {  	[spmem:s3] =	stream.indirect.scatter.add.f32 [tilespmem:s21], [sflag:$0x3], $0x80, s29, s19, $0xb8;
	[tilespmem:$0x1D000] =	vst v63  }
0xaf: {  	_ =	swait.ge [sflag:s17], $0x4000  }
0xb0: {  	[sflag:s17] =	ssyncset.done $0x0  }
0xb1: {  	[sflag:s17] =	ssyncadd.s32 $0xFFFFC000  }
0xb2: {  	_ =	swait.ge [sflag:s20], $0x4000  }
0xb3: {  	[sflag:s20] =	ssyncset.done $0x0  }
0xb4: {  	[sflag:s20] =	ssyncadd.s32 $0xFFFFC000  }
0xb5: {  	[tilespmem:s21], [sflag:$0x2] =	stream.indirect.gather [hbm4b:s1+s19], $0x80, s30, s19, $0xb8;
	[tilespmem:$0x1D000] =	vst v63  }
0xb6: {  	_ = 	snop  }
0xb7: {  	[spmem:s3] =	stream.indirect.scatter.add.f32 [tilespmem:s16], [sflag:$0x3], $0x80, s31, s19, $0xb8;
	[tilespmem:$0x1D000] =	vst v63  }
0xb8: {  	_ =	swait.ge [sflag:s17], $0x4000  }
0xb9: {  	[sflag:s17] =	ssyncset.done $0x0  }
0xba: {  	[sflag:s17] =	ssyncadd.s32 $0xFFFFC000  }
0xbb: {  	_ =	swait.ge [sflag:s22], $0x4000  }
0xbc: {  	[sflag:s22] =	ssyncset.done $0x0  }
0xbd: {  	[sflag:s22] =	ssyncadd.s32 $0xFFFFC000  }
0xbe: {  	[tilespmem:s16], [sflag:$0x1] =	stream.indirect.gather [hbm4b:s1+s19], $0x80, s2, s19, $0xb8;
	[tilespmem:$0x1D000] =	vst v63  }
0xbf: {  	_ = 	snop  }
0xc0: {  	[spmem:s3] =	stream.indirect.scatter.add.f32 [tilespmem:s21], [sflag:$0x3], $0x80, s0, s19, $0xb8;
	[tilespmem:$0x1D000] =	vst v63  }
0xc1: {  	_ =	swait.ge [sflag:s17], $0x4000  }
0xc2: {  	[sflag:s17] =	ssyncset.done $0x0  }
0xc3: {  	[sflag:s17] =	ssyncadd.s32 $0xFFFFC000  }
0xc4: {  	_ =	swait.ge [sflag:s20], $0x4000  }
0xc5: {  	[sflag:s20] =	ssyncset.done $0x0  }
0xc6: {  	[sflag:s20] =	ssyncadd.s32 $0xFFFFC000  }
0xc7: {  	[tilespmem:s21], [sflag:$0x2] =	stream.indirect.gather [hbm4b:s1+s19], $0x80, s10, s19, $0xb8;
	[tilespmem:$0x1D000] =	vst v63  }
0xc8: {  	_ = 	snop  }
0xc9: {  	[spmem:s3] =	stream.indirect.scatter.add.f32 [tilespmem:s16], [sflag:$0x3], $0x80, s11, s19, $0xb8;
	[tilespmem:$0x1D000] =	vst v63  }
0xca: {  	_ =	swait.ge [sflag:s17], $0x4000  }
0xcb: {  	[sflag:s17] =	ssyncset.done $0x0  }
0xcc: {  	[sflag:s17] =	ssyncadd.s32 $0xFFFFC000  }
0xcd: {  	_ =	swait.ge [sflag:s22], $0x4000  }
0xce: {  	[sflag:s22] =	ssyncset.done $0x0  }
0xcf: {  	[sflag:s22] =	ssyncadd.s32 $0xFFFFC000  }
0xd0: {  	[tilespmem:s16], [sflag:$0x1] =	stream.indirect.gather [hbm4b:s1+s19], $0x80, s12, s19, $0xb8;
	[tilespmem:$0x1D000] =	vst v63  }
0xd1: {  	_ = 	snop  }
0xd2: {  	[spmem:s3] =	stream.indirect.scatter.add.f32 [tilespmem:s21], [sflag:$0x3], $0x80, s13, s19, $0xb8;
	[tilespmem:$0x1D000] =	vst v63  }
0xd3: {  	_ =	swait.ge [sflag:s17], $0x4000  }
0xd4: {  	[sflag:s17] =	ssyncset.done $0x0  }
0xd5: {  	[sflag:s17] =	ssyncadd.s32 $0xFFFFC000  }
0xd6: {  	_ =	swait.ge [sflag:s20], $0x4000  }
0xd7: {  	[sflag:s20] =	ssyncset.done $0x0  }
0xd8: {  	[sflag:s20] =	ssyncadd.s32 $0xFFFFC000  }
0xd9: {  	[tilespmem:s21], [sflag:$0x2] =	stream.indirect.gather [hbm4b:s1+s19], $0x80, s14, s19, $0xb8;
	[tilespmem:$0x1D000] =	vst v63  }
0xda: {  	_ = 	snop  }
0xdb: {  	[spmem:s3] =	stream.indirect.scatter.add.f32 [tilespmem:s16], [sflag:$0x3], $0x80, s15, s19, $0xb8;
	[tilespmem:$0x1D000] =	vst v63  }
0xdc: {  	_ =	swait.ge [sflag:s17], $0x4000  }
0xdd: {  	[sflag:s17] =	ssyncset.done $0x0  }
0xde: {  	[sflag:s17] =	ssyncadd.s32 $0xFFFFC000  }
0xdf: {  	_ =	swait.ge [sflag:s22], $0x4000  }
0xe0: {  	[sflag:s22] =	ssyncset.done $0x0  }
0xe1: {  	[sflag:s22] =	ssyncadd.s32 $0xFFFFC000  }
0xe2: {  	[spmem:s3] =	stream.indirect.scatter.add.f32 [tilespmem:s21], [sflag:$0x3], $0x80, s5, s19, $0xb8;
	[tilespmem:$0x1D000] =	vst v63  }
0xe3: {  	s7 =	simm.s32 $0x100;
	_ =	swait.ge [sflag:s17], $0x4000  }
0xe4: {  	s8 =	simm.s32 $0x200;
	s9 =	rddreg [dreg:$0x5];
	[sflag:s17] =	ssyncset.done $0x0  }
.LBB2_4:
0xe5: {  	[sflag:s17] =	ssyncadd.s32 $0xFFFFC000;
	s9 =	sadd.s32 s7, s9  }
0xe6: {  	[tilespmem:s4], [sflag:$0x3] =	stream.linear.gather [hbm4b:s9+s4], $0x800, $0x38;
	[tilespmem:$0x1D000] =	vst v63  }
0xe7: {  	_ =	swait.ge [sflag:s17], $0x800  }
0xe8: {  	s9 =	rddreg [dreg:$0x4];
	[sflag:s17] =	ssyncset.done $0x0  }
0xe9: {  	[sflag:s17] =	ssyncadd.s32 $0xFFFFF800;
	s9 =	sadd.s32 s7, s9  }
0xea: {  	[tilespmem:s18], [sflag:$0x3] =	stream.linear.gather [hbm4b:s9+s4], $0x800, $0x38;
	[tilespmem:$0x1D000] =	vst v63  }
0xeb: {  	_ =	swait.ge [sflag:s17], $0x800  }
0xec: {  	[sflag:s17] =	ssyncset.done $0x0  }
0xed: {  	[sflag:s17] =	ssyncadd.s32 $0xFFFFF800  }
0xee: {  	[tilespmem:s16], [sflag:$0x1] =	stream.indirect.gather [hbm4b:s1+s19], $0x80, s4, s19, $0xb8;
	[tilespmem:$0x1D000] =	vst v63  }
0xef: {  	_ =	swait.ge [sflag:s20], $0x4000  }
0xf0: {  	[sflag:s20] =	ssyncset.done $0x0  }
0xf1: {  	[sflag:s20] =	ssyncadd.s32 $0xFFFFC000  }
0xf2: {  	[tilespmem:s21], [sflag:$0x2] =	stream.indirect.gather [hbm4b:s1+s19], $0x80, s19, s19, $0xb8;
	[tilespmem:$0x1D000] =	vst v63  }
0xf3: {  	_ = 	snop  }
0xf4: {  	[spmem:s3] =	stream.indirect.scatter.add.f32 [tilespmem:s16], [sflag:$0x3], $0x80, s18, s19, $0xb8;
	[tilespmem:$0x1D000] =	vst v63  }
0xf5: {  	_ =	swait.ge [sflag:s17], $0x4000  }
0xf6: {  	[sflag:s17] =	ssyncset.done $0x0  }
0xf7: {  	[sflag:s17] =	ssyncadd.s32 $0xFFFFC000  }
0xf8: {  	_ =	swait.ge [sflag:s22], $0x4000  }
0xf9: {  	s6 =	smov.u32 s8;
	[sflag:s22] =	ssyncset.done $0x0  }
0xfa: {  	s7 =	smov.u32 s6;
	s6 =	rddreg [dreg:$0x6];
	[sflag:s22] =	ssyncadd.s32 $0xFFFFC000  }
0xfb: {  	[tilespmem:s16], [sflag:$0x1] =	stream.indirect.gather [hbm4b:s1+s19], $0x80, s6, s19, $0xb8;
	[tilespmem:$0x1D000] =	vst v63  }
0xfc: {  	s9 =	rddreg [dreg:$0x7]  }
0xfd: {  	[spmem:s3] =	stream.indirect.scatter.add.f32 [tilespmem:s21], [sflag:$0x3], $0x80, s9, s19, $0xb8;
	[tilespmem:$0x1D000] =	vst v63  }
0xfe: {  	_ =	swait.ge [sflag:s17], $0x4000  }
0xff: {  	[sflag:s17] =	ssyncset.done $0x0  }
0x100: {  	[sflag:s17] =	ssyncadd.s32 $0xFFFFC000  }
0x101: {  	_ =	swait.ge [sflag:s20], $0x4000  }
0x102: {  	[sflag:s20] =	ssyncset.done $0x0  }
0x103: {  	s6 =	rddreg [dreg:$0x8];
	[sflag:s20] =	ssyncadd.s32 $0xFFFFC000  }
0x104: {  	[tilespmem:s21], [sflag:$0x2] =	stream.indirect.gather [hbm4b:s1+s19], $0x80, s6, s19, $0xb8;
	[tilespmem:$0x1D000] =	vst v63  }
0x105: {  	s9 =	rddreg [dreg:$0x9]  }
0x106: {  	[spmem:s3] =	stream.indirect.scatter.add.f32 [tilespmem:s16], [sflag:$0x3], $0x80, s9, s19, $0xb8;
	[tilespmem:$0x1D000] =	vst v63  }
0x107: {  	_ =	swait.ge [sflag:s17], $0x4000  }
0x108: {  	[sflag:s17] =	ssyncset.done $0x0  }
0x109: {  	[sflag:s17] =	ssyncadd.s32 $0xFFFFC000  }
0x10a: {  	_ =	swait.ge [sflag:s22], $0x4000  }
0x10b: {  	[sflag:s22] =	ssyncset.done $0x0  }
0x10c: {  	s6 =	rddreg [dreg:$0xa];
	[sflag:s22] =	ssyncadd.s32 $0xFFFFC000  }
0x10d: {  	[tilespmem:s16], [sflag:$0x1] =	stream.indirect.gather [hbm4b:s1+s19], $0x80, s6, s19, $0xb8;
	[tilespmem:$0x1D000] =	vst v63  }
0x10e: {  	s9 =	rddreg [dreg:$0xb]  }
0x10f: {  	[spmem:s3] =	stream.indirect.scatter.add.f32 [tilespmem:s21], [sflag:$0x3], $0x80, s9, s19, $0xb8;
	[tilespmem:$0x1D000] =	vst v63  }
0x110: {  	_ =	swait.ge [sflag:s17], $0x4000  }
0x111: {  	[sflag:s17] =	ssyncset.done $0x0  }
0x112: {  	[sflag:s17] =	ssyncadd.s32 $0xFFFFC000  }
0x113: {  	_ =	swait.ge [sflag:s20], $0x4000  }
0x114: {  	[sflag:s20] =	ssyncset.done $0x0  }
0x115: {  	s6 =	rddreg [dreg:$0xc];
	[sflag:s20] =	ssyncadd.s32 $0xFFFFC000  }
0x116: {  	[tilespmem:s21], [sflag:$0x2] =	stream.indirect.gather [hbm4b:s1+s19], $0x80, s6, s19, $0xb8;
	[tilespmem:$0x1D000] =	vst v63  }
0x117: {  	s9 =	rddreg [dreg:$0xd]  }
0x118: {  	[spmem:s3] =	stream.indirect.scatter.add.f32 [tilespmem:s16], [sflag:$0x3], $0x80, s9, s19, $0xb8;
	[tilespmem:$0x1D000] =	vst v63  }
0x119: {  	_ =	swait.ge [sflag:s17], $0x4000  }
0x11a: {  	[sflag:s17] =	ssyncset.done $0x0  }
0x11b: {  	[sflag:s17] =	ssyncadd.s32 $0xFFFFC000  }
0x11c: {  	_ =	swait.ge [sflag:s22], $0x4000  }
0x11d: {  	[sflag:s22] =	ssyncset.done $0x0  }
0x11e: {  	s6 =	rddreg [dreg:$0xe];
	[sflag:s22] =	ssyncadd.s32 $0xFFFFC000  }
0x11f: {  	[tilespmem:s16], [sflag:$0x1] =	stream.indirect.gather [hbm4b:s1+s19], $0x80, s6, s19, $0xb8;
	[tilespmem:$0x1D000] =	vst v63  }
0x120: {  	s9 =	rddreg [dreg:$0xf]  }
0x121: {  	[spmem:s3] =	stream.indirect.scatter.add.f32 [tilespmem:s21], [sflag:$0x3], $0x80, s9, s19, $0xb8;
	[tilespmem:$0x1D000] =	vst v63  }
0x122: {  	_ =	swait.ge [sflag:s17], $0x4000  }
0x123: {  	[sflag:s17] =	ssyncset.done $0x0  }
0x124: {  	[sflag:s17] =	ssyncadd.s32 $0xFFFFC000  }
0x125: {  	_ =	swait.ge [sflag:s20], $0x4000  }
0x126: {  	[sflag:s20] =	ssyncset.done $0x0  }
0x127: {  	s6 =	rddreg [dreg:$0x10];
	[sflag:s20] =	ssyncadd.s32 $0xFFFFC000  }
0x128: {  	[tilespmem:s21], [sflag:$0x2] =	stream.indirect.gather [hbm4b:s1+s19], $0x80, s6, s19, $0xb8;
	[tilespmem:$0x1D000] =	vst v63  }
0x129: {  	s9 =	rddreg [dreg:$0x11]  }
0x12a: {  	[spmem:s3] =	stream.indirect.scatter.add.f32 [tilespmem:s16], [sflag:$0x3], $0x80, s9, s19, $0xb8;
	[tilespmem:$0x1D000] =	vst v63  }
0x12b: {  	_ =	swait.ge [sflag:s17], $0x4000  }
0x12c: {  	[sflag:s17] =	ssyncset.done $0x0  }
0x12d: {  	[sflag:s17] =	ssyncadd.s32 $0xFFFFC000  }
0x12e: {  	_ =	swait.ge [sflag:s22], $0x4000  }
0x12f: {  	[sflag:s22] =	ssyncset.done $0x0  }
0x130: {  	[sflag:s22] =	ssyncadd.s32 $0xFFFFC000  }
0x131: {  	[tilespmem:s16], [sflag:$0x1] =	stream.indirect.gather [hbm4b:s1+s19], $0x80, s23, s19, $0xb8;
	[tilespmem:$0x1D000] =	vst v63  }
0x132: {  	_ = 	snop  }
0x133: {  	[spmem:s3] =	stream.indirect.scatter.add.f32 [tilespmem:s21], [sflag:$0x3], $0x80, s24, s19, $0xb8;
	[tilespmem:$0x1D000] =	vst v63  }
0x134: {  	_ =	swait.ge [sflag:s17], $0x4000  }
0x135: {  	[sflag:s17] =	ssyncset.done $0x0  }
0x136: {  	[sflag:s17] =	ssyncadd.s32 $0xFFFFC000  }
0x137: {  	_ =	swait.ge [sflag:s20], $0x4000  }
0x138: {  	[sflag:s20] =	ssyncset.done $0x0  }
0x139: {  	[sflag:s20] =	ssyncadd.s32 $0xFFFFC000  }
0x13a: {  	[tilespmem:s21], [sflag:$0x2] =	stream.indirect.gather [hbm4b:s1+s19], $0x80, s25, s19, $0xb8;
	[tilespmem:$0x1D000] =	vst v63  }
0x13b: {  	_ = 	snop  }
0x13c: {  	[spmem:s3] =	stream.indirect.scatter.add.f32 [tilespmem:s16], [sflag:$0x3], $0x80, s26, s19, $0xb8;
	[tilespmem:$0x1D000] =	vst v63  }
0x13d: {  	_ =	swait.ge [sflag:s17], $0x4000  }
0x13e: {  	[sflag:s17] =	ssyncset.done $0x0  }
0x13f: {  	[sflag:s17] =	ssyncadd.s32 $0xFFFFC000  }
0x140: {  	_ =	swait.ge [sflag:s22], $0x4000  }
0x141: {  	[sflag:s22] =	ssyncset.done $0x0  }
0x142: {  	[sflag:s22] =	ssyncadd.s32 $0xFFFFC000  }
0x143: {  	[tilespmem:s16], [sflag:$0x1] =	stream.indirect.gather [hbm4b:s1+s19], $0x80, s28, s19, $0xb8;
	[tilespmem:$0x1D000] =	vst v63  }
0x144: {  	_ = 	snop  }
0x145: {  	[spmem:s3] =	stream.indirect.scatter.add.f32 [tilespmem:s21], [sflag:$0x3], $0x80, s29, s19, $0xb8;
	[tilespmem:$0x1D000] =	vst v63  }
0x146: {  	_ =	swait.ge [sflag:s17], $0x4000  }
0x147: {  	[sflag:s17] =	ssyncset.done $0x0  }
0x148: {  	[sflag:s17] =	ssyncadd.s32 $0xFFFFC000  }
0x149: {  	_ =	swait.ge [sflag:s20], $0x4000  }
0x14a: {  	[sflag:s20] =	ssyncset.done $0x0  }
0x14b: {  	[sflag:s20] =	ssyncadd.s32 $0xFFFFC000  }
0x14c: {  	[tilespmem:s21], [sflag:$0x2] =	stream.indirect.gather [hbm4b:s1+s19], $0x80, s30, s19, $0xb8;
	[tilespmem:$0x1D000] =	vst v63  }
0x14d: {  	_ = 	snop  }
0x14e: {  	[spmem:s3] =	stream.indirect.scatter.add.f32 [tilespmem:s16], [sflag:$0x3], $0x80, s31, s19, $0xb8;
	[tilespmem:$0x1D000] =	vst v63  }
0x14f: {  	_ =	swait.ge [sflag:s17], $0x4000  }
0x150: {  	[sflag:s17] =	ssyncset.done $0x0  }
0x151: {  	[sflag:s17] =	ssyncadd.s32 $0xFFFFC000  }
0x152: {  	_ =	swait.ge [sflag:s22], $0x4000  }
0x153: {  	[sflag:s22] =	ssyncset.done $0x0  }
0x154: {  	[sflag:s22] =	ssyncadd.s32 $0xFFFFC000  }
0x155: {  	[tilespmem:s16], [sflag:$0x1] =	stream.indirect.gather [hbm4b:s1+s19], $0x80, s2, s19, $0xb8;
	[tilespmem:$0x1D000] =	vst v63  }
0x156: {  	_ = 	snop  }
0x157: {  	[spmem:s3] =	stream.indirect.scatter.add.f32 [tilespmem:s21], [sflag:$0x3], $0x80, s0, s19, $0xb8;
	[tilespmem:$0x1D000] =	vst v63  }
0x158: {  	_ =	swait.ge [sflag:s17], $0x4000  }
0x159: {  	[sflag:s17] =	ssyncset.done $0x0  }
0x15a: {  	[sflag:s17] =	ssyncadd.s32 $0xFFFFC000  }
0x15b: {  	_ =	swait.ge [sflag:s20], $0x4000  }
0x15c: {  	[sflag:s20] =	ssyncset.done $0x0  }
0x15d: {  	[sflag:s20] =	ssyncadd.s32 $0xFFFFC000  }
0x15e: {  	[tilespmem:s21], [sflag:$0x2] =	stream.indirect.gather [hbm4b:s1+s19], $0x80, s10, s19, $0xb8;
	[tilespmem:$0x1D000] =	vst v63  }
0x15f: {  	_ = 	snop  }
0x160: {  	[spmem:s3] =	stream.indirect.scatter.add.f32 [tilespmem:s16], [sflag:$0x3], $0x80, s11, s19, $0xb8;
	[tilespmem:$0x1D000] =	vst v63  }
0x161: {  	_ =	swait.ge [sflag:s17], $0x4000  }
0x162: {  	[sflag:s17] =	ssyncset.done $0x0  }
0x163: {  	[sflag:s17] =	ssyncadd.s32 $0xFFFFC000  }
0x164: {  	_ =	swait.ge [sflag:s22], $0x4000  }
0x165: {  	[sflag:s22] =	ssyncset.done $0x0  }
0x166: {  	[sflag:s22] =	ssyncadd.s32 $0xFFFFC000  }
0x167: {  	[tilespmem:s16], [sflag:$0x1] =	stream.indirect.gather [hbm4b:s1+s19], $0x80, s12, s19, $0xb8;
	[tilespmem:$0x1D000] =	vst v63  }
0x168: {  	_ = 	snop  }
0x169: {  	[spmem:s3] =	stream.indirect.scatter.add.f32 [tilespmem:s21], [sflag:$0x3], $0x80, s13, s19, $0xb8;
	[tilespmem:$0x1D000] =	vst v63  }
0x16a: {  	_ =	swait.ge [sflag:s17], $0x4000  }
0x16b: {  	[sflag:s17] =	ssyncset.done $0x0  }
0x16c: {  	[sflag:s17] =	ssyncadd.s32 $0xFFFFC000  }
0x16d: {  	_ =	swait.ge [sflag:s20], $0x4000  }
0x16e: {  	[sflag:s20] =	ssyncset.done $0x0  }
0x16f: {  	[sflag:s20] =	ssyncadd.s32 $0xFFFFC000  }
0x170: {  	[tilespmem:s21], [sflag:$0x2] =	stream.indirect.gather [hbm4b:s1+s19], $0x80, s14, s19, $0xb8;
	[tilespmem:$0x1D000] =	vst v63  }
0x171: {  	_ = 	snop  }
0x172: {  	[spmem:s3] =	stream.indirect.scatter.add.f32 [tilespmem:s16], [sflag:$0x3], $0x80, s15, s19, $0xb8;
	[tilespmem:$0x1D000] =	vst v63  }
0x173: {  	_ =	swait.ge [sflag:s17], $0x4000  }
0x174: {  	[sflag:s17] =	ssyncset.done $0x0  }
0x175: {  	[sflag:s17] =	ssyncadd.s32 $0xFFFFC000  }
0x176: {  	p0 =	sne.s32 s8, $0x400;
	_ =	swait.ge [sflag:s22], $0x4000  }
.Ltmp1:
0x177: {  	[sflag:s22] =	ssyncset.done $0x0;
	(pc) =	sbr.rel @p0 .LBB2_4-.Ltmp1, $4  }
0x178: {  	[sflag:s22] =	ssyncadd.s32 $0xFFFFC000  }
0x179: {  	[spmem:s3] =	stream.indirect.scatter.add.f32 [tilespmem:s21], [sflag:$0x3], $0x80, s5, s19, $0xb8;
	[tilespmem:$0x1D000] =	vst v63  }
0x17a: {  	_ =	swait.ge [sflag:s17], $0x4000  }
0x17b: {  	s8 =	sadd.s32 $0x100, s8;
	s9 =	rddreg [dreg:$0x5];
	[sflag:s17] =	ssyncset.done $0x0  }
0x17c: {  	[sflag:s17] =	ssyncadd.s32 $0xFFFFC000;
	s6 =	sadd.s32 s7, s9  }
0x17d: {  	[tilespmem:s4], [sflag:$0x3] =	stream.linear.gather [hbm4b:s6+s4], $0x800, $0x38;
	[tilespmem:$0x1D000] =	vst v63  }
0x17e: {  	_ =	swait.ge [sflag:s17], $0x800  }
0x17f: {  	s9 =	rddreg [dreg:$0x4];
	[sflag:s17] =	ssyncset.done $0x0  }
0x180: {  	[sflag:s17] =	ssyncadd.s32 $0xFFFFF800;
	s6 =	sadd.s32 s7, s9  }
0x181: {  	[tilespmem:s18], [sflag:$0x3] =	stream.linear.gather [hbm4b:s6+s4], $0x800, $0x38;
	[tilespmem:$0x1D000] =	vst v63  }
0x182: {  	_ =	swait.ge [sflag:s17], $0x800  }
0x183: {  	[sflag:s17] =	ssyncset.done $0x0  }
0x184: {  	[sflag:s17] =	ssyncadd.s32 $0xFFFFF800  }
0x185: {  	[tilespmem:s16], [sflag:$0x1] =	stream.indirect.gather [hbm4b:s1+s19], $0x80, s4, s19, $0xb8;
	[tilespmem:$0x1D000] =	vst v63  }
0x186: {  	_ =	swait.ge [sflag:s20], $0x4000  }
0x187: {  	[sflag:s20] =	ssyncset.done $0x0  }
0x188: {  	[sflag:s20] =	ssyncadd.s32 $0xFFFFC000  }
0x189: {  	[tilespmem:s21], [sflag:$0x2] =	stream.indirect.gather [hbm4b:s1+s19], $0x80, s19, s19, $0xb8;
	[tilespmem:$0x1D000] =	vst v63  }
0x18a: {  	_ = 	snop  }
0x18b: {  	[spmem:s3] =	stream.indirect.scatter.add.f32 [tilespmem:s16], [sflag:$0x3], $0x80, s18, s19, $0xb8;
	[tilespmem:$0x1D000] =	vst v63  }
0x18c: {  	_ =	swait.ge [sflag:s17], $0x4000  }
0x18d: {  	[sflag:s17] =	ssyncset.done $0x0  }
0x18e: {  	[sflag:s17] =	ssyncadd.s32 $0xFFFFC000  }
0x18f: {  	_ =	swait.ge [sflag:s22], $0x4000  }
0x190: {  	[sflag:s22] =	ssyncset.done $0x0  }
0x191: {  	s8 =	rddreg [dreg:$0x6];
	[sflag:s22] =	ssyncadd.s32 $0xFFFFC000  }
0x192: {  	[tilespmem:s16], [sflag:$0x1] =	stream.indirect.gather [hbm4b:s1+s19], $0x80, s8, s19, $0xb8;
	[tilespmem:$0x1D000] =	vst v63  }
0x193: {  	s9 =	rddreg [dreg:$0x7]  }
0x194: {  	[spmem:s3] =	stream.indirect.scatter.add.f32 [tilespmem:s21], [sflag:$0x3], $0x80, s9, s19, $0xb8;
	[tilespmem:$0x1D000] =	vst v63  }
0x195: {  	_ =	swait.ge [sflag:s17], $0x4000  }
0x196: {  	[sflag:s17] =	ssyncset.done $0x0  }
0x197: {  	[sflag:s17] =	ssyncadd.s32 $0xFFFFC000  }
0x198: {  	_ =	swait.ge [sflag:s20], $0x4000  }
0x199: {  	[sflag:s20] =	ssyncset.done $0x0  }
0x19a: {  	s8 =	rddreg [dreg:$0x8];
	[sflag:s20] =	ssyncadd.s32 $0xFFFFC000  }
0x19b: {  	[tilespmem:s21], [sflag:$0x2] =	stream.indirect.gather [hbm4b:s1+s19], $0x80, s8, s19, $0xb8;
	[tilespmem:$0x1D000] =	vst v63  }
0x19c: {  	s9 =	rddreg [dreg:$0x9]  }
0x19d: {  	[spmem:s3] =	stream.indirect.scatter.add.f32 [tilespmem:s16], [sflag:$0x3], $0x80, s9, s19, $0xb8;
	[tilespmem:$0x1D000] =	vst v63  }
0x19e: {  	_ =	swait.ge [sflag:s17], $0x4000  }
0x19f: {  	[sflag:s17] =	ssyncset.done $0x0  }
0x1a0: {  	[sflag:s17] =	ssyncadd.s32 $0xFFFFC000  }
0x1a1: {  	_ =	swait.ge [sflag:s22], $0x4000  }
0x1a2: {  	[sflag:s22] =	ssyncset.done $0x0  }
0x1a3: {  	s8 =	rddreg [dreg:$0xa];
	[sflag:s22] =	ssyncadd.s32 $0xFFFFC000  }
0x1a4: {  	[tilespmem:s16], [sflag:$0x1] =	stream.indirect.gather [hbm4b:s1+s19], $0x80, s8, s19, $0xb8;
	[tilespmem:$0x1D000] =	vst v63  }
0x1a5: {  	s9 =	rddreg [dreg:$0xb]  }
0x1a6: {  	[spmem:s3] =	stream.indirect.scatter.add.f32 [tilespmem:s21], [sflag:$0x3], $0x80, s9, s19, $0xb8;
	[tilespmem:$0x1D000] =	vst v63  }
0x1a7: {  	_ =	swait.ge [sflag:s17], $0x4000  }
0x1a8: {  	[sflag:s17] =	ssyncset.done $0x0  }
0x1a9: {  	[sflag:s17] =	ssyncadd.s32 $0xFFFFC000  }
0x1aa: {  	_ =	swait.ge [sflag:s20], $0x4000  }
0x1ab: {  	[sflag:s20] =	ssyncset.done $0x0  }
0x1ac: {  	s8 =	rddreg [dreg:$0xc];
	[sflag:s20] =	ssyncadd.s32 $0xFFFFC000  }
0x1ad: {  	[tilespmem:s21], [sflag:$0x2] =	stream.indirect.gather [hbm4b:s1+s19], $0x80, s8, s19, $0xb8;
	[tilespmem:$0x1D000] =	vst v63  }
0x1ae: {  	s9 =	rddreg [dreg:$0xd]  }
0x1af: {  	[spmem:s3] =	stream.indirect.scatter.add.f32 [tilespmem:s16], [sflag:$0x3], $0x80, s9, s19, $0xb8;
	[tilespmem:$0x1D000] =	vst v63  }
0x1b0: {  	_ =	swait.ge [sflag:s17], $0x4000  }
0x1b1: {  	[sflag:s17] =	ssyncset.done $0x0  }
0x1b2: {  	[sflag:s17] =	ssyncadd.s32 $0xFFFFC000  }
0x1b3: {  	_ =	swait.ge [sflag:s22], $0x4000  }
0x1b4: {  	[sflag:s22] =	ssyncset.done $0x0  }
0x1b5: {  	s8 =	rddreg [dreg:$0xe];
	[sflag:s22] =	ssyncadd.s32 $0xFFFFC000  }
0x1b6: {  	[tilespmem:s16], [sflag:$0x1] =	stream.indirect.gather [hbm4b:s1+s19], $0x80, s8, s19, $0xb8;
	[tilespmem:$0x1D000] =	vst v63  }
0x1b7: {  	s9 =	rddreg [dreg:$0xf]  }
0x1b8: {  	[spmem:s3] =	stream.indirect.scatter.add.f32 [tilespmem:s21], [sflag:$0x3], $0x80, s9, s19, $0xb8;
	[tilespmem:$0x1D000] =	vst v63  }
0x1b9: {  	_ =	swait.ge [sflag:s17], $0x4000  }
0x1ba: {  	[sflag:s17] =	ssyncset.done $0x0  }
0x1bb: {  	[sflag:s17] =	ssyncadd.s32 $0xFFFFC000  }
0x1bc: {  	_ =	swait.ge [sflag:s20], $0x4000  }
0x1bd: {  	[sflag:s20] =	ssyncset.done $0x0  }
0x1be: {  	s8 =	rddreg [dreg:$0x10];
	[sflag:s20] =	ssyncadd.s32 $0xFFFFC000  }
0x1bf: {  	[tilespmem:s21], [sflag:$0x2] =	stream.indirect.gather [hbm4b:s1+s19], $0x80, s8, s19, $0xb8;
	[tilespmem:$0x1D000] =	vst v63  }
0x1c0: {  	s9 =	rddreg [dreg:$0x11]  }
0x1c1: {  	[spmem:s3] =	stream.indirect.scatter.add.f32 [tilespmem:s16], [sflag:$0x3], $0x80, s9, s19, $0xb8;
	[tilespmem:$0x1D000] =	vst v63  }
0x1c2: {  	_ =	swait.ge [sflag:s17], $0x4000  }
0x1c3: {  	[sflag:s17] =	ssyncset.done $0x0  }
0x1c4: {  	[sflag:s17] =	ssyncadd.s32 $0xFFFFC000  }
0x1c5: {  	_ =	swait.ge [sflag:s22], $0x4000  }
0x1c6: {  	[sflag:s22] =	ssyncset.done $0x0  }
0x1c7: {  	[sflag:s22] =	ssyncadd.s32 $0xFFFFC000  }
0x1c8: {  	[tilespmem:s16], [sflag:$0x1] =	stream.indirect.gather [hbm4b:s1+s19], $0x80, s23, s19, $0xb8;
	[tilespmem:$0x1D000] =	vst v63  }
0x1c9: {  	_ = 	snop  }
0x1ca: {  	[spmem:s3] =	stream.indirect.scatter.add.f32 [tilespmem:s21], [sflag:$0x3], $0x80, s24, s19, $0xb8;
	[tilespmem:$0x1D000] =	vst v63  }
0x1cb: {  	_ =	swait.ge [sflag:s17], $0x4000  }
0x1cc: {  	[sflag:s17] =	ssyncset.done $0x0  }
0x1cd: {  	[sflag:s17] =	ssyncadd.s32 $0xFFFFC000  }
0x1ce: {  	_ =	swait.ge [sflag:s20], $0x4000  }
0x1cf: {  	[sflag:s20] =	ssyncset.done $0x0  }
0x1d0: {  	[sflag:s20] =	ssyncadd.s32 $0xFFFFC000  }
0x1d1: {  	[tilespmem:s21], [sflag:$0x2] =	stream.indirect.gather [hbm4b:s1+s19], $0x80, s25, s19, $0xb8;
	[tilespmem:$0x1D000] =	vst v63  }
0x1d2: {  	_ = 	snop  }
0x1d3: {  	[spmem:s3] =	stream.indirect.scatter.add.f32 [tilespmem:s16], [sflag:$0x3], $0x80, s26, s19, $0xb8;
	[tilespmem:$0x1D000] =	vst v63  }
0x1d4: {  	_ =	swait.ge [sflag:s17], $0x4000  }
0x1d5: {  	[sflag:s17] =	ssyncset.done $0x0  }
0x1d6: {  	[sflag:s17] =	ssyncadd.s32 $0xFFFFC000  }
0x1d7: {  	_ =	swait.ge [sflag:s22], $0x4000  }
0x1d8: {  	[sflag:s22] =	ssyncset.done $0x0  }
0x1d9: {  	[sflag:s22] =	ssyncadd.s32 $0xFFFFC000  }
0x1da: {  	[tilespmem:s16], [sflag:$0x1] =	stream.indirect.gather [hbm4b:s1+s19], $0x80, s28, s19, $0xb8;
	[tilespmem:$0x1D000] =	vst v63  }
0x1db: {  	_ = 	snop  }
0x1dc: {  	[spmem:s3] =	stream.indirect.scatter.add.f32 [tilespmem:s21], [sflag:$0x3], $0x80, s29, s19, $0xb8;
	[tilespmem:$0x1D000] =	vst v63  }
0x1dd: {  	_ =	swait.ge [sflag:s17], $0x4000  }
0x1de: {  	[sflag:s17] =	ssyncset.done $0x0  }
0x1df: {  	[sflag:s17] =	ssyncadd.s32 $0xFFFFC000  }
0x1e0: {  	_ =	swait.ge [sflag:s20], $0x4000  }
0x1e1: {  	[sflag:s20] =	ssyncset.done $0x0  }
0x1e2: {  	[sflag:s20] =	ssyncadd.s32 $0xFFFFC000  }
0x1e3: {  	[tilespmem:s21], [sflag:$0x2] =	stream.indirect.gather [hbm4b:s1+s19], $0x80, s30, s19, $0xb8;
	[tilespmem:$0x1D000] =	vst v63  }
0x1e4: {  	_ = 	snop  }
0x1e5: {  	[spmem:s3] =	stream.indirect.scatter.add.f32 [tilespmem:s16], [sflag:$0x3], $0x80, s31, s19, $0xb8;
	[tilespmem:$0x1D000] =	vst v63  }
0x1e6: {  	_ =	swait.ge [sflag:s17], $0x4000  }
0x1e7: {  	[sflag:s17] =	ssyncset.done $0x0  }
0x1e8: {  	[sflag:s17] =	ssyncadd.s32 $0xFFFFC000  }
0x1e9: {  	_ =	swait.ge [sflag:s22], $0x4000  }
0x1ea: {  	[sflag:s22] =	ssyncset.done $0x0  }
0x1eb: {  	[sflag:s22] =	ssyncadd.s32 $0xFFFFC000  }
0x1ec: {  	[tilespmem:s16], [sflag:$0x1] =	stream.indirect.gather [hbm4b:s1+s19], $0x80, s2, s19, $0xb8;
	[tilespmem:$0x1D000] =	vst v63  }
0x1ed: {  	_ = 	snop  }
0x1ee: {  	[spmem:s3] =	stream.indirect.scatter.add.f32 [tilespmem:s21], [sflag:$0x3], $0x80, s0, s19, $0xb8;
	[tilespmem:$0x1D000] =	vst v63  }
0x1ef: {  	_ =	swait.ge [sflag:s17], $0x4000  }
0x1f0: {  	[sflag:s17] =	ssyncset.done $0x0  }
0x1f1: {  	[sflag:s17] =	ssyncadd.s32 $0xFFFFC000  }
0x1f2: {  	_ =	swait.ge [sflag:s20], $0x4000  }
0x1f3: {  	[sflag:s20] =	ssyncset.done $0x0  }
0x1f4: {  	[sflag:s20] =	ssyncadd.s32 $0xFFFFC000  }
0x1f5: {  	[tilespmem:s21], [sflag:$0x2] =	stream.indirect.gather [hbm4b:s1+s19], $0x80, s10, s19, $0xb8;
	[tilespmem:$0x1D000] =	vst v63  }
0x1f6: {  	_ = 	snop  }
0x1f7: {  	[spmem:s3] =	stream.indirect.scatter.add.f32 [tilespmem:s16], [sflag:$0x3], $0x80, s11, s19, $0xb8;
	[tilespmem:$0x1D000] =	vst v63  }
0x1f8: {  	_ =	swait.ge [sflag:s17], $0x4000  }
0x1f9: {  	[sflag:s17] =	ssyncset.done $0x0  }
0x1fa: {  	[sflag:s17] =	ssyncadd.s32 $0xFFFFC000  }
0x1fb: {  	_ =	swait.ge [sflag:s22], $0x4000  }
0x1fc: {  	[sflag:s22] =	ssyncset.done $0x0  }
0x1fd: {  	[sflag:s22] =	ssyncadd.s32 $0xFFFFC000  }
0x1fe: {  	[tilespmem:s16], [sflag:$0x1] =	stream.indirect.gather [hbm4b:s1+s19], $0x80, s12, s19, $0xb8;
	[tilespmem:$0x1D000] =	vst v63  }
0x1ff: {  	_ = 	snop  }
0x200: {  	[spmem:s3] =	stream.indirect.scatter.add.f32 [tilespmem:s21], [sflag:$0x3], $0x80, s13, s19, $0xb8;
	[tilespmem:$0x1D000] =	vst v63  }
0x201: {  	_ =	swait.ge [sflag:s17], $0x4000  }
0x202: {  	[sflag:s17] =	ssyncset.done $0x0  }
0x203: {  	[sflag:s17] =	ssyncadd.s32 $0xFFFFC000  }
0x204: {  	_ =	swait.ge [sflag:s20], $0x4000  }
0x205: {  	[sflag:s20] =	ssyncset.done $0x0  }
0x206: {  	[sflag:s20] =	ssyncadd.s32 $0xFFFFC000  }
0x207: {  	[tilespmem:s21], [sflag:$0x2] =	stream.indirect.gather [hbm4b:s1+s19], $0x80, s14, s19, $0xb8;
	[tilespmem:$0x1D000] =	vst v63  }
0x208: {  	_ = 	snop  }
0x209: {  	[spmem:s3] =	stream.indirect.scatter.add.f32 [tilespmem:s16], [sflag:$0x3], $0x80, s15, s19, $0xb8;
	[tilespmem:$0x1D000] =	vst v63  }
0x20a: {  	_ =	swait.ge [sflag:s17], $0x4000  }
0x20b: {  	[sflag:s17] =	ssyncset.done $0x0  }
0x20c: {  	[sflag:s17] =	ssyncadd.s32 $0xFFFFC000  }
0x20d: {  	_ =	swait.ge [sflag:s22], $0x4000  }
0x20e: {  	[sflag:s22] =	ssyncset.done $0x0  }
0x20f: {  	[sflag:s22] =	ssyncadd.s32 $0xFFFFC000  }
0x210: {  	[spmem:s3] =	stream.indirect.scatter.add.f32 [tilespmem:s21], [sflag:$0x3], $0x80, s5, s19, $0xb8;
	[tilespmem:$0x1D000] =	vst v63  }
0x211: {  	_ =	swait.ge [sflag:s17], $0x4000  }
0x212: {  	[sflag:s17] =	ssyncset.done $0x0  }
0x213: {  	[sflag:s17] =	ssyncadd.s32 $0xFFFFC000  }
0x214: {  	s8 =	stileid.u32;
	[bflag:$0x0] =	sbarrier.arrive $0xFFFF  }
0x215: {  	s6 =	sshll.u32 s8, $0x6;
	s9 =	rddreg [dreg:$0x12]  }
0x216: {  	s6 =	sor.u32 $0x1C03, s6;
	s8 =	rddreg [dreg:$0x17];
	s7 =	sshrl.u32 s9, $0x3  }
0x217: {  	[hbm:s8], [sflag:s6] =	dma.local [spmem:s7], $0x800  }
0x218: {  	_ =	swait.ge [sflag:s17], $0x800  }
0x219: {  	[sflag:s17] =	ssyncset.done $0x0;
	s8 =	rddreg [dreg:$0x13]  }
0x21a: {  	s9 =	rddreg [dreg:$0x18];
	[sflag:s17] =	ssyncadd.s32 $0xFFFFF800;
	s7 =	sshrl.u32 s8, $0x3  }
0x21b: {  	[hbm:s9], [sflag:s6] =	dma.local [spmem:s7], $0x800  }
0x21c: {  	_ =	swait.ge [sflag:s17], $0x800  }
0x21d: {  	[sflag:s17] =	ssyncset.done $0x0;
	s8 =	rddreg [dreg:$0x14]  }
0x21e: {  	s9 =	rddreg [dreg:$0x19];
	[sflag:s17] =	ssyncadd.s32 $0xFFFFF800;
	s7 =	sshrl.u32 s8, $0x3  }
0x21f: {  	[hbm:s9], [sflag:s6] =	dma.local [spmem:s7], $0x800  }
0x220: {  	_ =	swait.ge [sflag:s17], $0x800  }
0x221: {  	[sflag:s17] =	ssyncset.done $0x0;
	s8 =	rddreg [dreg:$0x15]  }
0x222: {  	s9 =	rddreg [dreg:$0x1a];
	[sflag:s17] =	ssyncadd.s32 $0xFFFFF800;
	s7 =	sshrl.u32 s8, $0x3  }
0x223: {  	[hbm:s9], [sflag:s6] =	dma.local [spmem:s7], $0x800  }
0x224: {  	_ =	swait.ge [sflag:s17], $0x800  }
0x225: {  	[sflag:s17] =	ssyncset.done $0x0;
	s8 =	rddreg [dreg:$0x16]  }
0x226: {  	s9 =	rddreg [dreg:$0x1b];
	[sflag:s17] =	ssyncadd.s32 $0xFFFFF800;
	s7 =	sshrl.u32 s8, $0x3  }
0x227: {  	[hbm:s9], [sflag:s6] =	dma.local [spmem:s7], $0x800  }
0x228: {  	_ =	swait.ge [sflag:s17], $0x800  }
0x229: {  	s8 =	rddreg [dreg:$0x1d]  }
0x22a: {  	s9 =	rddreg [dreg:$0x1c];
	s7 =	sadd.s32 $0x1, s8  }
0x22b: {  	p0 =	sne.s32 s7, s9  }
.Ltmp2:
0x22c: {  	_ = 	snop;
	(pc) =	sbr.rel @p0 .LBB2_1-.Ltmp2, $3  }
0x22d: {  	_ =	sdelay $0x1  }
0x22e: {  	[sflag:s17] =	ssyncset.done $0x0  }
0x22f: {  	[sflag:s17] =	ssyncadd.s32 $0xFFFFF800  }
0x230: {  	_ =	sfence.sel $0x180000  }
0x231: {  	[bflag:$0x0] =	sbarrier.arrive $0xFFFF  }
0x232: {  	_ =	strace $0x9000004D  }
0x233: {  	s0 =	stileid.u32;
	[bflag:$0x2] =	sbarrier.arrive $0xFFFF  }
0x234: {  	p0 =	sne.s32 s0, $0x0;
	s0 =	rddreg [dreg:$0x3]  }
0x235: {  	s0 =	sadd.s32 @!p0 $0x100000, s0  }
0x236: {  	[sflag:s0] =	ssyncadd.tile.s32 @!p0 $0x1;
	_ =	shalt  }
.Lfunc_end2:
_tile_overlayer_lowered:
.L_overlay_start_2:
0x237: {  	(tag) =	ssettag $0x2  }
0x238: {  	s0 =	rddreg [dreg:$0x0];
	s2 =	stileid.u32  }
0x239: {  	s1 =	rddreg [dreg:$0x1];
	p0 =	sne.s32 s2, $0x0  }
0x23a: {  	s3 =	rddreg [dreg:$0x2];
	[bflag:$0x3] =	sbarrier.arrive $0xFFFF;
	s2 =	simm.s32 @!p0 $0x1C03  }
0x23b: {  	[timem:s3], [sflag:s2] =	dma.local @!p0 [hbm:s0], s1  }
0x23c: {  	s0 =	simm.s32 @!p0 $0x3  }
0x23d: {  	_ =	swait.ge @!p0 [sflag:s0], s1  }
0x23e: {  	s1 =	ssub.s32 @!p0 $0x0, s1;
	[sflag:s0] =	ssyncset.done @!p0 $0x0  }
0x23f: {  	[sflag:s0] =	ssyncadd.s32 @!p0 s1  }
0x240: {  	[bflag:$0x3] =	sbarrier.arrive $0xFFFF  }
0x241: {  	_ =	shalt  }

// kernel: kernel.9.cloned.1.call-start
scs
__scs_entry_jumppad:
0x0: {  	(pc) =	sbr.rel $0x88, $3  }
0x1: {  	(tag) =	ssettag $0x0;
	lr =	simm.s32 $0x1  }
0x2: {  	[smem:$0x3F9B] =	sst lr;
	_ =	strace $0xD0000000  }
0x3: {  	_ = 	snop  }
0x4: {  	_ = 	snop  }
0x5: {  	_ = 	snop  }
0x6: {  	_ = 	snop  }
0x7: {  	_ = 	snop  }
__scs_overlays_trampoline_lowered:
0x8: {  	[smem:$0x3FAA] =	sst s0  }
0x9: {  	[smem:$0x3FAB] =	sst s1  }
0xa: {  	[smem:$0x3FAC] =	sst s2  }
0xb: {  	[smem:$0x3FAD] =	sst s3  }
0xc: {  	[smem:$0x3FAE] =	sst s4  }
0xd: {  	[smem:$0x3FAF] =	sst s5  }
0xe: {  	[smem:$0x3FB0] =	sst s6  }
0xf: {  	[smem:$0x3FB1] =	sst s7  }
0x10: {  	[smem:$0x3FB2] =	sst s8  }
0x11: {  	[smem:$0x3FB3] =	sst s9;
	s0 =	simm.s32 @!p0 $0x0  }
0x12: {  	s1 =	sld [smem:$0x3F99];
	s0 =	simm.s32 @p0 $0x1  }
0x13: {  	[smem:$0x3FB4] =	sst s0;
	s0 =	simm.s32 @!p1 $0x0  }
0x14: {  	s2 =	sld [smem:$0x3F98];
	s0 =	simm.s32 @p1 $0x1  }
0x15: {  	[smem:$0x3FB5] =	sst s0;
	s0 =	simm.s32 @!p2 $0x0  }
0x16: {  	s3 =	sld [smem:$0x3FDB];
	s0 =	simm.s32 @p2 $0x1  }
0x17: {  	s4 =	simm.s32 $0x1BF5;
	[smem:$0x3FB7] =	sst s0  }
0x18: {  	s0 =	sld [smem:$0x3F9A];
	_ =	swait.ge [sflag:s4], $0x0  }
0x19: {  	s7 =	sld [smem:$0x3F9B]  }
0x1a: {  	s8 =	sadd.s32 $0xFFFFE003, lr  }
0x1b: {  	s9 =	sadd.s32 $0xFFFFFEF7, lr;
	s5 =	simm.s32 $0xFFFFFFFF;
	p2 =	slt.u32 s8, $0xFFFFF086  }
0x1c: {  	p1 =	slt.u32 s9, $0xF7A;
	s5 =	simm.s32 @!p2 $0x0  }
0x1d: {  	s5 =	simm.s32 @p1 $0x1;
	p0 =	seq.s32 s7, s2  }
0x1e: {  	s7 =	smul.u32 @!p0 $0xF7A, s2;
	p2 =	seq.s32 @!p0 s5, $0x0  }
0x1f: {  	s9 =	smul.u32 $0xF7A, s1;
	s8 =	simm.s32 @!p0 $0x1BF5;
	p2 =	por !p2, p0  }
0x20: {  	[sflag:s8] =	ssyncset.s32 @!p0 $0xFFFFF086;
	s6 =	sadd.s32 @!p0 s3, s7;
	s7 =	simm.s32 @!p0 $0x108  }
0x21: {  	s3 =	sadd.s32 s3, s9;
	s6 =	sadd.s32 @!p0 $0x88, s6;
	s7 =	simm.s32 @p2 $0x1082  }
0x22: {  	[simem:s7], [sflag:s8] =	dma.local @!p0 [hbm:s6], $0xF7A  }
0x23: {  	s9 =	sor.u32 $0xD0000000, s2;
	s6 =	simm.s32 $0x108;
	_ =	swait.ge @!p0 [sflag:s8], $0x0  }
0x24: {  	s3 =	sadd.s32 $0x88, s3;
	s6 =	simm.s32 @!p1 $0x1082;
	[sflag:s4] =	ssyncset.s32 $0xFFFFF086  }
0x25: {  	[simem:s6], [sflag:s4] =	dma.local [hbm:s3], $0xF7A  }
0x26: {  	[smem:$0x3F9B] =	sst s1;
	(tag) =	ssettag s2;
	_ =	strace s9  }
0x27: {  	s1 =	sld [smem:$0x3FAB]  }
0x28: {  	s2 =	sld [smem:$0x3FAC]  }
0x29: {  	s4 =	sld [smem:$0x3FAE]  }
0x2a: {  	p0 =	seq.s32 s5, $0x0;
	s5 =	sld [smem:$0x3FAF]  }
0x2b: {  	s6 =	sld [smem:$0x3FB0]  }
0x2c: {  	s7 =	sld [smem:$0x3FB1]  }
0x2d: {  	s3 =	simm.s32 $0x108;
	s8 =	sld [smem:$0x3FB2]  }
0x2e: {  	s3 =	simm.s32 @!p0 $0x1082;
	s9 =	sld [smem:$0x3FB3]  }
0x2f: {  	lr =	sadd.s32 s0, s3;
	s0 =	sld [smem:$0x3FAA]  }
0x30: {  	s3 =	sld [smem:$0x3FAD]  }
0x31: {  	[smem:$0x3FB6] =	sst s10  }
0x32: {  	s10 =	sld [smem:$0x3FB4];
	_ =	sdelay $0x3  }
0x33: {  	p0 =	seq.s32 s10, $0x1;
	s10 =	sld [smem:$0x3FB6];
	_ =	sdelay $0x3  }
0x34: {  	[smem:$0x3FB6] =	sst s10  }
0x35: {  	s10 =	sld [smem:$0x3FB5];
	_ =	sdelay $0x3  }
0x36: {  	p1 =	seq.s32 s10, $0x1;
	s10 =	sld [smem:$0x3FB6];
	_ =	sdelay $0x3  }
0x37: {  	[smem:$0x3FB6] =	sst s10  }
0x38: {  	s10 =	sld [smem:$0x3FB7]  }
0x39: {  	_ = 	snop;
	(pc) =	sbr.ind lr, $3  }
0x3a: {  	_ = 	snop  }
0x3b: {  	_ = 	snop  }
0x3c: {  	p2 =	seq.s32 s10, $0x1;
	s10 =	sld [smem:$0x3FB6]  }
0x3d: {  	_ =	shalt  }
0x3e: {  	_ =	shalt  }
0x3f: {  	_ =	shalt  }
0x40: {  	_ =	shalt  }
0x41: {  	_ =	shalt  }
0x42: {  	_ =	shalt  }
0x43: {  	_ =	shalt  }
0x44: {  	_ =	shalt  }
0x45: {  	_ =	shalt  }
0x46: {  	_ =	shalt  }
0x47: {  	_ =	shalt  }
0x48: {  	_ =	shalt  }
0x49: {  	_ =	shalt  }
0x4a: {  	_ =	shalt  }
0x4b: {  	_ =	shalt  }
0x4c: {  	_ =	shalt  }
0x4d: {  	_ =	shalt  }
0x4e: {  	_ =	shalt  }
0x4f: {  	_ =	shalt  }
0x50: {  	_ =	shalt  }
0x51: {  	_ =	shalt  }
0x52: {  	_ =	shalt  }
0x53: {  	_ =	shalt  }
0x54: {  	_ =	shalt  }
0x55: {  	_ =	shalt  }
0x56: {  	_ =	shalt  }
0x57: {  	_ =	shalt  }
0x58: {  	_ =	shalt  }
0x59: {  	_ =	shalt  }
0x5a: {  	_ =	shalt  }
0x5b: {  	_ =	shalt  }
0x5c: {  	_ =	shalt  }
0x5d: {  	_ =	shalt  }
0x5e: {  	_ =	shalt  }
0x5f: {  	_ =	shalt  }
0x60: {  	_ =	shalt  }
0x61: {  	_ =	shalt  }
0x62: {  	_ =	shalt  }
0x63: {  	_ =	shalt  }
0x64: {  	_ =	shalt  }
0x65: {  	_ =	shalt  }
0x66: {  	_ =	shalt  }
0x67: {  	_ =	shalt  }
0x68: {  	_ =	shalt  }
0x69: {  	_ =	shalt  }
0x6a: {  	_ =	shalt  }
0x6b: {  	_ =	shalt  }
0x6c: {  	_ =	shalt  }
0x6d: {  	_ =	shalt  }
0x6e: {  	_ =	shalt  }
0x6f: {  	_ =	shalt  }
0x70: {  	_ =	shalt  }
0x71: {  	_ =	shalt  }
0x72: {  	_ =	shalt  }
0x73: {  	_ =	shalt  }
0x74: {  	_ =	shalt  }
0x75: {  	_ =	shalt  }
0x76: {  	_ =	shalt  }
0x77: {  	_ =	shalt  }
0x78: {  	_ =	shalt  }
0x79: {  	_ =	shalt  }
0x7a: {  	_ =	shalt  }
0x7b: {  	_ =	shalt  }
0x7c: {  	_ =	shalt  }
0x7d: {  	_ =	shalt  }
0x7e: {  	_ =	shalt  }
0x7f: {  	_ =	shalt  }
0x80: {  	_ =	shalt  }
0x81: {  	_ =	shalt  }
0x82: {  	_ =	shalt  }
0x83: {  	_ =	shalt  }
0x84: {  	_ =	shalt  }
0x85: {  	_ =	shalt  }
0x86: {  	_ =	shalt  }
0x87: {  	_ =	shalt  }
.Lfunc_end0:
.L_simem_size_0:
called_computation_lowered:
.L_overlay_start_0:
0x88: {  	s2 =	sld [smem:$0x3FD9]  }
0x89: {  	s3 =	sld [smem:$0x3FFE];
	_ =	sdelay $0x1  }
0x8a: {  	s1 =	srdreg.scid  }
0x8b: {  	s0 =	sand.u32 $0x1, s1  }
0x8c: {  	s17 =	sshll.u32 s0, $0xA;
	s2 =	sadd.s32 s3, s2  }
0x8d: {  	s2 =	sadd.s32 s2, s17  }
0x8e: {  	[smem:$0x3FC2] =	sst s2  }
0x8f: {  	_ = 	snop  }
0x90: {  	s2 =	sld [smem:$0x3FD0];
	(tm) =	ssettm $0x1  }
0x91: {  	s18 =	sld [smem:$0x3FFB];
	_ =	sdelay $0x3  }
0x92: {  	_ =	strace s18  }
0x93: {  	s3 =	sld [smem:$0x3FFC];
	_ =	sdelay $0x3  }
0x94: {  	_ =	strace s3  }
0x95: {  	s3 =	sld [smem:$0x3FFD];
	_ =	sdelay $0x3  }
0x96: {  	_ =	strace s3  }
0x97: {  	_ =	strace $0x8FFFFFFF  }
0x98: {  	s19 =	sld [smem:$0x3FDB];
	_ =	sdelay $0x1  }
0x99: {  	s4 =	simm.s32 $_scs_section_size  }
0x9a: {  	s5 =	simm.s32 $_size__tile_overlayer_lowered;
	s6 =	simm.s32 $_tile_overlayer_lowered  }
0x9b: {  	s22 =	simm.s32 $0x1BFF;
	s21 =	sshll.u32 s6, $0x1;
	s3 =	sadd.s32 s4, s19  }
0x9c: {  	s7 =	simm.s32 $0x0;
	s20 =	sshll.u32 s5, $0x1;
	s5 =	sadd.s32 s21, s3  }
0x9d: {  	[timem:s7], [sflag:s22] =	dma.local [hbm:s5], s20  }
0x9e: {  	_ =	swait.ge [sflag:s22], s20  }
0x9f: {  	s4 =	ssub.s32 $0x0, s20;
	[sflag:s22] =	ssyncset.done $0x0  }
0xa0: {  	[sflag:s22] =	ssyncadd.s32 s4;
	_ =	sdelay $0x1  }
0xa1: {  	s23 =	simm.s32 $0x1B8B  }
0xa2: {  	_ =	swait.ge [sflag:s23], $0x1  }
0xa3: {  	[sflag:s23] =	ssyncset.done $0x0  }
0xa4: {  	s25 =	simm.s32 $0x1B8E;
	s24 =	sld [smem:$0x3FFE];
	[sflag:s23] =	ssyncadd.s32 $0xFFFFFFFF  }
0xa5: {  	s26 =	simm.s32 $execute0_lowered;
	[smem:$0x3FD2] =	sst s25  }
0xa6: {  	s5 =	sshll.u32 s26, $0x1;
	_ =	strace $0x80000046;
	[dreg:$0x1] =	wrdreg $0xFFFFFFFF  }
0xa7: {  	s28 =	simm.s32 $_size_execute0_lowered;
	s3 =	sadd.s32 s3, s5;
	[dreg:$0x0] =	wrdreg $0x0  }
0xa8: {  	s5 =	sshll.u32 s28, $0x1;
	[dreg:$0x2] =	wrdreg s3  }
0xa9: {  	[dreg:$0x3] =	wrdreg s5  }
0xaa: {  	[dreg:$0x4] =	wrdreg $0xC0  }
0xab: {  	_ =	task [dreg:s7], $0x5FFFF  }
0xac: {  	[dreg:$0x1] =	wrdreg $0xFFFFFFFF  }
0xad: {  	[dreg:$0x0] =	wrdreg $0x60  }
0xae: {  	[dreg:$0x2] =	wrdreg s2  }
0xaf: {  	[dreg:$0x3] =	wrdreg s24  }
0xb0: {  	[dreg:$0x4] =	wrdreg $0x53000  }
0xb1: {  	[dreg:$0x5] =	wrdreg $0x55800  }
0xb2: {  	[dreg:$0x6] =	wrdreg $0x9  }
0xb3: {  	_ =	task.clear_ibuf [dreg:s7], $0x7FFFF;
	_ =	strace $0x90000046  }
0xb4: {  	s29 =	simm.s32 $0x9;
	_ =	strace $0x80000048  }
0xb5: {  	_ =	swait.ge [sflag:s29], $0x1  }
0xb6: {  	[sflag:s29] =	ssyncadd.s32 $0xFFFFFFFF  }
0xb7: {  	_ =	strace $0x90000048  }
0xb8: {  	_ =	sfence  }
0xb9: {  	s30 =	sld [smem:$0x0];
	_ =	sdelay $0x2  }
0xba: {  	s31 =	sshll.u32 s1, $0xD;
	s1 =	sshrl.u32 s1, $0x2  }
0xbb: {  	s3 =	sand.u32 $0x4000, s31;
	s1 =	sadd.s32 s1, s30  }
0xbc: {  	s0 =	sor.u32 s3, s0;
	s1 =	sshll.u32 s1, $0x11  }
0xbd: {  	s0 =	sor.u32 s1, s0  }
0xbe: {  	s0 =	sadd.s32 $0x8F2B, s0  }
0xbf: {  	[sflag:s0] =	ssyncadd.remote.s32 $0x1  }
0xc0: {  	_ =	sfence.sel $0xFFFF  }
0xc1: {  	[dreg:$0x0] =	wrdreg $0xFFFFFFFF;
	(pc) =	sbr.abs _section_cstart, $3  }
0xc2: {  	[dreg:$0x1] =	wrdreg $0xFFFFFFFF  }
0xc3: {  	_ =	task.clear_ibuf [dreg:s7], $0x2FFFF;
	_ =	strace $0x9FFFFFFF  }
0xc4: {  	(tm) =	ssettm $0x7FFFFFFF  }
0xc5: {  	_ =	shalt  }
tec
execute0_lowered:
.L_overlay_start_1:
0x0: {  	(tag) =	ssettag $0x1  }
0x1: {  	s7 =	rddreg [dreg:$0x0]  }
0x2: {  	s5 =	rddreg [dreg:$0x1]  }
0x3: {  	s1 =	rddreg [dreg:$0x2]  }
0x4: {  	s3 =	rddreg [dreg:$0x3];
	s2 =	srdreg.scid  }
0x5: {  	s0 =	rddreg [dreg:$0x4];
	s4 =	simm.s32 $0x0;
	s14 =	simm.s32 $0x2800  }
0x6: {  	s15 =	simm.s32 $0x80;
	s16 =	simm.s32 $0x5000;
	s17 =	simm.s32 $0x1  }
0x7: {  	s18 =	simm.s32 $0x2;
	s21 =	simm.s32 $0x20;
	s22 =	simm.s32 $0x10  }
0x8: {  	s23 =	simm.s32 $0x0;
	s6 =	sand.u32 $0x1, s2;
	s2 =	stileid.u32  }
0x9: {  	[smem:$0x7FF] =	sst s4;
	s8 =	smul.u32 $0x5000, s6;
	s9 =	sshll.u32 s6, $0x4  }
0xa: {  	s10 =	smul.u32 $0x500, s2;
	_ =	strace $0x80000047;
	s6 =	ssub.s32 $0x2, s6  }
0xb: {  	s30 =	smul.u32 $0x280, s2;
	s19 =	sshll.u32 s2, $0x6;
	s9 =	sor.u32 s2, s9  }
0xc: {  	s31 =	sshrl.u32 s6, $0x1;
	s9 =	smul.u32 $0x500, s9;
	s8 =	sadd.s32 s10, s8  }
0xd: {  	s19 =	sor.u32 $0x1C03, s19;
	s13 =	ssub.s32 s6, s31;
	s8 =	sshrl.u32 s8, $0x3  }
0xe: {  	s6 =	sadd.s32 s30, s3;
	s11 =	sadd.s32 s9, s5;
	s12 =	sadd.s32 s8, s5  }
0xf: {  	s5 =	sadd.s32 s30, s1;
	s7 =	sadd.s32 s7, s9;
	s8 =	sadd.s32 $0xB600, s11  }
0x10: {  	s9 =	sadd.s32 $0x15600, s12;
	s10 =	sadd.s32 $0x15610, s12;
	s11 =	smax.u32 s13, $0x1  }
0x11: {  	v0 =	vimm.f32 $0.0e+00;
	v1 =	vimm.f32 $1.000000000e+00;
	s12 =	simm.s32 $0x5080;
	s13 =	simm.s32 $0x3;
	s20 =	sshrl.u32 s5, $0x3  }
.LBB2_1:
0x12: {  	[tilespmem:$0x5080] =	vst v0  }
0x13: {  	[tilespmem:$0x5090] =	vst v0  }
0x14: {  	[tilespmem:$0x50A0] =	vst v0  }
0x15: {  	[tilespmem:$0x50B0] =	vst v0  }
0x16: {  	[tilespmem:$0x50C0] =	vst v0  }
0x17: {  	[tilespmem:$0x50D0] =	vst v0  }
0x18: {  	[tilespmem:$0x50E0] =	vst v0  }
0x19: {  	[tilespmem:$0x50F0] =	vst v0  }
0x1a: {  	[tilespmem:$0x5100] =	vst v0  }
0x1b: {  	[tilespmem:$0x5110] =	vst v0  }
0x1c: {  	[tilespmem:$0x5120] =	vst v0  }
0x1d: {  	[tilespmem:$0x5130] =	vst v0  }
0x1e: {  	[tilespmem:$0x5140] =	vst v0  }
0x1f: {  	[tilespmem:$0x5150] =	vst v0  }
0x20: {  	[tilespmem:$0x5160] =	vst v0  }
0x21: {  	[tilespmem:$0x5170] =	vst v0  }
0x22: {  	[tilespmem:$0x5180] =	vst v0  }
0x23: {  	[tilespmem:$0x5190] =	vst v0  }
0x24: {  	[tilespmem:$0x51A0] =	vst v0  }
0x25: {  	[tilespmem:$0x51B0] =	vst v0  }
0x26: {  	[tilespmem:$0x51C0] =	vst v0  }
0x27: {  	[tilespmem:$0x51D0] =	vst v0  }
0x28: {  	[tilespmem:$0x51E0] =	vst v0  }
0x29: {  	[tilespmem:$0x51F0] =	vst v0  }
0x2a: {  	[tilespmem:$0x5200] =	vst v0  }
0x2b: {  	[tilespmem:$0x5210] =	vst v0  }
0x2c: {  	[tilespmem:$0x5220] =	vst v0  }
0x2d: {  	[tilespmem:$0x5230] =	vst v0  }
0x2e: {  	[tilespmem:$0x5240] =	vst v0  }
0x2f: {  	[tilespmem:$0x5250] =	vst v0  }
0x30: {  	[tilespmem:$0x5260] =	vst v0  }
0x31: {  	[tilespmem:$0x5270] =	vst v0  }
0x32: {  	[tilespmem:$0x5280] =	vst v0  }
0x33: {  	[tilespmem:$0x5290] =	vst v0  }
0x34: {  	[tilespmem:$0x52A0] =	vst v0  }
0x35: {  	[tilespmem:$0x52B0] =	vst v0  }
0x36: {  	[tilespmem:$0x52C0] =	vst v0  }
0x37: {  	[tilespmem:$0x52D0] =	vst v0  }
0x38: {  	[tilespmem:$0x52E0] =	vst v0  }
0x39: {  	[tilespmem:$0x52F0] =	vst v0  }
0x3a: {  	[tilespmem:$0x5000] =	vst v1  }
0x3b: {  	[tilespmem:$0x5010] =	vst v1  }
0x3c: {  	[tilespmem:$0x5020] =	vst v1  }
0x3d: {  	[tilespmem:$0x5030] =	vst v1  }
0x3e: {  	[tilespmem:$0x5040] =	vst v1  }
0x3f: {  	[tilespmem:$0x5050] =	vst v1  }
0x40: {  	[tilespmem:$0x5060] =	vst v1  }
0x41: {  	[tilespmem:$0x5070] =	vst v1  }
0x42: {  	[spmem:s5] =	stream.linear.scatter [tilespmem:s12], [sflag:$0x3], $0x280, $0x38;
	[tilespmem:$0x5800] =	vst v63  }
0x43: {  	_ =	swait.ge [sflag:s13], $0x280  }
0x44: {  	[sflag:s13] =	ssyncset.done $0x0  }
0x45: {  	[sflag:s13] =	ssyncadd.s32 $0xFFFFFD80  }
0x46: {  	[spmem:s6] =	stream.linear.scatter [tilespmem:s12], [sflag:$0x3], $0x280, $0x38;
	[tilespmem:$0x5800] =	vst v63  }
0x47: {  	_ =	swait.ge [sflag:s13], $0x280  }
0x48: {  	[sflag:s13] =	ssyncset.done $0x0  }
0x49: {  	[sflag:s13] =	ssyncadd.s32 $0xFFFFFD80  }
0x4a: {  	[bflag:$0x0] =	sbarrier.arrive $0xFFFF  }
0x4b: {  	[tilespmem:s4], [sflag:$0x3] =	stream.linear.gather [hbm4b:s7+s4], $0x2800, $0x38;
	[tilespmem:$0x5800] =	vst v63  }
0x4c: {  	_ =	swait.ge [sflag:s13], $0x2800  }
0x4d: {  	[sflag:s13] =	ssyncset.done $0x0  }
0x4e: {  	[sflag:s13] =	ssyncadd.s32 $0xFFFFD800  }
0x4f: {  	[tilespmem:s14], [sflag:$0x3] =	stream.linear.gather [hbm4b:s8+s4], $0x2800, $0x38;
	[tilespmem:$0x5800] =	vst v63  }
0x50: {  	_ =	swait.ge [sflag:s13], $0x2800  }
0x51: {  	[sflag:s13] =	ssyncset.done $0x0  }
0x52: {  	[sflag:s13] =	ssyncadd.s32 $0xFFFFD800  }
0x53: {  	[spmem:s1] =	stream.indirect.scatter.add.f32 [tilespmem:s16], [sflag:$0x1], $0x1, s4, s15, $0xb8;
	[tilespmem:$0x5800] =	vst v63  }
0x54: {  	_ = 	snop  }
0x55: {  	[spmem:s3] =	stream.indirect.scatter.add.f32 [tilespmem:s16], [sflag:$0x2], $0x1, s14, s15, $0xb8;
	[tilespmem:$0x5800] =	vst v63  }
0x56: {  	s24 =	simm.s32 $0x80  }
0x57: {  	[spmem:s1] =	stream.indirect.scatter.add.f32 [tilespmem:s16], [sflag:$0x1], $0x1, s24, s15, $0xb8;
	[tilespmem:$0x5800] =	vst v63  }
0x58: {  	s31 =	simm.s32 $0x2880  }
0x59: {  	[spmem:s3] =	stream.indirect.scatter.add.f32 [tilespmem:s16], [sflag:$0x2], $0x1, s31, s15, $0xb8;
	[tilespmem:$0x5800] =	vst v63  }
0x5a: {  	_ =	swait.ge [sflag:s17], $0x80  }
0x5b: {  	[sflag:s17] =	ssyncset.done $0x0  }
0x5c: {  	[sflag:s17] =	ssyncadd.s32 $0xFFFFFF80  }
0x5d: {  	_ =	swait.ge [sflag:s18], $0x80  }
0x5e: {  	s25 =	simm.s32 $0x600;
	s24 =	simm.s32 $0x400;
	[sflag:s18] =	ssyncset.done $0x0  }
.LBB2_2:
0x5f: {  	s26 =	sshra.s32 s24, $0x2  }
0x60: {  	[sflag:s18] =	ssyncadd.s32 $0xFFFFFF80;
	s24 =	smov.u32 s25;
	s28 =	sadd.s32 $0x200, s25  }
0x61: {  	[spmem:s1] =	stream.indirect.scatter.add.f32 [tilespmem:s16], [sflag:$0x1], $0x1, s26, s15, $0xb8;
	[tilespmem:$0x5800] =	vst v63  }
0x62: {  	p0 =	sne.s32 s25, $0x9E00;
	s25 =	sadd.s32 $0x2800, s26  }
0x63: {  	[spmem:s3] =	stream.indirect.scatter.add.f32 [tilespmem:s16], [sflag:$0x2], $0x1, s25, s15, $0xb8;
	[tilespmem:$0x5800] =	vst v63  }
.Ltmp0:
0x64: {  	_ =	swait.ge [sflag:s17], $0x80;
	(pc) =	sbr.rel @p0 .LBB2_2-.Ltmp0, $4  }
0x65: {  	[sflag:s17] =	ssyncset.done $0x0  }
0x66: {  	[sflag:s17] =	ssyncadd.s32 $0xFFFFFF80  }
0x67: {  	_ =	swait.ge [sflag:s18], $0x80  }
0x68: {  	s25 =	smov.u32 s28;
	[sflag:s18] =	ssyncset.done $0x0  }
0x69: {  	s24 =	sshra.s32 s24, $0x2;
	[sflag:s18] =	ssyncadd.s32 $0xFFFFFF80  }
0x6a: {  	[spmem:s1] =	stream.indirect.scatter.add.f32 [tilespmem:s16], [sflag:$0x1], $0x1, s24, s15, $0xb8;
	[tilespmem:$0x5800] =	vst v63  }
0x6b: {  	s24 =	sadd.s32 $0x2800, s24  }
0x6c: {  	[spmem:s3] =	stream.indirect.scatter.add.f32 [tilespmem:s16], [sflag:$0x2], $0x1, s24, s15, $0xb8;
	[tilespmem:$0x5800] =	vst v63  }
0x6d: {  	_ =	swait.ge [sflag:s17], $0x80  }
0x6e: {  	[sflag:s17] =	ssyncset.done $0x0  }
0x6f: {  	[sflag:s17] =	ssyncadd.s32 $0xFFFFFF80  }
0x70: {  	_ =	swait.ge [sflag:s18], $0x80  }
0x71: {  	[sflag:s18] =	ssyncset.done $0x0  }
0x72: {  	[sflag:s18] =	ssyncadd.s32 $0xFFFFFF80  }
0x73: {  	_ =	swait.ge [sflag:s17], $0x80  }
0x74: {  	[sflag:s17] =	ssyncset.done $0x0  }
0x75: {  	[sflag:s17] =	ssyncadd.s32 $0xFFFFFF80  }
0x76: {  	_ =	swait.ge [sflag:s18], $0x80  }
0x77: {  	[sflag:s18] =	ssyncset.done $0x0  }
0x78: {  	[sflag:s18] =	ssyncadd.s32 $0xFFFFFF80  }
0x79: {  	[bflag:$0x0] =	sbarrier.arrive $0xFFFF  }
0x7a: {  	[hbm:s9@s21], [sflag:s19] =	dma.strided [spmem:s20@s22], $0x50, s17, $0x10   }
0x7b: {  	s23 =	sadd.s32 $0x1, s23;
	_ =	swait.ge [sflag:s13], $0x50  }
0x7c: {  	p0 =	sne.s32 s23, s11;
	[sflag:s13] =	ssyncset.done $0x0  }
.Ltmp1:
0x7d: {  	s31 =	sshrl.u32 s6, $0x3;
	[sflag:s13] =	ssyncadd.s32 $0xFFFFFFB0;
	(pc) =	sbr.rel @p0 .LBB2_1-.Ltmp1, $4  }
0x7e: {  	[hbm:s10@s21], [sflag:s19] =	dma.strided [spmem:s31@s22], $0x50, s17, $0x10   }
0x7f: {  	_ =	swait.ge [sflag:s13], $0x50  }
0x80: {  	[sflag:s13] =	ssyncset.done $0x0  }
0x81: {  	[sflag:s13] =	ssyncadd.s32 $0xFFFFFFB0  }
0x82: {  	_ =	sfence.sel $0x180000  }
0x83: {  	[bflag:$0x0] =	sbarrier.arrive $0xFFFF  }
0x84: {  	p0 =	sne.s32 s2, $0x0;
	_ =	strace $0x90000047  }
0x85: {  	s0 =	sadd.s32 @!p0 $0x100000, s0;
	[bflag:$0x2] =	sbarrier.arrive $0xFFFF  }
0x86: {  	[sflag:s0] =	ssyncadd.tile.s32 @!p0 $0x1;
	_ =	shalt  }
.Lfunc_end2:
_tile_overlayer_lowered:
.L_overlay_start_2:
0x87: {  	(tag) =	ssettag $0x2  }
0x88: {  	s0 =	rddreg [dreg:$0x0];
	s2 =	stileid.u32  }
0x89: {  	s1 =	rddreg [dreg:$0x1];
	p0 =	sne.s32 s2, $0x0  }
0x8a: {  	s3 =	rddreg [dreg:$0x2];
	[bflag:$0x3] =	sbarrier.arrive $0xFFFF;
	s2 =	simm.s32 @!p0 $0x1C03  }
0x8b: {  	[timem:s3], [sflag:s2] =	dma.local @!p0 [hbm:s0], s1  }
0x8c: {  	s0 =	simm.s32 @!p0 $0x3  }
0x8d: {  	_ =	swait.ge @!p0 [sflag:s0], s1  }
0x8e: {  	s1 =	ssub.s32 @!p0 $0x0, s1;
	[sflag:s0] =	ssyncset.done @!p0 $0x0  }
0x8f: {  	[sflag:s0] =	ssyncadd.s32 @!p0 s1  }
0x90: {  	[bflag:$0x3] =	sbarrier.arrive $0xFFFF  }
0x91: {  	_ =	shalt  }

</sc_bundles>
